<compile_context>
chip_gen: v7x
topology: tpu7x:2x2x1
jax: 0.10.2.dev20260603
libtpu: 0.0.44.dev20260713+nightly
codegen_flags: <defaults>
</compile_context>

<pallas_src>
import functools

import jax
import jax.numpy as jnp
from jax import lax
from jax.experimental import pallas as pl
from jax.experimental.pallas import tpu as pltpu
from jax.experimental.pallas import tpu_sc as plsc

N = 6400000
C1 = 100000
C2 = 50000
NT = 32
W1 = 3136
W2 = 1568
CH = 8192
L = 16
POS_INF = float("inf")
NEG_INF = float("-inf")

_mesh = lambda: plsc.VectorSubcoreMesh(core_axis_name="c", subcore_axis_name="s")


def _take(v, idx):
    return v.at[idx].get(mode="promise_in_bounds")


def _wid():
    return lax.axis_index("s") * 2 + lax.axis_index("c")


def _stats_body(x_hbm, lab1_hbm, lab2_hbm, sz1_hbm, sz2_hbm, st1_hbm, st2_hbm,
                out1_hbm, out2c_hbm,
                tab_s, tab_mn, tab_mx, rowbuf, wbuf, szbuf, stbuf, xbuf, labbuf):
    wid = _wid()
    i16 = lax.iota(jnp.int32, L)

    def run_job(lab_hbm, sz_hbm, st_hbm, W, interleave):
        lo = pl.multiple_of(wid * W, L)
        pltpu.sync_copy(st_hbm, stbuf)
        st_vec = stbuf[pl.ds(wid, L)]
        st = st_vec[0]
        en = st_vec[1]

        def init_body(i, _):
            o = i * L
            tab_s[pl.ds(o, L)] = jnp.zeros((L,), jnp.float32)
            tab_mn[pl.ds(o, L)] = jnp.full((L,), POS_INF, jnp.float32)
            tab_mx[pl.ds(o, L)] = jnp.full((L,), NEG_INF, jnp.float32)
            return 0

        lax.fori_loop(0, W // L, init_body, 0)

        s0 = st & ~(L - 1)
        nch = (en - s0 + (CH - 1)) // CH

        def flush(cur_lab, a_s, a_mn, a_mx):
            fidx = jnp.broadcast_to(jnp.clip(cur_lab - lo, 0, W - 1), (L,))
            fm = (i16 == 0) & (cur_lab >= lo) & (cur_lab < lo + W)
            cs = plsc.load_gather(tab_s, [fidx], mask=fm)
            plsc.store_scatter(tab_s, [fidx], cs + jnp.sum(a_s), mask=fm)
            cn = plsc.load_gather(tab_mn, [fidx], mask=fm)
            plsc.store_scatter(tab_mn, [fidx], jnp.minimum(cn, jnp.min(a_mn)), mask=fm)
            cx = plsc.load_gather(tab_mx, [fidx], mask=fm)
            plsc.store_scatter(tab_mx, [fidx], jnp.maximum(cx, jnp.max(a_mx)), mask=fm)

        def chunk_body(k, carry):
            logical = s0 + k * CH
            phys = pl.multiple_of(jnp.minimum(logical, N - CH), L)
            pltpu.sync_copy(x_hbm.at[pl.ds(phys, CH)], xbuf)
            pltpu.sync_copy(lab_hbm.at[pl.ds(phys, CH)], labbuf)
            glo = jnp.maximum(st, logical)

            def vec_body(i, carry):
                cur_lab, a_s, a_mn, a_mx = carry
                o = i * L
                lab = labbuf[pl.ds(o, L)]
                x = xbuf[pl.ds(o, L)]
                lab0 = lab[0]
                lab15 = lab[15]
                b0 = phys + o
                allv = (b0 >= glo) & (b0 + (L - 1) < en)
                fast = allv & (lab0 == lab15) & (lab0 == cur_lab)

                def fast_fn(carry):
                    cur_lab, a_s, a_mn, a_mx = carry
                    return (cur_lab, a_s + x, jnp.minimum(a_mn, x),
                            jnp.maximum(a_mx, x))

                def slow_fn(carry):
                    cur_lab, a_s, a_mn, a_mx = carry
                    flush(cur_lab, a_s, a_mn, a_mx)
                    gidx = b0 + i16
                    valid = (gidx >= glo) & (gidx < en)
                    vs = jnp.where(valid, x, 0.0)
                    vmn = jnp.where(valid, x, POS_INF)
                    vmx = jnp.where(valid, x, NEG_INF)
                    for d in (1, 2, 4, 8):
                        idxd = jnp.maximum(i16 - d, 0)
                        glab = _take(lab, idxd)
                        keep = (glab == lab) & (i16 >= d)
                        vs = vs + jnp.where(keep, _take(vs, idxd), 0.0)
                        vmn = jnp.minimum(vmn, jnp.where(keep, _take(vmn, idxd), POS_INF))
                        vmx = jnp.maximum(vmx, jnp.where(keep, _take(vmx, idxd), NEG_INF))
                    nxt = _take(lab, jnp.minimum(i16 + 1, L - 1))
                    is_last = (lab != nxt) | (i16 == L - 1)
                    m = is_last & valid
                    rel = jnp.clip(lab - lo, 0, W - 1)
                    cs = plsc.load_gather(tab_s, [rel], mask=m)
                    plsc.store_scatter(tab_s, [rel], cs + vs, mask=m)
                    cn = plsc.load_gather(tab_mn, [rel], mask=m)
                    plsc.store_scatter(tab_mn, [rel], jnp.minimum(cn, vmn), mask=m)
                    cx = plsc.load_gather(tab_mx, [rel], mask=m)
                    plsc.store_scatter(tab_mx, [rel], jnp.maximum(cx, vmx), mask=m)
                    zf = jnp.zeros((L,), jnp.float32)
                    return (lab15, zf, zf + POS_INF, zf + NEG_INF)

                return lax.cond(fast, fast_fn, slow_fn, carry)

            return lax.fori_loop(0, CH // L, vec_body, carry)

        zf0 = jnp.zeros((L,), jnp.float32)
        carry0 = (jnp.int32(-1), zf0, zf0 + POS_INF, zf0 + NEG_INF)
        cur_lab, a_s, a_mn, a_mx = lax.fori_loop(0, nch, chunk_body, carry0)
        flush(cur_lab, a_s, a_mn, a_mx)

        pltpu.sync_copy(sz_hbm.at[pl.ds(lo, W)], szbuf.at[pl.ds(0, W)])

        def fin_body(r, _):
            o = r * L
            sv = tab_s[pl.ds(o, L)]
            mnv = tab_mn[pl.ds(o, L)]
            mxv = tab_mx[pl.ds(o, L)]
            szv = szbuf[pl.ds(o, L)]
            wv = jnp.exp(-szv.astype(jnp.float32)) - 0.5
            if interleave:
                cols = o * 4 + 4 * i16
                plsc.store_scatter(rowbuf, [cols], sv)
                plsc.store_scatter(rowbuf, [cols + 1], mnv)
                plsc.store_scatter(rowbuf, [cols + 2], mxv)
                plsc.store_scatter(rowbuf, [cols + 3], wv)
            else:
                wbuf[pl.ds(o, L)] = wv
            return 0

        lax.fori_loop(0, W // L, fin_body, 0)

        if interleave:
            o1 = pl.multiple_of(wid * (W1 * 4), L)
            pltpu.sync_copy(rowbuf, out1_hbm.at[pl.ds(o1, W1 * 4)])
        else:
            for ci, src_ref in enumerate((tab_s, tab_mn, tab_mx, wbuf)):
                oc = pl.multiple_of(ci * (NT * W2) + lo, L)
                pltpu.sync_copy(src_ref.at[pl.ds(0, W)], out2c_hbm.at[pl.ds(oc, W)])

    run_job(lab1_hbm, sz1_hbm, st1_hbm, W1, True)
    run_job(lab2_hbm, sz2_hbm, st2_hbm, W2, False)


_stats_call = functools.partial(
    pl.kernel,
    out_type=(
        jax.ShapeDtypeStruct((NT * W1 * 4,), jnp.float32),
        jax.ShapeDtypeStruct((4 * NT * W2,), jnp.float32),
    ),
    mesh=_mesh(),
    compiler_params=pltpu.CompilerParams(needs_layout_passes=False),
    scratch_types=[
        pltpu.VMEM((W1,), jnp.float32),
        pltpu.VMEM((W1,), jnp.float32),
        pltpu.VMEM((W1,), jnp.float32),
        pltpu.VMEM((W1 * 4,), jnp.float32),
        pltpu.VMEM((W2,), jnp.float32),
        pltpu.VMEM((W1,), jnp.int32),
        pltpu.VMEM((48,), jnp.int32),
        pltpu.VMEM((CH,), jnp.float32),
        pltpu.VMEM((CH,), jnp.int32),
    ],
)(_stats_body)


def _gather_body(cols_hbm, bu_hbm, bv_hbm, outu_hbm, outv_hbm,
                 colbuf, bbuf, uidx, vidx, urows, vrows):
    wid = _wid()
    i16 = lax.iota(jnp.int32, L)
    base = pl.multiple_of(wid * W1, L)

    def fill(idxbuf):
        def body(j, _):
            o = j * L
            b = bbuf[pl.ds(o, L)]
            u = b - 1
            u = jnp.where(u < 0, u + C2, u)
            u = jnp.clip(u, 0, C2 - 1)
            idxbuf[pl.ds(o, L)] = u
            return 0

        lax.fori_loop(0, W1 // L, body, 0)

    pltpu.sync_copy(bu_hbm.at[pl.ds(base, W1)], bbuf)
    fill(uidx)
    pltpu.sync_copy(bv_hbm.at[pl.ds(base, W1)], bbuf)
    fill(vidx)

    for c in range(4):
        pltpu.sync_copy(cols_hbm.at[pl.ds(c * (NT * W2), NT * W2)], colbuf)

        def gbody(j, _):
            o = j * L
            tgt = o * 4 + 4 * i16 + c
            gu = plsc.load_gather(colbuf, [uidx[pl.ds(o, L)]])
            plsc.store_scatter(urows, [tgt], gu)
            gv = plsc.load_gather(colbuf, [vidx[pl.ds(o, L)]])
            plsc.store_scatter(vrows, [tgt], gv)
            return 0

        lax.fori_loop(0, W1 // L, gbody, 0)

    ob = pl.multiple_of(wid * (W1 * 4), L)
    pltpu.sync_copy(urows, outu_hbm.at[pl.ds(ob, W1 * 4)])
    pltpu.sync_copy(vrows, outv_hbm.at[pl.ds(ob, W1 * 4)])


_gather_call = functools.partial(
    pl.kernel,
    out_type=(
        jax.ShapeDtypeStruct((NT * W1 * 4,), jnp.float32),
        jax.ShapeDtypeStruct((NT * W1 * 4,), jnp.float32),
    ),
    mesh=_mesh(),
    compiler_params=pltpu.CompilerParams(needs_layout_passes=False),
    scratch_types=[
        pltpu.VMEM((NT * W2,), jnp.float32),
        pltpu.VMEM((W1,), jnp.int32),
        pltpu.VMEM((W1,), jnp.int32),
        pltpu.VMEM((W1,), jnp.int32),
        pltpu.VMEM((W1 * 4,), jnp.float32),
        pltpu.VMEM((W1 * 4,), jnp.float32),
    ],
)(_gather_body)


def kernel(input, cell_1_mask, cell_2_mask, cell_1_bounds, cell_1_sizes, cell_2_sizes):
    q1 = jnp.arange(NT + 1, dtype=jnp.int32) * W1
    q2 = jnp.arange(NT + 1, dtype=jnp.int32) * W2
    st1 = jnp.pad(jnp.searchsorted(cell_1_mask, q1, side="left").astype(jnp.int32), (0, 15))
    st2 = jnp.pad(jnp.searchsorted(cell_2_mask, q2, side="left").astype(jnp.int32), (0, 15))
    sz1 = jnp.pad(cell_1_sizes, (0, NT * W1 - C1))
    sz2 = jnp.pad(cell_2_sizes, (0, NT * W2 - C2))
    out1, out2c = _stats_call(input, cell_1_mask, cell_2_mask, sz1, sz2, st1, st2)
    cell_1_stats = out1.reshape(NT * W1, 4)[:C1]
    bu = jnp.pad(cell_1_bounds[:, 0], (0, NT * W1 - C1))
    bv = jnp.pad(cell_1_bounds[:, 1], (0, NT * W1 - C1))
    su, sv = _gather_call(out2c, bu, bv)
    stats_u = su.reshape(NT * W1, 4)[:C1]
    stats_v = sv.reshape(NT * W1, 4)[:C1]
    return (cell_1_stats, stats_u, stats_v)

# --- scband reference (transcript-rebuilt; emitter-appended) ---
"""Pipeline reference for scband-cell1-acc-module-9732395893066 (READ-ONLY COPY).

The authoritative reference and input builder live on the scoring server;
editing this copy changes nothing except your own understanding.
"""

import jax, jax.numpy as jnp
import numpy as np

N = 6400000
C1 = 100000
C2 = 50000

def setup_inputs(seed: int = 0) -> dict:
    key = jax.random.key(seed)
    k1, k2, k3, k4, k5, k6 = jax.random.split(key, 6)
    inp = {}
    inp["input"] = jax.random.normal(k1, (N,), dtype=jnp.float32)
    inp["cell_1_mask"] = jnp.sort(jax.random.randint(k2, (N,), 0, C1, dtype=jnp.int32))
    inp["cell_2_mask"] = jnp.sort(jax.random.randint(k3, (N,), 0, C2, dtype=jnp.int32))
    inp["cell_1_bounds"] = jax.random.randint(k4, (C1, 2), 0, C2, dtype=jnp.int32)
    inp["cell_1_sizes"] = jax.random.randint(k5, (C1,), 0, 64, dtype=jnp.int32)
    inp["cell_2_sizes"] = jax.random.randint(k6, (C2,), 0, 128, dtype=jnp.int32)
    return inp

def _label_stats(x, labels, count):
    # per-label statistics: [sum, min, max] per label (whereminmax -> argmin/argmax saved for bwd)
    s = jax.ops.segment_sum(x, labels, num_segments=count)
    mn = jax.ops.segment_min(x, labels, num_segments=count)
    mx = jax.ops.segment_max(x, labels, num_segments=count)
    return jnp.stack([s, mn, mx], axis=1)

def reference(input, cell_1_mask, cell_2_mask, cell_1_bounds, cell_1_sizes, cell_2_sizes):
    c1 = cell_1_sizes.shape[0]
    c2 = cell_2_sizes.shape[0]
    cell_1_stats = _label_stats(input, cell_1_mask, c1).reshape(c1, -1)
    cell_2_stats = _label_stats(input, cell_2_mask, c2).reshape(c2, -1)
    s1 = jnp.exp(-1.0 * cell_1_sizes.astype(jnp.float32)) - 0.5
    s2 = jnp.exp(-1.0 * cell_2_sizes.astype(jnp.float32)) - 0.5
    cell_1_stats = jnp.concatenate([cell_1_stats, s1[:, None]], axis=1)
    cell_2_stats = jnp.concatenate([cell_2_stats, s2[:, None]], axis=1)
    bounds = cell_1_bounds.astype(jnp.int64)
    u = bounds[:, 0] - 1
    v = bounds[:, 1] - 1
    stats_u = cell_2_stats[u, :]
    stats_v = cell_2_stats[v, :]
    return (cell_1_stats, stats_u, stats_v)

if __name__ == "__main__":
    import jax
    _d = setup_inputs()
    print(jax.jit(kernel)(*tuple(_d.values())))

</pallas_src>

<mosaic_0001>
#map = affine_map<(d0, d1) -> (0)>
module attributes {stable_mosaic.version = 14 : i64} {
  func.func @_stats_body(%arg0: i32, %arg1: i32, %arg2: memref<6400000xf32, #tpu.memory_space<hbm>>, %arg3: memref<6400000xi32, #tpu.memory_space<hbm>>, %arg4: memref<6400000xi32, #tpu.memory_space<hbm>>, %arg5: memref<100352xi32, #tpu.memory_space<hbm>>, %arg6: memref<50176xi32, #tpu.memory_space<hbm>>, %arg7: memref<48xi32, #tpu.memory_space<hbm>>, %arg8: memref<48xi32, #tpu.memory_space<hbm>>, %arg9: memref<401408xf32, #tpu.memory_space<hbm>>, %arg10: memref<200704xf32, #tpu.memory_space<hbm>>, %arg11: memref<3136xf32, #tpu.memory_space<vmem>>, %arg12: memref<3136xf32, #tpu.memory_space<vmem>>, %arg13: memref<3136xf32, #tpu.memory_space<vmem>>, %arg14: memref<12544xf32, #tpu.memory_space<vmem>>, %arg15: memref<1568xf32, #tpu.memory_space<vmem>>, %arg16: memref<3136xi32, #tpu.memory_space<vmem>>, %arg17: memref<48xi32, #tpu.memory_space<vmem>>, %arg18: memref<8192xf32, #tpu.memory_space<vmem>>, %arg19: memref<8192xi32, #tpu.memory_space<vmem>>) attributes {dimension_semantics = [#tpu.dimension_semantics<core_parallel>, #tpu.dimension_semantics<subcore_parallel>], iteration_bounds = array<i64: 2, 16>, scalar_prefetch = 0 : i64, scratch_operands = 9 : i64, tpu.core_type = #tpu.core_type<sc_vector_subcore>, window_params = [{transform_indices = #map}, {transform_indices = #map}, {transform_indices = #map}, {transform_indices = #map}, {transform_indices = #map}, {transform_indices = #map}, {transform_indices = #map}, {transform_indices = #map}, {transform_indices = #map}]} {
    %mul3A = arith.constant 2 : i32
    %mul3A_0 = arith.muli %arg1, %mul3A : i32
    %add3A = arith.addi %mul3A_0, %arg0 : i32
    %iota3A = tpu.iota {dimensions = array<i32: 0>} : vector<16xi32>
    %mul3A_1 = arith.constant 3136 : i32
    %mul3A_2 = arith.muli %add3A, %mul3A_1 : i32
    %multiple_of3A = tpu.assume_multiple %mul3A_2, 16 : i32
    "tpu.region"() ({
      %run_scoped3A = tpu.sem_alloc : memref<!tpu.dma_semaphore, #tpu.memory_space<semaphore_mem>>
      tpu.enqueue_dma source(%arg7 : memref<48xi32, #tpu.memory_space<hbm>>) target(%arg17 : memref<48xi32, #tpu.memory_space<vmem>>) target_semaphore(%run_scoped3A : memref<!tpu.dma_semaphore, #tpu.memory_space<semaphore_mem>>)
      tpu.wait_dma2 semaphore(%run_scoped3A : memref<!tpu.dma_semaphore, #tpu.memory_space<semaphore_mem>>) src(%arg7 : memref<48xi32, #tpu.memory_space<hbm>>) dst(%arg17 : memref<48xi32, #tpu.memory_space<vmem>>)
      tpu.yield
    }) : () -> ()
    %get3A = arith.index_cast %add3A : i32 to index
    %get3A_3 = tpu.vector_load %arg17[%get3A] {strides = array<i32>} : memref<48xi32, #tpu.memory_space<vmem>>, vector<16xi32>,
    %slice3A = vector.extract_strided_slice %get3A_3 {offsets = [0], sizes = [1], strides = [1]} : vector<16xi32> to vector<1xi32>
    %squeeze3A = vector.extract %slice3A[0] : i32 from vector<1xi32>
    %slice3A_4 = vector.extract_strided_slice %get3A_3 {offsets = [1], sizes = [1], strides = [1]} : vector<16xi32> to vector<1xi32>
    %squeeze3A_5 = vector.extract %slice3A_4[0] : i32 from vector<1xi32>
    %scan3A = arith.constant 0 : i32
    %scan3A_6 = arith.constant 0 : i32
    %scan3A_7 = arith.constant 196 : i32
    %scan3A_8 = arith.addi %scan3A_6, %scan3A_7 : i32
    %scan3A_9 = arith.constant 1 : i32
    %scan3A_10 = scf.for %scan3A_212 = %scan3A_6 to %scan3A_8 step %scan3A_9 iter_args(%scan3A_213 = %scan3A) -> (i32)  : i32 {
      %mul3A_214 = arith.constant 16 : i32
      %mul3A_215 = arith.muli %scan3A_212, %mul3A_214 : i32
      %broadcast_in_dim3A_216 = arith.constant 0.000000e+00 : f32
      %broadcast_in_dim3A_217 = vector.broadcast %broadcast_in_dim3A_216 : f32 to vector<16xf32>
      %swap3A = arith.index_cast %mul3A_215 : i32 to index
      %swap3A_218 = tpu.vector_load %arg11[%swap3A] {strides = array<i32>} : memref<3136xf32, #tpu.memory_space<vmem>>, vector<16xf32>,
      tpu.vector_store %arg11[%swap3A], %broadcast_in_dim3A_217 {strides = array<i32>} : memref<3136xf32, #tpu.memory_space<vmem>>, vector<16xf32>,
      %broadcast_in_dim3A_219 = arith.constant 0x7F800000 : f32
      %broadcast_in_dim3A_220 = vector.broadcast %broadcast_in_dim3A_219 : f32 to vector<16xf32>
      %swap3A_221 = arith.index_cast %mul3A_215 : i32 to index
      %swap3A_222 = tpu.vector_load %arg12[%swap3A_221] {strides = array<i32>} : memref<3136xf32, #tpu.memory_space<vmem>>, vector<16xf32>,
      tpu.vector_store %arg12[%swap3A_221], %broadcast_in_dim3A_220 {strides = array<i32>} : memref<3136xf32, #tpu.memory_space<vmem>>, vector<16xf32>,
      %broadcast_in_dim3A_223 = arith.constant 0xFF800000 : f32
      %broadcast_in_dim3A_224 = vector.broadcast %broadcast_in_dim3A_223 : f32 to vector<16xf32>
      %swap3A_225 = arith.index_cast %mul3A_215 : i32 to index
      %swap3A_226 = tpu.vector_load %arg13[%swap3A_225] {strides = array<i32>} : memref<3136xf32, #tpu.memory_space<vmem>>, vector<16xf32>,
      tpu.vector_store %arg13[%swap3A_225], %broadcast_in_dim3A_224 {strides = array<i32>} : memref<3136xf32, #tpu.memory_space<vmem>>, vector<16xf32>,
      %scan3A_227 = arith.constant 0 : i32
      scf.yield %scan3A_227 : i32
    }
    %scan3A_11 = arith.constant 196 : i32
    %and3A = arith.constant -16 : i32
    %and3A_12 = arith.andi %squeeze3A, %and3A : i32
    %sub3A = arith.subi %squeeze3A_5, %and3A_12 : i32
    %add3A_13 = arith.constant 8191 : i32
    %add3A_14 = arith.addi %sub3A, %add3A_13 : i32
    %jit3A = arith.constant 8192 : i32
    %div3A = arith.divsi %add3A_14, %jit3A : i32
    %sign3A = arith.constant 0 : i32
    %sign3A_15 = arith.cmpi sgt, %add3A_14, %sign3A : i32
    %sign3A_16 = arith.extui %sign3A_15 : i1 to i32
    %sign3A_17 = arith.constant 0 : i32
    %sign3A_18 = arith.cmpi slt, %add3A_14, %sign3A_17 : i32
    %sign3A_19 = arith.extui %sign3A_18 : i1 to i32
    %sign3A_20 = arith.subi %sign3A_16, %sign3A_19 : i32
    %sign3A_21 = arith.constant 0 : i32
    %sign3A_22 = arith.cmpi sgt, %jit3A, %sign3A_21 : i32
    %sign3A_23 = arith.extui %sign3A_22 : i1 to i32
    %sign3A_24 = arith.constant 0 : i32
    %sign3A_25 = arith.cmpi slt, %jit3A, %sign3A_24 : i32
    %sign3A_26 = arith.extui %sign3A_25 : i1 to i32
    %sign3A_27 = arith.subi %sign3A_23, %sign3A_26 : i32
    %ne3A = arith.cmpi ne, %sign3A_20, %sign3A_27 : i32
    %rem3A = arith.remsi %add3A_14, %jit3A : i32
    %ne3A_28 = arith.constant 0 : i32
    %ne3A_29 = arith.cmpi ne, %rem3A, %ne3A_28 : i32
    %and3A_30 = arith.andi %ne3A, %ne3A_29 : i1
    %sub3A_31 = arith.constant 1 : i32
    %sub3A_32 = arith.subi %div3A, %sub3A_31 : i32
    %select_n3A = arith.select %and3A_30, %sub3A_32, %div3A : i32
    %broadcast_in_dim3A = arith.constant 0.000000e+00 : f32
    %broadcast_in_dim3A_33 = vector.broadcast %broadcast_in_dim3A : f32 to vector<16xf32>
    %add3A_34 = arith.constant 0x7F800000 : f32
    %add3A_35 = vector.broadcast %add3A_34 : f32 to vector<16xf32>
    %add3A_36 = arith.addf %broadcast_in_dim3A_33, %add3A_35 : vector<16xf32>
    %add3A_37 = arith.constant 0xFF800000 : f32
    %add3A_38 = vector.broadcast %add3A_37 : f32 to vector<16xf32>
    %add3A_39 = arith.addf %broadcast_in_dim3A_33, %add3A_38 : vector<16xf32>
    %while3A = arith.constant 0 : i32
    %while3A_40 = arith.constant -1 : i32
    %while3A_41 = arith.subi %select_n3A, %while3A : i32
    %while3A_42 = arith.addi %while3A, %while3A_41 : i32
    %while3A_43 = arith.constant 1 : i32
    %while3A_44 = arith.divsi %while3A_41, %while3A_43 : i32
    %while3A_45 = arith.muli %while3A_44, %while3A_43 : i32
    %while3A_46 = arith.addi %while3A, %while3A_45 : i32
    %while3A_47 = arith.constant 1 : i32
    %while3A_48:4 = scf.for %while3A_212 = %while3A to %while3A_46 step %while3A_47 iter_args(%while3A_213 = %while3A_40, %while3A_214 = %broadcast_in_dim3A_33, %while3A_215 = %add3A_36, %while3A_216 = %add3A_39) -> (i32, vector<16xf32>, vector<16xf32>, vector<16xf32>)  : i32 {
      %mul3A_217 = arith.constant 8192 : i32
      %mul3A_218 = arith.muli %while3A_212, %mul3A_217 : i32
      %add3A_219 = arith.addi %and3A_12, %mul3A_218 : i32
      %min3A_220 = arith.constant 6391808 : i32
      %min3A_221 = arith.minsi %add3A_219, %min3A_220 : i32
      %multiple_of3A_222 = tpu.assume_multiple %min3A_221, 16 : i32
      "tpu.region"() ({
        %run_scoped3A = tpu.sem_alloc : memref<!tpu.dma_semaphore, #tpu.memory_space<semaphore_mem>>
        %dma_start3A = tpu.memref_slice %arg2[%multiple_of3A_222] : memref<6400000xf32, #tpu.memory_space<hbm>> -> memref<8192xf32, #tpu.memory_space<hbm>>
        %dma_start3A_230 = tpu.memref_slice %arg2[%multiple_of3A_222] : memref<6400000xf32, #tpu.memory_space<hbm>> -> memref<8192xf32, #tpu.memory_space<hbm>>
        tpu.enqueue_dma source(%dma_start3A_230 : memref<8192xf32, #tpu.memory_space<hbm>>) target(%arg18 : memref<8192xf32, #tpu.memory_space<vmem>>) target_semaphore(%run_scoped3A : memref<!tpu.dma_semaphore, #tpu.memory_space<semaphore_mem>>)
        %dma_wait3A = tpu.memref_slice %arg2[%multiple_of3A_222] : memref<6400000xf32, #tpu.memory_space<hbm>> -> memref<8192xf32, #tpu.memory_space<hbm>>
        %dma_wait3A_231 = tpu.memref_slice %arg2[%multiple_of3A_222] : memref<6400000xf32, #tpu.memory_space<hbm>> -> memref<8192xf32, #tpu.memory_space<hbm>>
        tpu.wait_dma2 semaphore(%run_scoped3A : memref<!tpu.dma_semaphore, #tpu.memory_space<semaphore_mem>>) src(%dma_wait3A_231 : memref<8192xf32, #tpu.memory_space<hbm>>) dst(%arg18 : memref<8192xf32, #tpu.memory_space<vmem>>)
        tpu.yield
      }) : () -> ()
      "tpu.region"() ({
        %run_scoped3A = tpu.sem_alloc : memref<!tpu.dma_semaphore, #tpu.memory_space<semaphore_mem>>
        %dma_start3A = tpu.memref_slice %arg3[%multiple_of3A_222] : memref<6400000xi32, #tpu.memory_space<hbm>> -> memref<8192xi32, #tpu.memory_space<hbm>>
        %dma_start3A_230 = tpu.memref_slice %arg3[%multiple_of3A_222] : memref<6400000xi32, #tpu.memory_space<hbm>> -> memref<8192xi32, #tpu.memory_space<hbm>>
        tpu.enqueue_dma source(%dma_start3A_230 : memref<8192xi32, #tpu.memory_space<hbm>>) target(%arg19 : memref<8192xi32, #tpu.memory_space<vmem>>) target_semaphore(%run_scoped3A : memref<!tpu.dma_semaphore, #tpu.memory_space<semaphore_mem>>)
        %dma_wait3A = tpu.memref_slice %arg3[%multiple_of3A_222] : memref<6400000xi32, #tpu.memory_space<hbm>> -> memref<8192xi32, #tpu.memory_space<hbm>>
        %dma_wait3A_231 = tpu.memref_slice %arg3[%multiple_of3A_222] : memref<6400000xi32, #tpu.memory_space<hbm>> -> memref<8192xi32, #tpu.memory_space<hbm>>
        tpu.wait_dma2 semaphore(%run_scoped3A : memref<!tpu.dma_semaphore, #tpu.memory_space<semaphore_mem>>) src(%dma_wait3A_231 : memref<8192xi32, #tpu.memory_space<hbm>>) dst(%arg19 : memref<8192xi32, #tpu.memory_space<vmem>>)
        tpu.yield
      }) : () -> ()
      %max3A_223 = arith.maxsi %squeeze3A, %add3A_219 : i32
      %scan3A_224 = arith.constant 0 : i32
      %scan3A_225 = arith.constant 512 : i32
      %scan3A_226 = arith.addi %scan3A_224, %scan3A_225 : i32
      %scan3A_227 = arith.constant 1 : i32
      %scan3A_228:4 = scf.for %scan3A_230 = %scan3A_224 to %scan3A_226 step %scan3A_227 iter_args(%scan3A_231 = %while3A_213, %scan3A_232 = %while3A_214, %scan3A_233 = %while3A_215, %scan3A_234 = %while3A_216) -> (i32, vector<16xf32>, vector<16xf32>, vector<16xf32>)  : i32 {
        %mul3A_235 = arith.constant 16 : i32
        %mul3A_236 = arith.muli %scan3A_230, %mul3A_235 : i32
        %get3A_237 = arith.index_cast %mul3A_236 : i32 to index
        %get3A_238 = tpu.vector_load %arg19[%get3A_237] {strides = array<i32>} : memref<8192xi32, #tpu.memory_space<vmem>>, vector<16xi32>,
        %get3A_239 = arith.index_cast %mul3A_236 : i32 to index
        %get3A_240 = tpu.vector_load %arg18[%get3A_239] {strides = array<i32>} : memref<8192xf32, #tpu.memory_space<vmem>>, vector<16xf32>,
        %slice3A_241 = vector.extract_strided_slice %get3A_238 {offsets = [0], sizes = [1], strides = [1]} : vector<16xi32> to vector<1xi32>
        %squeeze3A_242 = vector.extract %slice3A_241[0] : i32 from vector<1xi32>
        %slice3A_243 = vector.extract_strided_slice %get3A_238 {offsets = [15], sizes = [1], strides = [1]} : vector<16xi32> to vector<1xi32>
        %squeeze3A_244 = vector.extract %slice3A_243[0] : i32 from vector<1xi32>
        %add3A_245 = arith.addi %multiple_of3A_222, %mul3A_236 : i32
        %ge3A_246 = arith.cmpi sge, %add3A_245, %max3A_223 : i32
        %add3A_247 = arith.constant 15 : i32
        %add3A_248 = arith.addi %add3A_245, %add3A_247 : i32
        %lt3A_249 = arith.cmpi slt, %add3A_248, %squeeze3A_5 : i32
        %and3A_250 = arith.andi %ge3A_246, %lt3A_249 : i1
        %eq3A_251 = arith.cmpi eq, %squeeze3A_242, %squeeze3A_244 : i32
        %and3A_252 = arith.andi %and3A_250, %eq3A_251 : i1
        %eq3A_253 = arith.cmpi eq, %squeeze3A_242, %scan3A_231 : i32
        %and3A_254 = arith.andi %and3A_252, %eq3A_253 : i1
        %convert_element_type3A = arith.extui %and3A_254 : i1 to i32
        %cond3A = arith.constant 0 : i32
        %cond3A_255 = arith.cmpi ne, %convert_element_type3A, %cond3A : i32
        %cond3A_256:4 = scf.if %cond3A_255 -> (i32, vector<16xf32>, vector<16xf32>, vector<16xf32>) {
          %add3A_257 = arith.addf %scan3A_232, %get3A_240 : vector<16xf32>
          %min3A_258 = arith.minimumf %scan3A_233, %get3A_240 : vector<16xf32>
          %max3A_259 = arith.maximumf %scan3A_234, %get3A_240 : vector<16xf32>
          scf.yield %scan3A_231, %add3A_257, %min3A_258, %max3A_259 : i32, vector<16xf32>, vector<16xf32>, vector<16xf32>
        } else {
          %sub3A_257 = arith.subi %scan3A_231, %multiple_of3A : i32
          %jit3A_258 = arith.constant 0 : i32
          %jit3A_259 = arith.constant 3135 : i32
          %max3A_260 = arith.maxsi %jit3A_258, %sub3A_257 : i32
          %min3A_261 = arith.minsi %jit3A_259, %max3A_260 : i32
          %broadcast_in_dim3A_262 = vector.broadcast %min3A_261 : i32 to vector<16xi32>
          %eq3A_263 = arith.constant 0 : i32
          %eq3A_264 = vector.broadcast %eq3A_263 : i32 to vector<16xi32>
          %eq3A_265 = arith.cmpi eq, %iota3A, %eq3A_264 : vector<16xi32>
          %ge3A_266 = arith.cmpi sge, %scan3A_231, %multiple_of3A : i32
          %and3A_267 = vector.broadcast %ge3A_266 : i1 to vector<16xi1>
          %and3A_268 = arith.andi %eq3A_265, %and3A_267 : vector<16xi1>
          %add3A_269 = arith.constant 3136 : i32
          %add3A_270 = arith.addi %multiple_of3A, %add3A_269 : i32
          %lt3A_271 = arith.cmpi slt, %scan3A_231, %add3A_270 : i32
          %and3A_272 = vector.broadcast %lt3A_271 : i1 to vector<16xi1>
          %and3A_273 = arith.andi %and3A_268, %and3A_272 : vector<16xi1>
          %gather3A_274 = tpu.vector_load_idx %arg11[%broadcast_in_dim3A_262] masked %and3A_273 : memref<3136xf32, #tpu.memory_space<vmem>>[vector<16xi32>], vector<16xf32>, vector<16xi1>
          %reduce_sum3A_275 = arith.constant true
          %reduce_sum3A_276 = vector.broadcast %reduce_sum3A_275 : i1 to vector<16xi1>
          %reduce_sum3A_277 = tpu.scan <sum>, %scan3A_232 masked %reduce_sum3A_276 : vector<16xf32>, vector<16xi1> -> vector<16xf32>
          %reduce_sum3A_278 = vector.extract %reduce_sum3A_277[15] : f32 from vector<16xf32>
          %add3A_279 = vector.broadcast %reduce_sum3A_278 : f32 to vector<16xf32>
          %add3A_280 = arith.addf %gather3A_274, %add3A_279 : vector<16xf32>
          tpu.vector_store_idx %arg11[%broadcast_in_dim3A_262], %add3A_280 masked %and3A_273 : memref<3136xf32, #tpu.memory_space<vmem>>[vector<16xi32>], vector<16xf32>, vector<16xi1>
          %gather3A_281 = tpu.vector_load_idx %arg12[%broadcast_in_dim3A_262] masked %and3A_273 : memref<3136xf32, #tpu.memory_space<vmem>>[vector<16xi32>], vector<16xf32>, vector<16xi1>
          %reduce_min3A_282 = arith.constant true
          %reduce_min3A_283 = vector.broadcast %reduce_min3A_282 : i1 to vector<16xi1>
          %reduce_min3A_284 = tpu.scan <min>, %scan3A_233 masked %reduce_min3A_283 : vector<16xf32>, vector<16xi1> -> vector<16xf32>
          %reduce_min3A_285 = vector.extract %reduce_min3A_284[15] : f32 from vector<16xf32>
          %min3A_286 = vector.broadcast %reduce_min3A_285 : f32 to vector<16xf32>
          %min3A_287 = arith.minimumf %gather3A_281, %min3A_286 : vector<16xf32>
          tpu.vector_store_idx %arg12[%broadcast_in_dim3A_262], %min3A_287 masked %and3A_273 : memref<3136xf32, #tpu.memory_space<vmem>>[vector<16xi32>], vector<16xf32>, vector<16xi1>
          %gather3A_288 = tpu.vector_load_idx %arg13[%broadcast_in_dim3A_262] masked %and3A_273 : memref<3136xf32, #tpu.memory_space<vmem>>[vector<16xi32>], vector<16xf32>, vector<16xi1>
          %reduce_max3A_289 = arith.constant true
          %reduce_max3A_290 = vector.broadcast %reduce_max3A_289 : i1 to vector<16xi1>
          %reduce_max3A_291 = tpu.scan <max>, %scan3A_234 masked %reduce_max3A_290 : vector<16xf32>, vector<16xi1> -> vector<16xf32>
          %reduce_max3A_292 = vector.extract %reduce_max3A_291[15] : f32 from vector<16xf32>
          %max3A_293 = vector.broadcast %reduce_max3A_292 : f32 to vector<16xf32>
          %max3A_294 = arith.maximumf %gather3A_288, %max3A_293 : vector<16xf32>
          tpu.vector_store_idx %arg13[%broadcast_in_dim3A_262], %max3A_294 masked %and3A_273 : memref<3136xf32, #tpu.memory_space<vmem>>[vector<16xi32>], vector<16xf32>, vector<16xi1>
          %add3A_295 = vector.broadcast %add3A_245 : i32 to vector<16xi32>
          %add3A_296 = arith.addi %add3A_295, %iota3A : vector<16xi32>
          %ge3A_297 = vector.broadcast %max3A_223 : i32 to vector<16xi32>
          %ge3A_298 = arith.cmpi sge, %add3A_296, %ge3A_297 : vector<16xi32>
          %lt3A_299 = vector.broadcast %squeeze3A_5 : i32 to vector<16xi32>
          %lt3A_300 = arith.cmpi slt, %add3A_296, %lt3A_299 : vector<16xi32>
          %and3A_301 = arith.andi %ge3A_298, %lt3A_300 : vector<16xi1>
          %jit3A_302 = arith.constant 0.000000e+00 : f32
          %broadcast_in_dim3A_303 = vector.broadcast %jit3A_302 : f32 to vector<16xf32>
          %select_n3A_304 = arith.select %and3A_301, %get3A_240, %broadcast_in_dim3A_303 : vector<16xi1>, vector<16xf32>
          %jit3A_305 = arith.constant 0x7F800000 : f32
          %broadcast_in_dim3A_306 = vector.broadcast %jit3A_305 : f32 to vector<16xf32>
          %select_n3A_307 = arith.select %and3A_301, %get3A_240, %broadcast_in_dim3A_306 : vector<16xi1>, vector<16xf32>
          %jit3A_308 = arith.constant 0xFF800000 : f32
          %broadcast_in_dim3A_309 = vector.broadcast %jit3A_308 : f32 to vector<16xf32>
          %select_n3A_310 = arith.select %and3A_301, %get3A_240, %broadcast_in_dim3A_309 : vector<16xi1>, vector<16xf32>
          %sub3A_311 = arith.constant 1 : i32
          %sub3A_312 = vector.broadcast %sub3A_311 : i32 to vector<16xi32>
          %sub3A_313 = arith.subi %iota3A, %sub3A_312 : vector<16xi32>
          %max3A_314 = arith.constant 0 : i32
          %max3A_315 = vector.broadcast %max3A_314 : i32 to vector<16xi32>
          %max3A_316 = arith.maxsi %sub3A_313, %max3A_315 : vector<16xi32>
          %lt3A_317 = arith.constant 0 : i32
          %lt3A_318 = vector.broadcast %lt3A_317 : i32 to vector<16xi32>
          %lt3A_319 = arith.cmpi slt, %max3A_316, %lt3A_318 : vector<16xi32>
          %add3A_320 = arith.constant 16 : i32
          %add3A_321 = vector.broadcast %add3A_320 : i32 to vector<16xi32>
          %add3A_322 = arith.addi %max3A_316, %add3A_321 : vector<16xi32>
          %select_n3A_323 = arith.select %lt3A_319, %add3A_322, %max3A_316 : vector<16xi1>, vector<16xi32>
          %broadcast_in_dim3A_324 = vector.shape_cast %select_n3A_323 : vector<16xi32> to vector<16x1xi32>
          %gather3A_325 = vector.shape_cast %broadcast_in_dim3A_324 : vector<16x1xi32> to vector<16xi32>
          %gather3A_326 = tpu.dynamic_gather %get3A_238[%gather3A_325] in [0] : vector<16xi32>, vector<16xi32> -> vector<16xi32>
          %eq3A_327 = arith.cmpi eq, %gather3A_326, %get3A_238 : vector<16xi32>
          %ge3A_328 = arith.constant 1 : i32
          %ge3A_329 = vector.broadcast %ge3A_328 : i32 to vector<16xi32>
          %ge3A_330 = arith.cmpi sge, %iota3A, %ge3A_329 : vector<16xi32>
          %and3A_331 = arith.andi %eq3A_327, %ge3A_330 : vector<16xi1>
          %lt3A_332 = arith.constant 0 : i32
          %lt3A_333 = vector.broadcast %lt3A_332 : i32 to vector<16xi32>
          %lt3A_334 = arith.cmpi slt, %max3A_316, %lt3A_333 : vector<16xi32>
          %add3A_335 = arith.constant 16 : i32
          %add3A_336 = vector.broadcast %add3A_335 : i32 to vector<16xi32>
          %add3A_337 = arith.addi %max3A_316, %add3A_336 : vector<16xi32>
          %select_n3A_338 = arith.select %lt3A_334, %add3A_337, %max3A_316 : vector<16xi1>, vector<16xi32>
          %broadcast_in_dim3A_339 = vector.shape_cast %select_n3A_338 : vector<16xi32> to vector<16x1xi32>
          %gather3A_340 = vector.shape_cast %broadcast_in_dim3A_339 : vector<16x1xi32> to vector<16xi32>
          %gather3A_341 = tpu.dynamic_gather %select_n3A_304[%gather3A_340] in [0] : vector<16xf32>, vector<16xi32> -> vector<16xf32>
          %jit3A_342 = arith.constant 0.000000e+00 : f32
          %broadcast_in_dim3A_343 = vector.broadcast %jit3A_342 : f32 to vector<16xf32>
          %select_n3A_344 = arith.select %and3A_331, %gather3A_341, %broadcast_in_dim3A_343 : vector<16xi1>, vector<16xf32>
          %add3A_345 = arith.addf %select_n3A_304, %select_n3A_344 : vector<16xf32>
          %lt3A_346 = arith.constant 0 : i32
          %lt3A_347 = vector.broadcast %lt3A_346 : i32 to vector<16xi32>
          %lt3A_348 = arith.cmpi slt, %max3A_316, %lt3A_347 : vector<16xi32>
          %add3A_349 = arith.constant 16 : i32
          %add3A_350 = vector.broadcast %add3A_349 : i32 to vector<16xi32>
          %add3A_351 = arith.addi %max3A_316, %add3A_350 : vector<16xi32>
          %select_n3A_352 = arith.select %lt3A_348, %add3A_351, %max3A_316 : vector<16xi1>, vector<16xi32>
          %broadcast_in_dim3A_353 = vector.shape_cast %select_n3A_352 : vector<16xi32> to vector<16x1xi32>
          %gather3A_354 = vector.shape_cast %broadcast_in_dim3A_353 : vector<16x1xi32> to vector<16xi32>
          %gather3A_355 = tpu.dynamic_gather %select_n3A_307[%gather3A_354] in [0] : vector<16xf32>, vector<16xi32> -> vector<16xf32>
          %jit3A_356 = arith.constant 0x7F800000 : f32
          %broadcast_in_dim3A_357 = vector.broadcast %jit3A_356 : f32 to vector<16xf32>
          %select_n3A_358 = arith.select %and3A_331, %gather3A_355, %broadcast_in_dim3A_357 : vector<16xi1>, vector<16xf32>
          %min3A_359 = arith.minimumf %select_n3A_307, %select_n3A_358 : vector<16xf32>
          %lt3A_360 = arith.constant 0 : i32
          %lt3A_361 = vector.broadcast %lt3A_360 : i32 to vector<16xi32>
          %lt3A_362 = arith.cmpi slt, %max3A_316, %lt3A_361 : vector<16xi32>
          %add3A_363 = arith.constant 16 : i32
          %add3A_364 = vector.broadcast %add3A_363 : i32 to vector<16xi32>
          %add3A_365 = arith.addi %max3A_316, %add3A_364 : vector<16xi32>
          %select_n3A_366 = arith.select %lt3A_362, %add3A_365, %max3A_316 : vector<16xi1>, vector<16xi32>
          %broadcast_in_dim3A_367 = vector.shape_cast %select_n3A_366 : vector<16xi32> to vector<16x1xi32>
          %gather3A_368 = vector.shape_cast %broadcast_in_dim3A_367 : vector<16x1xi32> to vector<16xi32>
          %gather3A_369 = tpu.dynamic_gather %select_n3A_310[%gather3A_368] in [0] : vector<16xf32>, vector<16xi32> -> vector<16xf32>
          %jit3A_370 = arith.constant 0xFF800000 : f32
          %broadcast_in_dim3A_371 = vector.broadcast %jit3A_370 : f32 to vector<16xf32>
          %select_n3A_372 = arith.select %and3A_331, %gather3A_369, %broadcast_in_dim3A_371 : vector<16xi1>, vector<16xf32>
          %max3A_373 = arith.maximumf %select_n3A_310, %select_n3A_372 : vector<16xf32>
          %sub3A_374 = arith.constant 2 : i32
          %sub3A_375 = vector.broadcast %sub3A_374 : i32 to vector<16xi32>
          %sub3A_376 = arith.subi %iota3A, %sub3A_375 : vector<16xi32>
          %max3A_377 = arith.constant 0 : i32
          %max3A_378 = vector.broadcast %max3A_377 : i32 to vector<16xi32>
          %max3A_379 = arith.maxsi %sub3A_376, %max3A_378 : vector<16xi32>
          %lt3A_380 = arith.constant 0 : i32
          %lt3A_381 = vector.broadcast %lt3A_380 : i32 to vector<16xi32>
          %lt3A_382 = arith.cmpi slt, %max3A_379, %lt3A_381 : vector<16xi32>
          %add3A_383 = arith.constant 16 : i32
          %add3A_384 = vector.broadcast %add3A_383 : i32 to vector<16xi32>
          %add3A_385 = arith.addi %max3A_379, %add3A_384 : vector<16xi32>
          %select_n3A_386 = arith.select %lt3A_382, %add3A_385, %max3A_379 : vector<16xi1>, vector<16xi32>
          %broadcast_in_dim3A_387 = vector.shape_cast %select_n3A_386 : vector<16xi32> to vector<16x1xi32>
          %gather3A_388 = vector.shape_cast %broadcast_in_dim3A_387 : vector<16x1xi32> to vector<16xi32>
          %gather3A_389 = tpu.dynamic_gather %get3A_238[%gather3A_388] in [0] : vector<16xi32>, vector<16xi32> -> vector<16xi32>
          %eq3A_390 = arith.cmpi eq, %gather3A_389, %get3A_238 : vector<16xi32>
          %ge3A_391 = arith.constant 2 : i32
          %ge3A_392 = vector.broadcast %ge3A_391 : i32 to vector<16xi32>
          %ge3A_393 = arith.cmpi sge, %iota3A, %ge3A_392 : vector<16xi32>
          %and3A_394 = arith.andi %eq3A_390, %ge3A_393 : vector<16xi1>
          %lt3A_395 = arith.constant 0 : i32
          %lt3A_396 = vector.broadcast %lt3A_395 : i32 to vector<16xi32>
          %lt3A_397 = arith.cmpi slt, %max3A_379, %lt3A_396 : vector<16xi32>
          %add3A_398 = arith.constant 16 : i32
          %add3A_399 = vector.broadcast %add3A_398 : i32 to vector<16xi32>
          %add3A_400 = arith.addi %max3A_379, %add3A_399 : vector<16xi32>
          %select_n3A_401 = arith.select %lt3A_397, %add3A_400, %max3A_379 : vector<16xi1>, vector<16xi32>
          %broadcast_in_dim3A_402 = vector.shape_cast %select_n3A_401 : vector<16xi32> to vector<16x1xi32>
          %gather3A_403 = vector.shape_cast %broadcast_in_dim3A_402 : vector<16x1xi32> to vector<16xi32>
          %gather3A_404 = tpu.dynamic_gather %add3A_345[%gather3A_403] in [0] : vector<16xf32>, vector<16xi32> -> vector<16xf32>
          %jit3A_405 = arith.constant 0.000000e+00 : f32
          %broadcast_in_dim3A_406 = vector.broadcast %jit3A_405 : f32 to vector<16xf32>
          %select_n3A_407 = arith.select %and3A_394, %gather3A_404, %broadcast_in_dim3A_406 : vector<16xi1>, vector<16xf32>
          %add3A_408 = arith.addf %add3A_345, %select_n3A_407 : vector<16xf32>
          %lt3A_409 = arith.constant 0 : i32
          %lt3A_410 = vector.broadcast %lt3A_409 : i32 to vector<16xi32>
          %lt3A_411 = arith.cmpi slt, %max3A_379, %lt3A_410 : vector<16xi32>
          %add3A_412 = arith.constant 16 : i32
          %add3A_413 = vector.broadcast %add3A_412 : i32 to vector<16xi32>
          %add3A_414 = arith.addi %max3A_379, %add3A_413 : vector<16xi32>
          %select_n3A_415 = arith.select %lt3A_411, %add3A_414, %max3A_379 : vector<16xi1>, vector<16xi32>
          %broadcast_in_dim3A_416 = vector.shape_cast %select_n3A_415 : vector<16xi32> to vector<16x1xi32>
          %gather3A_417 = vector.shape_cast %broadcast_in_dim3A_416 : vector<16x1xi32> to vector<16xi32>
          %gather3A_418 = tpu.dynamic_gather %min3A_359[%gather3A_417] in [0] : vector<16xf32>, vector<16xi32> -> vector<16xf32>
          %jit3A_419 = arith.constant 0x7F800000 : f32
          %broadcast_in_dim3A_420 = vector.broadcast %jit3A_419 : f32 to vector<16xf32>
          %select_n3A_421 = arith.select %and3A_394, %gather3A_418, %broadcast_in_dim3A_420 : vector<16xi1>, vector<16xf32>
          %min3A_422 = arith.minimumf %min3A_359, %select_n3A_421 : vector<16xf32>
          %lt3A_423 = arith.constant 0 : i32
          %lt3A_424 = vector.broadcast %lt3A_423 : i32 to vector<16xi32>
          %lt3A_425 = arith.cmpi slt, %max3A_379, %lt3A_424 : vector<16xi32>
          %add3A_426 = arith.constant 16 : i32
          %add3A_427 = vector.broadcast %add3A_426 : i32 to vector<16xi32>
          %add3A_428 = arith.addi %max3A_379, %add3A_427 : vector<16xi32>
          %select_n3A_429 = arith.select %lt3A_425, %add3A_428, %max3A_379 : vector<16xi1>, vector<16xi32>
          %broadcast_in_dim3A_430 = vector.shape_cast %select_n3A_429 : vector<16xi32> to vector<16x1xi32>
          %gather3A_431 = vector.shape_cast %broadcast_in_dim3A_430 : vector<16x1xi32> to vector<16xi32>
          %gather3A_432 = tpu.dynamic_gather %max3A_373[%gather3A_431] in [0] : vector<16xf32>, vector<16xi32> -> vector<16xf32>
          %jit3A_433 = arith.constant 0xFF800000 : f32
          %broadcast_in_dim3A_434 = vector.broadcast %jit3A_433 : f32 to vector<16xf32>
          %select_n3A_435 = arith.select %and3A_394, %gather3A_432, %broadcast_in_dim3A_434 : vector<16xi1>, vector<16xf32>
          %max3A_436 = arith.maximumf %max3A_373, %select_n3A_435 : vector<16xf32>
          %sub3A_437 = arith.constant 4 : i32
          %sub3A_438 = vector.broadcast %sub3A_437 : i32 to vector<16xi32>
          %sub3A_439 = arith.subi %iota3A, %sub3A_438 : vector<16xi32>
          %max3A_440 = arith.constant 0 : i32
          %max3A_441 = vector.broadcast %max3A_440 : i32 to vector<16xi32>
          %max3A_442 = arith.maxsi %sub3A_439, %max3A_441 : vector<16xi32>
          %lt3A_443 = arith.constant 0 : i32
          %lt3A_444 = vector.broadcast %lt3A_443 : i32 to vector<16xi32>
          %lt3A_445 = arith.cmpi slt, %max3A_442, %lt3A_444 : vector<16xi32>
          %add3A_446 = arith.constant 16 : i32
          %add3A_447 = vector.broadcast %add3A_446 : i32 to vector<16xi32>
          %add3A_448 = arith.addi %max3A_442, %add3A_447 : vector<16xi32>
          %select_n3A_449 = arith.select %lt3A_445, %add3A_448, %max3A_442 : vector<16xi1>, vector<16xi32>
          %broadcast_in_dim3A_450 = vector.shape_cast %select_n3A_449 : vector<16xi32> to vector<16x1xi32>
          %gather3A_451 = vector.shape_cast %broadcast_in_dim3A_450 : vector<16x1xi32> to vector<16xi32>
          %gather3A_452 = tpu.dynamic_gather %get3A_238[%gather3A_451] in [0] : vector<16xi32>, vector<16xi32> -> vector<16xi32>
          %eq3A_453 = arith.cmpi eq, %gather3A_452, %get3A_238 : vector<16xi32>
          %ge3A_454 = arith.constant 4 : i32
          %ge3A_455 = vector.broadcast %ge3A_454 : i32 to vector<16xi32>
          %ge3A_456 = arith.cmpi sge, %iota3A, %ge3A_455 : vector<16xi32>
          %and3A_457 = arith.andi %eq3A_453, %ge3A_456 : vector<16xi1>
          %lt3A_458 = arith.constant 0 : i32
          %lt3A_459 = vector.broadcast %lt3A_458 : i32 to vector<16xi32>
          %lt3A_460 = arith.cmpi slt, %max3A_442, %lt3A_459 : vector<16xi32>
          %add3A_461 = arith.constant 16 : i32
          %add3A_462 = vector.broadcast %add3A_461 : i32 to vector<16xi32>
          %add3A_463 = arith.addi %max3A_442, %add3A_462 : vector<16xi32>
          %select_n3A_464 = arith.select %lt3A_460, %add3A_463, %max3A_442 : vector<16xi1>, vector<16xi32>
          %broadcast_in_dim3A_465 = vector.shape_cast %select_n3A_464 : vector<16xi32> to vector<16x1xi32>
          %gather3A_466 = vector.shape_cast %broadcast_in_dim3A_465 : vector<16x1xi32> to vector<16xi32>
          %gather3A_467 = tpu.dynamic_gather %add3A_408[%gather3A_466] in [0] : vector<16xf32>, vector<16xi32> -> vector<16xf32>
          %jit3A_468 = arith.constant 0.000000e+00 : f32
          %broadcast_in_dim3A_469 = vector.broadcast %jit3A_468 : f32 to vector<16xf32>
          %select_n3A_470 = arith.select %and3A_457, %gather3A_467, %broadcast_in_dim3A_469 : vector<16xi1>, vector<16xf32>
          %add3A_471 = arith.addf %add3A_408, %select_n3A_470 : vector<16xf32>
          %lt3A_472 = arith.constant 0 : i32
          %lt3A_473 = vector.broadcast %lt3A_472 : i32 to vector<16xi32>
          %lt3A_474 = arith.cmpi slt, %max3A_442, %lt3A_473 : vector<16xi32>
          %add3A_475 = arith.constant 16 : i32
          %add3A_476 = vector.broadcast %add3A_475 : i32 to vector<16xi32>
          %add3A_477 = arith.addi %max3A_442, %add3A_476 : vector<16xi32>
          %select_n3A_478 = arith.select %lt3A_474, %add3A_477, %max3A_442 : vector<16xi1>, vector<16xi32>
          %broadcast_in_dim3A_479 = vector.shape_cast %select_n3A_478 : vector<16xi32> to vector<16x1xi32>
          %gather3A_480 = vector.shape_cast %broadcast_in_dim3A_479 : vector<16x1xi32> to vector<16xi32>
          %gather3A_481 = tpu.dynamic_gather %min3A_422[%gather3A_480] in [0] : vector<16xf32>, vector<16xi32> -> vector<16xf32>
          %jit3A_482 = arith.constant 0x7F800000 : f32
          %broadcast_in_dim3A_483 = vector.broadcast %jit3A_482 : f32 to vector<16xf32>
          %select_n3A_484 = arith.select %and3A_457, %gather3A_481, %broadcast_in_dim3A_483 : vector<16xi1>, vector<16xf32>
          %min3A_485 = arith.minimumf %min3A_422, %select_n3A_484 : vector<16xf32>
          %lt3A_486 = arith.constant 0 : i32
          %lt3A_487 = vector.broadcast %lt3A_486 : i32 to vector<16xi32>
          %lt3A_488 = arith.cmpi slt, %max3A_442, %lt3A_487 : vector<16xi32>
          %add3A_489 = arith.constant 16 : i32
          %add3A_490 = vector.broadcast %add3A_489 : i32 to vector<16xi32>
          %add3A_491 = arith.addi %max3A_442, %add3A_490 : vector<16xi32>
          %select_n3A_492 = arith.select %lt3A_488, %add3A_491, %max3A_442 : vector<16xi1>, vector<16xi32>
          %broadcast_in_dim3A_493 = vector.shape_cast %select_n3A_492 : vector<16xi32> to vector<16x1xi32>
          %gather3A_494 = vector.shape_cast %broadcast_in_dim3A_493 : vector<16x1xi32> to vector<16xi32>
          %gather3A_495 = tpu.dynamic_gather %max3A_436[%gather3A_494] in [0] : vector<16xf32>, vector<16xi32> -> vector<16xf32>
          %jit3A_496 = arith.constant 0xFF800000 : f32
          %broadcast_in_dim3A_497 = vector.broadcast %jit3A_496 : f32 to vector<16xf32>
          %select_n3A_498 = arith.select %and3A_457, %gather3A_495, %broadcast_in_dim3A_497 : vector<16xi1>, vector<16xf32>
          %max3A_499 = arith.maximumf %max3A_436, %select_n3A_498 : vector<16xf32>
          %sub3A_500 = arith.constant 8 : i32
          %sub3A_501 = vector.broadcast %sub3A_500 : i32 to vector<16xi32>
          %sub3A_502 = arith.subi %iota3A, %sub3A_501 : vector<16xi32>
          %max3A_503 = arith.constant 0 : i32
          %max3A_504 = vector.broadcast %max3A_503 : i32 to vector<16xi32>
          %max3A_505 = arith.maxsi %sub3A_502, %max3A_504 : vector<16xi32>
          %lt3A_506 = arith.constant 0 : i32
          %lt3A_507 = vector.broadcast %lt3A_506 : i32 to vector<16xi32>
          %lt3A_508 = arith.cmpi slt, %max3A_505, %lt3A_507 : vector<16xi32>
          %add3A_509 = arith.constant 16 : i32
          %add3A_510 = vector.broadcast %add3A_509 : i32 to vector<16xi32>
          %add3A_511 = arith.addi %max3A_505, %add3A_510 : vector<16xi32>
          %select_n3A_512 = arith.select %lt3A_508, %add3A_511, %max3A_505 : vector<16xi1>, vector<16xi32>
          %broadcast_in_dim3A_513 = vector.shape_cast %select_n3A_512 : vector<16xi32> to vector<16x1xi32>
          %gather3A_514 = vector.shape_cast %broadcast_in_dim3A_513 : vector<16x1xi32> to vector<16xi32>
          %gather3A_515 = tpu.dynamic_gather %get3A_238[%gather3A_514] in [0] : vector<16xi32>, vector<16xi32> -> vector<16xi32>
          %eq3A_516 = arith.cmpi eq, %gather3A_515, %get3A_238 : vector<16xi32>
          %ge3A_517 = arith.constant 8 : i32
          %ge3A_518 = vector.broadcast %ge3A_517 : i32 to vector<16xi32>
          %ge3A_519 = arith.cmpi sge, %iota3A, %ge3A_518 : vector<16xi32>
          %and3A_520 = arith.andi %eq3A_516, %ge3A_519 : vector<16xi1>
          %lt3A_521 = arith.constant 0 : i32
          %lt3A_522 = vector.broadcast %lt3A_521 : i32 to vector<16xi32>
          %lt3A_523 = arith.cmpi slt, %max3A_505, %lt3A_522 : vector<16xi32>
          %add3A_524 = arith.constant 16 : i32
          %add3A_525 = vector.broadcast %add3A_524 : i32 to vector<16xi32>
          %add3A_526 = arith.addi %max3A_505, %add3A_525 : vector<16xi32>
          %select_n3A_527 = arith.select %lt3A_523, %add3A_526, %max3A_505 : vector<16xi1>, vector<16xi32>
          %broadcast_in_dim3A_528 = vector.shape_cast %select_n3A_527 : vector<16xi32> to vector<16x1xi32>
          %gather3A_529 = vector.shape_cast %broadcast_in_dim3A_528 : vector<16x1xi32> to vector<16xi32>
          %gather3A_530 = tpu.dynamic_gather %add3A_471[%gather3A_529] in [0] : vector<16xf32>, vector<16xi32> -> vector<16xf32>
          %jit3A_531 = arith.constant 0.000000e+00 : f32
          %broadcast_in_dim3A_532 = vector.broadcast %jit3A_531 : f32 to vector<16xf32>
          %select_n3A_533 = arith.select %and3A_520, %gather3A_530, %broadcast_in_dim3A_532 : vector<16xi1>, vector<16xf32>
          %add3A_534 = arith.addf %add3A_471, %select_n3A_533 : vector<16xf32>
          %lt3A_535 = arith.constant 0 : i32
          %lt3A_536 = vector.broadcast %lt3A_535 : i32 to vector<16xi32>
          %lt3A_537 = arith.cmpi slt, %max3A_505, %lt3A_536 : vector<16xi32>
          %add3A_538 = arith.constant 16 : i32
          %add3A_539 = vector.broadcast %add3A_538 : i32 to vector<16xi32>
          %add3A_540 = arith.addi %max3A_505, %add3A_539 : vector<16xi32>
          %select_n3A_541 = arith.select %lt3A_537, %add3A_540, %max3A_505 : vector<16xi1>, vector<16xi32>
          %broadcast_in_dim3A_542 = vector.shape_cast %select_n3A_541 : vector<16xi32> to vector<16x1xi32>
          %gather3A_543 = vector.shape_cast %broadcast_in_dim3A_542 : vector<16x1xi32> to vector<16xi32>
          %gather3A_544 = tpu.dynamic_gather %min3A_485[%gather3A_543] in [0] : vector<16xf32>, vector<16xi32> -> vector<16xf32>
          %jit3A_545 = arith.constant 0x7F800000 : f32
          %broadcast_in_dim3A_546 = vector.broadcast %jit3A_545 : f32 to vector<16xf32>
          %select_n3A_547 = arith.select %and3A_520, %gather3A_544, %broadcast_in_dim3A_546 : vector<16xi1>, vector<16xf32>
          %min3A_548 = arith.minimumf %min3A_485, %select_n3A_547 : vector<16xf32>
          %lt3A_549 = arith.constant 0 : i32
          %lt3A_550 = vector.broadcast %lt3A_549 : i32 to vector<16xi32>
          %lt3A_551 = arith.cmpi slt, %max3A_505, %lt3A_550 : vector<16xi32>
          %add3A_552 = arith.constant 16 : i32
          %add3A_553 = vector.broadcast %add3A_552 : i32 to vector<16xi32>
          %add3A_554 = arith.addi %max3A_505, %add3A_553 : vector<16xi32>
          %select_n3A_555 = arith.select %lt3A_551, %add3A_554, %max3A_505 : vector<16xi1>, vector<16xi32>
          %broadcast_in_dim3A_556 = vector.shape_cast %select_n3A_555 : vector<16xi32> to vector<16x1xi32>
          %gather3A_557 = vector.shape_cast %broadcast_in_dim3A_556 : vector<16x1xi32> to vector<16xi32>
          %gather3A_558 = tpu.dynamic_gather %max3A_499[%gather3A_557] in [0] : vector<16xf32>, vector<16xi32> -> vector<16xf32>
          %jit3A_559 = arith.constant 0xFF800000 : f32
          %broadcast_in_dim3A_560 = vector.broadcast %jit3A_559 : f32 to vector<16xf32>
          %select_n3A_561 = arith.select %and3A_520, %gather3A_558, %broadcast_in_dim3A_560 : vector<16xi1>, vector<16xf32>
          %max3A_562 = arith.maximumf %max3A_499, %select_n3A_561 : vector<16xf32>
          %add3A_563 = arith.constant 1 : i32
          %add3A_564 = vector.broadcast %add3A_563 : i32 to vector<16xi32>
          %add3A_565 = arith.addi %iota3A, %add3A_564 : vector<16xi32>
          %min3A_566 = arith.constant 15 : i32
          %min3A_567 = vector.broadcast %min3A_566 : i32 to vector<16xi32>
          %min3A_568 = arith.minsi %add3A_565, %min3A_567 : vector<16xi32>
          %lt3A_569 = arith.constant 0 : i32
          %lt3A_570 = vector.broadcast %lt3A_569 : i32 to vector<16xi32>
          %lt3A_571 = arith.cmpi slt, %min3A_568, %lt3A_570 : vector<16xi32>
          %add3A_572 = arith.constant 16 : i32
          %add3A_573 = vector.broadcast %add3A_572 : i32 to vector<16xi32>
          %add3A_574 = arith.addi %min3A_568, %add3A_573 : vector<16xi32>
          %select_n3A_575 = arith.select %lt3A_571, %add3A_574, %min3A_568 : vector<16xi1>, vector<16xi32>
          %broadcast_in_dim3A_576 = vector.shape_cast %select_n3A_575 : vector<16xi32> to vector<16x1xi32>
          %gather3A_577 = vector.shape_cast %broadcast_in_dim3A_576 : vector<16x1xi32> to vector<16xi32>
          %gather3A_578 = tpu.dynamic_gather %get3A_238[%gather3A_577] in [0] : vector<16xi32>, vector<16xi32> -> vector<16xi32>
          %ne3A_579 = arith.cmpi ne, %get3A_238, %gather3A_578 : vector<16xi32>
          %eq3A_580 = arith.constant 15 : i32
          %eq3A_581 = vector.broadcast %eq3A_580 : i32 to vector<16xi32>
          %eq3A_582 = arith.cmpi eq, %iota3A, %eq3A_581 : vector<16xi32>
          %or3A = arith.ori %ne3A_579, %eq3A_582 : vector<16xi1>
          %and3A_583 = arith.andi %or3A, %and3A_301 : vector<16xi1>
          %sub3A_584 = vector.broadcast %multiple_of3A : i32 to vector<16xi32>
          %sub3A_585 = arith.subi %get3A_238, %sub3A_584 : vector<16xi32>
          %jit3A_586 = arith.constant 0 : i32
          %jit3A_587 = arith.constant 3135 : i32
          %max3A_588 = vector.broadcast %jit3A_586 : i32 to vector<16xi32>
          %max3A_589 = arith.maxsi %max3A_588, %sub3A_585 : vector<16xi32>
          %min3A_590 = vector.broadcast %jit3A_587 : i32 to vector<16xi32>
          %min3A_591 = arith.minsi %min3A_590, %max3A_589 : vector<16xi32>
          %gather3A_592 = tpu.vector_load_idx %arg11[%min3A_591] masked %and3A_583 : memref<3136xf32, #tpu.memory_space<vmem>>[vector<16xi32>], vector<16xf32>, vector<16xi1>
          %add3A_593 = arith.addf %gather3A_592, %add3A_534 : vector<16xf32>
          tpu.vector_store_idx %arg11[%min3A_591], %add3A_593 masked %and3A_583 : memref<3136xf32, #tpu.memory_space<vmem>>[vector<16xi32>], vector<16xf32>, vector<16xi1>
          %gather3A_594 = tpu.vector_load_idx %arg12[%min3A_591] masked %and3A_583 : memref<3136xf32, #tpu.memory_space<vmem>>[vector<16xi32>], vector<16xf32>, vector<16xi1>
          %min3A_595 = arith.minimumf %gather3A_594, %min3A_548 : vector<16xf32>
          tpu.vector_store_idx %arg12[%min3A_591], %min3A_595 masked %and3A_583 : memref<3136xf32, #tpu.memory_space<vmem>>[vector<16xi32>], vector<16xf32>, vector<16xi1>
          %gather3A_596 = tpu.vector_load_idx %arg13[%min3A_591] masked %and3A_583 : memref<3136xf32, #tpu.memory_space<vmem>>[vector<16xi32>], vector<16xf32>, vector<16xi1>
          %max3A_597 = arith.maximumf %gather3A_596, %max3A_562 : vector<16xf32>
          tpu.vector_store_idx %arg13[%min3A_591], %max3A_597 masked %and3A_583 : memref<3136xf32, #tpu.memory_space<vmem>>[vector<16xi32>], vector<16xf32>, vector<16xi1>
          %broadcast_in_dim3A_598 = arith.constant 0.000000e+00 : f32
          %broadcast_in_dim3A_599 = vector.broadcast %broadcast_in_dim3A_598 : f32 to vector<16xf32>
          %add3A_600 = arith.constant 0x7F800000 : f32
          %add3A_601 = vector.broadcast %add3A_600 : f32 to vector<16xf32>
          %add3A_602 = arith.addf %broadcast_in_dim3A_599, %add3A_601 : vector<16xf32>
          %add3A_603 = arith.constant 0xFF800000 : f32
          %add3A_604 = vector.broadcast %add3A_603 : f32 to vector<16xf32>
          %add3A_605 = arith.addf %broadcast_in_dim3A_599, %add3A_604 : vector<16xf32>
          scf.yield %squeeze3A_244, %broadcast_in_dim3A_599, %add3A_602, %add3A_605 : i32, vector<16xf32>, vector<16xf32>, vector<16xf32>
        }
        scf.yield %cond3A_256#0, %cond3A_256#1, %cond3A_256#2, %cond3A_256#3 : i32, vector<16xf32>, vector<16xf32>, vector<16xf32>
      }
      %scan3A_229 = arith.constant 512 : i32
      scf.yield %scan3A_228#0, %scan3A_228#1, %scan3A_228#2, %scan3A_228#3 : i32, vector<16xf32>, vector<16xf32>, vector<16xf32>
    }
    %while3A_49 = arith.constant 1 : i32
    %while3A_50:4 = scf.for %while3A_212 = %while3A_46 to %while3A_42 step %while3A_49 iter_args(%while3A_213 = %while3A_48#0, %while3A_214 = %while3A_48#1, %while3A_215 = %while3A_48#2, %while3A_216 = %while3A_48#3) -> (i32, vector<16xf32>, vector<16xf32>, vector<16xf32>)  : i32 {
      %mul3A_217 = arith.constant 8192 : i32
      %mul3A_218 = arith.muli %while3A_212, %mul3A_217 : i32
      %add3A_219 = arith.addi %and3A_12, %mul3A_218 : i32
      %min3A_220 = arith.constant 6391808 : i32
      %min3A_221 = arith.minsi %add3A_219, %min3A_220 : i32
      %multiple_of3A_222 = tpu.assume_multiple %min3A_221, 16 : i32
      "tpu.region"() ({
        %run_scoped3A = tpu.sem_alloc : memref<!tpu.dma_semaphore, #tpu.memory_space<semaphore_mem>>
        %dma_start3A = tpu.memref_slice %arg2[%multiple_of3A_222] : memref<6400000xf32, #tpu.memory_space<hbm>> -> memref<8192xf32, #tpu.memory_space<hbm>>
        %dma_start3A_230 = tpu.memref_slice %arg2[%multiple_of3A_222] : memref<6400000xf32, #tpu.memory_space<hbm>> -> memref<8192xf32, #tpu.memory_space<hbm>>
        tpu.enqueue_dma source(%dma_start3A_230 : memref<8192xf32, #tpu.memory_space<hbm>>) target(%arg18 : memref<8192xf32, #tpu.memory_space<vmem>>) target_semaphore(%run_scoped3A : memref<!tpu.dma_semaphore, #tpu.memory_space<semaphore_mem>>)
        %dma_wait3A = tpu.memref_slice %arg2[%multiple_of3A_222] : memref<6400000xf32, #tpu.memory_space<hbm>> -> memref<8192xf32, #tpu.memory_space<hbm>>
        %dma_wait3A_231 = tpu.memref_slice %arg2[%multiple_of3A_222] : memref<6400000xf32, #tpu.memory_space<hbm>> -> memref<8192xf32, #tpu.memory_space<hbm>>
        tpu.wait_dma2 semaphore(%run_scoped3A : memref<!tpu.dma_semaphore, #tpu.memory_space<semaphore_mem>>) src(%dma_wait3A_231 : memref<8192xf32, #tpu.memory_space<hbm>>) dst(%arg18 : memref<8192xf32, #tpu.memory_space<vmem>>)
        tpu.yield
      }) : () -> ()
      "tpu.region"() ({
        %run_scoped3A = tpu.sem_alloc : memref<!tpu.dma_semaphore, #tpu.memory_space<semaphore_mem>>
        %dma_start3A = tpu.memref_slice %arg3[%multiple_of3A_222] : memref<6400000xi32, #tpu.memory_space<hbm>> -> memref<8192xi32, #tpu.memory_space<hbm>>
        %dma_start3A_230 = tpu.memref_slice %arg3[%multiple_of3A_222] : memref<6400000xi32, #tpu.memory_space<hbm>> -> memref<8192xi32, #tpu.memory_space<hbm>>
        tpu.enqueue_dma source(%dma_start3A_230 : memref<8192xi32, #tpu.memory_space<hbm>>) target(%arg19 : memref<8192xi32, #tpu.memory_space<vmem>>) target_semaphore(%run_scoped3A : memref<!tpu.dma_semaphore, #tpu.memory_space<semaphore_mem>>)
        %dma_wait3A = tpu.memref_slice %arg3[%multiple_of3A_222] : memref<6400000xi32, #tpu.memory_space<hbm>> -> memref<8192xi32, #tpu.memory_space<hbm>>
        %dma_wait3A_231 = tpu.memref_slice %arg3[%multiple_of3A_222] : memref<6400000xi32, #tpu.memory_space<hbm>> -> memref<8192xi32, #tpu.memory_space<hbm>>
        tpu.wait_dma2 semaphore(%run_scoped3A : memref<!tpu.dma_semaphore, #tpu.memory_space<semaphore_mem>>) src(%dma_wait3A_231 : memref<8192xi32, #tpu.memory_space<hbm>>) dst(%arg19 : memref<8192xi32, #tpu.memory_space<vmem>>)
        tpu.yield
      }) : () -> ()
      %max3A_223 = arith.maxsi %squeeze3A, %add3A_219 : i32
      %scan3A_224 = arith.constant 0 : i32
      %scan3A_225 = arith.constant 512 : i32
      %scan3A_226 = arith.addi %scan3A_224, %scan3A_225 : i32
      %scan3A_227 = arith.constant 1 : i32
      %scan3A_228:4 = scf.for %scan3A_230 = %scan3A_224 to %scan3A_226 step %scan3A_227 iter_args(%scan3A_231 = %while3A_213, %scan3A_232 = %while3A_214, %scan3A_233 = %while3A_215, %scan3A_234 = %while3A_216) -> (i32, vector<16xf32>, vector<16xf32>, vector<16xf32>)  : i32 {
        %mul3A_235 = arith.constant 16 : i32
        %mul3A_236 = arith.muli %scan3A_230, %mul3A_235 : i32
        %get3A_237 = arith.index_cast %mul3A_236 : i32 to index
        %get3A_238 = tpu.vector_load %arg19[%get3A_237] {strides = array<i32>} : memref<8192xi32, #tpu.memory_space<vmem>>, vector<16xi32>,
        %get3A_239 = arith.index_cast %mul3A_236 : i32 to index
        %get3A_240 = tpu.vector_load %arg18[%get3A_239] {strides = array<i32>} : memref<8192xf32, #tpu.memory_space<vmem>>, vector<16xf32>,
        %slice3A_241 = vector.extract_strided_slice %get3A_238 {offsets = [0], sizes = [1], strides = [1]} : vector<16xi32> to vector<1xi32>
        %squeeze3A_242 = vector.extract %slice3A_241[0] : i32 from vector<1xi32>
        %slice3A_243 = vector.extract_strided_slice %get3A_238 {offsets = [15], sizes = [1], strides = [1]} : vector<16xi32> to vector<1xi32>
        %squeeze3A_244 = vector.extract %slice3A_243[0] : i32 from vector<1xi32>
        %add3A_245 = arith.addi %multiple_of3A_222, %mul3A_236 : i32
        %ge3A_246 = arith.cmpi sge, %add3A_245, %max3A_223 : i32
        %add3A_247 = arith.constant 15 : i32
        %add3A_248 = arith.addi %add3A_245, %add3A_247 : i32
        %lt3A_249 = arith.cmpi slt, %add3A_248, %squeeze3A_5 : i32
        %and3A_250 = arith.andi %ge3A_246, %lt3A_249 : i1
        %eq3A_251 = arith.cmpi eq, %squeeze3A_242, %squeeze3A_244 : i32
        %and3A_252 = arith.andi %and3A_250, %eq3A_251 : i1
        %eq3A_253 = arith.cmpi eq, %squeeze3A_242, %scan3A_231 : i32
        %and3A_254 = arith.andi %and3A_252, %eq3A_253 : i1
        %convert_element_type3A = arith.extui %and3A_254 : i1 to i32
        %cond3A = arith.constant 0 : i32
        %cond3A_255 = arith.cmpi ne, %convert_element_type3A, %cond3A : i32
        %cond3A_256:4 = scf.if %cond3A_255 -> (i32, vector<16xf32>, vector<16xf32>, vector<16xf32>) {
          %add3A_257 = arith.addf %scan3A_232, %get3A_240 : vector<16xf32>
          %min3A_258 = arith.minimumf %scan3A_233, %get3A_240 : vector<16xf32>
          %max3A_259 = arith.maximumf %scan3A_234, %get3A_240 : vector<16xf32>
          scf.yield %scan3A_231, %add3A_257, %min3A_258, %max3A_259 : i32, vector<16xf32>, vector<16xf32>, vector<16xf32>
        } else {
          %sub3A_257 = arith.subi %scan3A_231, %multiple_of3A : i32
          %jit3A_258 = arith.constant 0 : i32
          %jit3A_259 = arith.constant 3135 : i32
          %max3A_260 = arith.maxsi %jit3A_258, %sub3A_257 : i32
          %min3A_261 = arith.minsi %jit3A_259, %max3A_260 : i32
          %broadcast_in_dim3A_262 = vector.broadcast %min3A_261 : i32 to vector<16xi32>
          %eq3A_263 = arith.constant 0 : i32
          %eq3A_264 = vector.broadcast %eq3A_263 : i32 to vector<16xi32>
          %eq3A_265 = arith.cmpi eq, %iota3A, %eq3A_264 : vector<16xi32>
          %ge3A_266 = arith.cmpi sge, %scan3A_231, %multiple_of3A : i32
          %and3A_267 = vector.broadcast %ge3A_266 : i1 to vector<16xi1>
          %and3A_268 = arith.andi %eq3A_265, %and3A_267 : vector<16xi1>
          %add3A_269 = arith.constant 3136 : i32
          %add3A_270 = arith.addi %multiple_of3A, %add3A_269 : i32
          %lt3A_271 = arith.cmpi slt, %scan3A_231, %add3A_270 : i32
          %and3A_272 = vector.broadcast %lt3A_271 : i1 to vector<16xi1>
          %and3A_273 = arith.andi %and3A_268, %and3A_272 : vector<16xi1>
          %gather3A_274 = tpu.vector_load_idx %arg11[%broadcast_in_dim3A_262] masked %and3A_273 : memref<3136xf32, #tpu.memory_space<vmem>>[vector<16xi32>], vector<16xf32>, vector<16xi1>
          %reduce_sum3A_275 = arith.constant true
          %reduce_sum3A_276 = vector.broadcast %reduce_sum3A_275 : i1 to vector<16xi1>
          %reduce_sum3A_277 = tpu.scan <sum>, %scan3A_232 masked %reduce_sum3A_276 : vector<16xf32>, vector<16xi1> -> vector<16xf32>
          %reduce_sum3A_278 = vector.extract %reduce_sum3A_277[15] : f32 from vector<16xf32>
          %add3A_279 = vector.broadcast %reduce_sum3A_278 : f32 to vector<16xf32>
          %add3A_280 = arith.addf %gather3A_274, %add3A_279 : vector<16xf32>
          tpu.vector_store_idx %arg11[%broadcast_in_dim3A_262], %add3A_280 masked %and3A_273 : memref<3136xf32, #tpu.memory_space<vmem>>[vector<16xi32>], vector<16xf32>, vector<16xi1>
          %gather3A_281 = tpu.vector_load_idx %arg12[%broadcast_in_dim3A_262] masked %and3A_273 : memref<3136xf32, #tpu.memory_space<vmem>>[vector<16xi32>], vector<16xf32>, vector<16xi1>
          %reduce_min3A_282 = arith.constant true
          %reduce_min3A_283 = vector.broadcast %reduce_min3A_282 : i1 to vector<16xi1>
          %reduce_min3A_284 = tpu.scan <min>, %scan3A_233 masked %reduce_min3A_283 : vector<16xf32>, vector<16xi1> -> vector<16xf32>
          %reduce_min3A_285 = vector.extract %reduce_min3A_284[15] : f32 from vector<16xf32>
          %min3A_286 = vector.broadcast %reduce_min3A_285 : f32 to vector<16xf32>
          %min3A_287 = arith.minimumf %gather3A_281, %min3A_286 : vector<16xf32>
          tpu.vector_store_idx %arg12[%broadcast_in_dim3A_262], %min3A_287 masked %and3A_273 : memref<3136xf32, #tpu.memory_space<vmem>>[vector<16xi32>], vector<16xf32>, vector<16xi1>
          %gather3A_288 = tpu.vector_load_idx %arg13[%broadcast_in_dim3A_262] masked %and3A_273 : memref<3136xf32, #tpu.memory_space<vmem>>[vector<16xi32>], vector<16xf32>, vector<16xi1>
          %reduce_max3A_289 = arith.constant true
          %reduce_max3A_290 = vector.broadcast %reduce_max3A_289 : i1 to vector<16xi1>
          %reduce_max3A_291 = tpu.scan <max>, %scan3A_234 masked %reduce_max3A_290 : vector<16xf32>, vector<16xi1> -> vector<16xf32>
          %reduce_max3A_292 = vector.extract %reduce_max3A_291[15] : f32 from vector<16xf32>
          %max3A_293 = vector.broadcast %reduce_max3A_292 : f32 to vector<16xf32>
          %max3A_294 = arith.maximumf %gather3A_288, %max3A_293 : vector<16xf32>
          tpu.vector_store_idx %arg13[%broadcast_in_dim3A_262], %max3A_294 masked %and3A_273 : memref<3136xf32, #tpu.memory_space<vmem>>[vector<16xi32>], vector<16xf32>, vector<16xi1>
          %add3A_295 = vector.broadcast %add3A_245 : i32 to vector<16xi32>
          %add3A_296 = arith.addi %add3A_295, %iota3A : vector<16xi32>
          %ge3A_297 = vector.broadcast %max3A_223 : i32 to vector<16xi32>
          %ge3A_298 = arith.cmpi sge, %add3A_296, %ge3A_297 : vector<16xi32>
          %lt3A_299 = vector.broadcast %squeeze3A_5 : i32 to vector<16xi32>
          %lt3A_300 = arith.cmpi slt, %add3A_296, %lt3A_299 : vector<16xi32>
          %and3A_301 = arith.andi %ge3A_298, %lt3A_300 : vector<16xi1>
          %jit3A_302 = arith.constant 0.000000e+00 : f32
          %broadcast_in_dim3A_303 = vector.broadcast %jit3A_302 : f32 to vector<16xf32>
          %select_n3A_304 = arith.select %and3A_301, %get3A_240, %broadcast_in_dim3A_303 : vector<16xi1>, vector<16xf32>
          %jit3A_305 = arith.constant 0x7F800000 : f32
          %broadcast_in_dim3A_306 = vector.broadcast %jit3A_305 : f32 to vector<16xf32>
          %select_n3A_307 = arith.select %and3A_301, %get3A_240, %broadcast_in_dim3A_306 : vector<16xi1>, vector<16xf32>
          %jit3A_308 = arith.constant 0xFF800000 : f32
          %broadcast_in_dim3A_309 = vector.broadcast %jit3A_308 : f32 to vector<16xf32>
          %select_n3A_310 = arith.select %and3A_301, %get3A_240, %broadcast_in_dim3A_309 : vector<16xi1>, vector<16xf32>
          %sub3A_311 = arith.constant 1 : i32
          %sub3A_312 = vector.broadcast %sub3A_311 : i32 to vector<16xi32>
          %sub3A_313 = arith.subi %iota3A, %sub3A_312 : vector<16xi32>
          %max3A_314 = arith.constant 0 : i32
          %max3A_315 = vector.broadcast %max3A_314 : i32 to vector<16xi32>
          %max3A_316 = arith.maxsi %sub3A_313, %max3A_315 : vector<16xi32>
          %lt3A_317 = arith.constant 0 : i32
          %lt3A_318 = vector.broadcast %lt3A_317 : i32 to vector<16xi32>
          %lt3A_319 = arith.cmpi slt, %max3A_316, %lt3A_318 : vector<16xi32>
          %add3A_320 = arith.constant 16 : i32
          %add3A_321 = vector.broadcast %add3A_320 : i32 to vector<16xi32>
          %add3A_322 = arith.addi %max3A_316, %add3A_321 : vector<16xi32>
          %select_n3A_323 = arith.select %lt3A_319, %add3A_322, %max3A_316 : vector<16xi1>, vector<16xi32>
          %broadcast_in_dim3A_324 = vector.shape_cast %select_n3A_323 : vector<16xi32> to vector<16x1xi32>
          %gather3A_325 = vector.shape_cast %broadcast_in_dim3A_324 : vector<16x1xi32> to vector<16xi32>
          %gather3A_326 = tpu.dynamic_gather %get3A_238[%gather3A_325] in [0] : vector<16xi32>, vector<16xi32> -> vector<16xi32>
          %eq3A_327 = arith.cmpi eq, %gather3A_326, %get3A_238 : vector<16xi32>
          %ge3A_328 = arith.constant 1 : i32
          %ge3A_329 = vector.broadcast %ge3A_328 : i32 to vector<16xi32>
          %ge3A_330 = arith.cmpi sge, %iota3A, %ge3A_329 : vector<16xi32>
          %and3A_331 = arith.andi %eq3A_327, %ge3A_330 : vector<16xi1>
          %lt3A_332 = arith.constant 0 : i32
          %lt3A_333 = vector.broadcast %lt3A_332 : i32 to vector<16xi32>
          %lt3A_334 = arith.cmpi slt, %max3A_316, %lt3A_333 : vector<16xi32>
          %add3A_335 = arith.constant 16 : i32
          %add3A_336 = vector.broadcast %add3A_335 : i32 to vector<16xi32>
          %add3A_337 = arith.addi %max3A_316, %add3A_336 : vector<16xi32>
          %select_n3A_338 = arith.select %lt3A_334, %add3A_337, %max3A_316 : vector<16xi1>, vector<16xi32>
          %broadcast_in_dim3A_339 = vector.shape_cast %select_n3A_338 : vector<16xi32> to vector<16x1xi32>
          %gather3A_340 = vector.shape_cast %broadcast_in_dim3A_339 : vector<16x1xi32> to vector<16xi32>
          %gather3A_341 = tpu.dynamic_gather %select_n3A_304[%gather3A_340] in [0] : vector<16xf32>, vector<16xi32> -> vector<16xf32>
          %jit3A_342 = arith.constant 0.000000e+00 : f32
          %broadcast_in_dim3A_343 = vector.broadcast %jit3A_342 : f32 to vector<16xf32>
          %select_n3A_344 = arith.select %and3A_331, %gather3A_341, %broadcast_in_dim3A_343 : vector<16xi1>, vector<16xf32>
          %add3A_345 = arith.addf %select_n3A_304, %select_n3A_344 : vector<16xf32>
          %lt3A_346 = arith.constant 0 : i32
          %lt3A_347 = vector.broadcast %lt3A_346 : i32 to vector<16xi32>
          %lt3A_348 = arith.cmpi slt, %max3A_316, %lt3A_347 : vector<16xi32>
          %add3A_349 = arith.constant 16 : i32
          %add3A_350 = vector.broadcast %add3A_349 : i32 to vector<16xi32>
          %add3A_351 = arith.addi %max3A_316, %add3A_350 : vector<16xi32>
          %select_n3A_352 = arith.select %lt3A_348, %add3A_351, %max3A_316 : vector<16xi1>, vector<16xi32>
          %broadcast_in_dim3A_353 = vector.shape_cast %select_n3A_352 : vector<16xi32> to vector<16x1xi32>
          %gather3A_354 = vector.shape_cast %broadcast_in_dim3A_353 : vector<16x1xi32> to vector<16xi32>
          %gather3A_355 = tpu.dynamic_gather %select_n3A_307[%gather3A_354] in [0] : vector<16xf32>, vector<16xi32> -> vector<16xf32>
          %jit3A_356 = arith.constant 0x7F800000 : f32
          %broadcast_in_dim3A_357 = vector.broadcast %jit3A_356 : f32 to vector<16xf32>
          %select_n3A_358 = arith.select %and3A_331, %gather3A_355, %broadcast_in_dim3A_357 : vector<16xi1>, vector<16xf32>
          %min3A_359 = arith.minimumf %select_n3A_307, %select_n3A_358 : vector<16xf32>
          %lt3A_360 = arith.constant 0 : i32
          %lt3A_361 = vector.broadcast %lt3A_360 : i32 to vector<16xi32>
          %lt3A_362 = arith.cmpi slt, %max3A_316, %lt3A_361 : vector<16xi32>
          %add3A_363 = arith.constant 16 : i32
          %add3A_364 = vector.broadcast %add3A_363 : i32 to vector<16xi32>
          %add3A_365 = arith.addi %max3A_316, %add3A_364 : vector<16xi32>
          %select_n3A_366 = arith.select %lt3A_362, %add3A_365, %max3A_316 : vector<16xi1>, vector<16xi32>
          %broadcast_in_dim3A_367 = vector.shape_cast %select_n3A_366 : vector<16xi32> to vector<16x1xi32>
          %gather3A_368 = vector.shape_cast %broadcast_in_dim3A_367 : vector<16x1xi32> to vector<16xi32>
          %gather3A_369 = tpu.dynamic_gather %select_n3A_310[%gather3A_368] in [0] : vector<16xf32>, vector<16xi32> -> vector<16xf32>
          %jit3A_370 = arith.constant 0xFF800000 : f32
          %broadcast_in_dim3A_371 = vector.broadcast %jit3A_370 : f32 to vector<16xf32>
          %select_n3A_372 = arith.select %and3A_331, %gather3A_369, %broadcast_in_dim3A_371 : vector<16xi1>, vector<16xf32>
          %max3A_373 = arith.maximumf %select_n3A_310, %select_n3A_372 : vector<16xf32>
          %sub3A_374 = arith.constant 2 : i32
          %sub3A_375 = vector.broadcast %sub3A_374 : i32 to vector<16xi32>
          %sub3A_376 = arith.subi %iota3A, %sub3A_375 : vector<16xi32>
          %max3A_377 = arith.constant 0 : i32
          %max3A_378 = vector.broadcast %max3A_377 : i32 to vector<16xi32>
          %max3A_379 = arith.maxsi %sub3A_376, %max3A_378 : vector<16xi32>
          %lt3A_380 = arith.constant 0 : i32
          %lt3A_381 = vector.broadcast %lt3A_380 : i32 to vector<16xi32>
          %lt3A_382 = arith.cmpi slt, %max3A_379, %lt3A_381 : vector<16xi32>
          %add3A_383 = arith.constant 16 : i32
          %add3A_384 = vector.broadcast %add3A_383 : i32 to vector<16xi32>
          %add3A_385 = arith.addi %max3A_379, %add3A_384 : vector<16xi32>
          %select_n3A_386 = arith.select %lt3A_382, %add3A_385, %max3A_379 : vector<16xi1>, vector<16xi32>
          %broadcast_in_dim3A_387 = vector.shape_cast %select_n3A_386 : vector<16xi32> to vector<16x1xi32>
          %gather3A_388 = vector.shape_cast %broadcast_in_dim3A_387 : vector<16x1xi32> to vector<16xi32>
          %gather3A_389 = tpu.dynamic_gather %get3A_238[%gather3A_388] in [0] : vector<16xi32>, vector<16xi32> -> vector<16xi32>
          %eq3A_390 = arith.cmpi eq, %gather3A_389, %get3A_238 : vector<16xi32>
          %ge3A_391 = arith.constant 2 : i32
          %ge3A_392 = vector.broadcast %ge3A_391 : i32 to vector<16xi32>
          %ge3A_393 = arith.cmpi sge, %iota3A, %ge3A_392 : vector<16xi32>
          %and3A_394 = arith.andi %eq3A_390, %ge3A_393 : vector<16xi1>
          %lt3A_395 = arith.constant 0 : i32
          %lt3A_396 = vector.broadcast %lt3A_395 : i32 to vector<16xi32>
          %lt3A_397 = arith.cmpi slt, %max3A_379, %lt3A_396 : vector<16xi32>
          %add3A_398 = arith.constant 16 : i32
          %add3A_399 = vector.broadcast %add3A_398 : i32 to vector<16xi32>
          %add3A_400 = arith.addi %max3A_379, %add3A_399 : vector<16xi32>
          %select_n3A_401 = arith.select %lt3A_397, %add3A_400, %max3A_379 : vector<16xi1>, vector<16xi32>
          %broadcast_in_dim3A_402 = vector.shape_cast %select_n3A_401 : vector<16xi32> to vector<16x1xi32>
          %gather3A_403 = vector.shape_cast %broadcast_in_dim3A_402 : vector<16x1xi32> to vector<16xi32>
          %gather3A_404 = tpu.dynamic_gather %add3A_345[%gather3A_403] in [0] : vector<16xf32>, vector<16xi32> -> vector<16xf32>
          %jit3A_405 = arith.constant 0.000000e+00 : f32
          %broadcast_in_dim3A_406 = vector.broadcast %jit3A_405 : f32 to vector<16xf32>
          %select_n3A_407 = arith.select %and3A_394, %gather3A_404, %broadcast_in_dim3A_406 : vector<16xi1>, vector<16xf32>
          %add3A_408 = arith.addf %add3A_345, %select_n3A_407 : vector<16xf32>
          %lt3A_409 = arith.constant 0 : i32
          %lt3A_410 = vector.broadcast %lt3A_409 : i32 to vector<16xi32>
          %lt3A_411 = arith.cmpi slt, %max3A_379, %lt3A_410 : vector<16xi32>
          %add3A_412 = arith.constant 16 : i32
          %add3A_413 = vector.broadcast %add3A_412 : i32 to vector<16xi32>
          %add3A_414 = arith.addi %max3A_379, %add3A_413 : vector<16xi32>
          %select_n3A_415 = arith.select %lt3A_411, %add3A_414, %max3A_379 : vector<16xi1>, vector<16xi32>
          %broadcast_in_dim3A_416 = vector.shape_cast %select_n3A_415 : vector<16xi32> to vector<16x1xi32>
          %gather3A_417 = vector.shape_cast %broadcast_in_dim3A_416 : vector<16x1xi32> to vector<16xi32>
          %gather3A_418 = tpu.dynamic_gather %min3A_359[%gather3A_417] in [0] : vector<16xf32>, vector<16xi32> -> vector<16xf32>
          %jit3A_419 = arith.constant 0x7F800000 : f32
          %broadcast_in_dim3A_420 = vector.broadcast %jit3A_419 : f32 to vector<16xf32>
          %select_n3A_421 = arith.select %and3A_394, %gather3A_418, %broadcast_in_dim3A_420 : vector<16xi1>, vector<16xf32>
          %min3A_422 = arith.minimumf %min3A_359, %select_n3A_421 : vector<16xf32>
          %lt3A_423 = arith.constant 0 : i32
          %lt3A_424 = vector.broadcast %lt3A_423 : i32 to vector<16xi32>
          %lt3A_425 = arith.cmpi slt, %max3A_379, %lt3A_424 : vector<16xi32>
          %add3A_426 = arith.constant 16 : i32
          %add3A_427 = vector.broadcast %add3A_426 : i32 to vector<16xi32>
          %add3A_428 = arith.addi %max3A_379, %add3A_427 : vector<16xi32>
          %select_n3A_429 = arith.select %lt3A_425, %add3A_428, %max3A_379 : vector<16xi1>, vector<16xi32>
          %broadcast_in_dim3A_430 = vector.shape_cast %select_n3A_429 : vector<16xi32> to vector<16x1xi32>
          %gather3A_431 = vector.shape_cast %broadcast_in_dim3A_430 : vector<16x1xi32> to vector<16xi32>
          %gather3A_432 = tpu.dynamic_gather %max3A_373[%gather3A_431] in [0] : vector<16xf32>, vector<16xi32> -> vector<16xf32>
          %jit3A_433 = arith.constant 0xFF800000 : f32
          %broadcast_in_dim3A_434 = vector.broadcast %jit3A_433 : f32 to vector<16xf32>
          %select_n3A_435 = arith.select %and3A_394, %gather3A_432, %broadcast_in_dim3A_434 : vector<16xi1>, vector<16xf32>
          %max3A_436 = arith.maximumf %max3A_373, %select_n3A_435 : vector<16xf32>
          %sub3A_437 = arith.constant 4 : i32
          %sub3A_438 = vector.broadcast %sub3A_437 : i32 to vector<16xi32>
          %sub3A_439 = arith.subi %iota3A, %sub3A_438 : vector<16xi32>
          %max3A_440 = arith.constant 0 : i32
          %max3A_441 = vector.broadcast %max3A_440 : i32 to vector<16xi32>
          %max3A_442 = arith.maxsi %sub3A_439, %max3A_441 : vector<16xi32>
          %lt3A_443 = arith.constant 0 : i32
          %lt3A_444 = vector.broadcast %lt3A_443 : i32 to vector<16xi32>
          %lt3A_445 = arith.cmpi slt, %max3A_442, %lt3A_444 : vector<16xi32>
          %add3A_446 = arith.constant 16 : i32
          %add3A_447 = vector.broadcast %add3A_446 : i32 to vector<16xi32>
          %add3A_448 = arith.addi %max3A_442, %add3A_447 : vector<16xi32>
          %select_n3A_449 = arith.select %lt3A_445, %add3A_448, %max3A_442 : vector<16xi1>, vector<16xi32>
          %broadcast_in_dim3A_450 = vector.shape_cast %select_n3A_449 : vector<16xi32> to vector<16x1xi32>
          %gather3A_451 = vector.shape_cast %broadcast_in_dim3A_450 : vector<16x1xi32> to vector<16xi32>
          %gather3A_452 = tpu.dynamic_gather %get3A_238[%gather3A_451] in [0] : vector<16xi32>, vector<16xi32> -> vector<16xi32>
          %eq3A_453 = arith.cmpi eq, %gather3A_452, %get3A_238 : vector<16xi32>
          %ge3A_454 = arith.constant 4 : i32
          %ge3A_455 = vector.broadcast %ge3A_454 : i32 to vector<16xi32>
          %ge3A_456 = arith.cmpi sge, %iota3A, %ge3A_455 : vector<16xi32>
          %and3A_457 = arith.andi %eq3A_453, %ge3A_456 : vector<16xi1>
          %lt3A_458 = arith.constant 0 : i32
          %lt3A_459 = vector.broadcast %lt3A_458 : i32 to vector<16xi32>
          %lt3A_460 = arith.cmpi slt, %max3A_442, %lt3A_459 : vector<16xi32>
          %add3A_461 = arith.constant 16 : i32
          %add3A_462 = vector.broadcast %add3A_461 : i32 to vector<16xi32>
          %add3A_463 = arith.addi %max3A_442, %add3A_462 : vector<16xi32>
          %select_n3A_464 = arith.select %lt3A_460, %add3A_463, %max3A_442 : vector<16xi1>, vector<16xi32>
          %broadcast_in_dim3A_465 = vector.shape_cast %select_n3A_464 : vector<16xi32> to vector<16x1xi32>
          %gather3A_466 = vector.shape_cast %broadcast_in_dim3A_465 : vector<16x1xi32> to vector<16xi32>
          %gather3A_467 = tpu.dynamic_gather %add3A_408[%gather3A_466] in [0] : vector<16xf32>, vector<16xi32> -> vector<16xf32>
          %jit3A_468 = arith.constant 0.000000e+00 : f32
          %broadcast_in_dim3A_469 = vector.broadcast %jit3A_468 : f32 to vector<16xf32>
          %select_n3A_470 = arith.select %and3A_457, %gather3A_467, %broadcast_in_dim3A_469 : vector<16xi1>, vector<16xf32>
          %add3A_471 = arith.addf %add3A_408, %select_n3A_470 : vector<16xf32>
          %lt3A_472 = arith.constant 0 : i32
          %lt3A_473 = vector.broadcast %lt3A_472 : i32 to vector<16xi32>
          %lt3A_474 = arith.cmpi slt, %max3A_442, %lt3A_473 : vector<16xi32>
          %add3A_475 = arith.constant 16 : i32
          %add3A_476 = vector.broadcast %add3A_475 : i32 to vector<16xi32>
          %add3A_477 = arith.addi %max3A_442, %add3A_476 : vector<16xi32>
          %select_n3A_478 = arith.select %lt3A_474, %add3A_477, %max3A_442 : vector<16xi1>, vector<16xi32>
          %broadcast_in_dim3A_479 = vector.shape_cast %select_n3A_478 : vector<16xi32> to vector<16x1xi32>
          %gather3A_480 = vector.shape_cast %broadcast_in_dim3A_479 : vector<16x1xi32> to vector<16xi32>
          %gather3A_481 = tpu.dynamic_gather %min3A_422[%gather3A_480] in [0] : vector<16xf32>, vector<16xi32> -> vector<16xf32>
          %jit3A_482 = arith.constant 0x7F800000 : f32
          %broadcast_in_dim3A_483 = vector.broadcast %jit3A_482 : f32 to vector<16xf32>
          %select_n3A_484 = arith.select %and3A_457, %gather3A_481, %broadcast_in_dim3A_483 : vector<16xi1>, vector<16xf32>
          %min3A_485 = arith.minimumf %min3A_422, %select_n3A_484 : vector<16xf32>
          %lt3A_486 = arith.constant 0 : i32
          %lt3A_487 = vector.broadcast %lt3A_486 : i32 to vector<16xi32>
          %lt3A_488 = arith.cmpi slt, %max3A_442, %lt3A_487 : vector<16xi32>
          %add3A_489 = arith.constant 16 : i32
          %add3A_490 = vector.broadcast %add3A_489 : i32 to vector<16xi32>
          %add3A_491 = arith.addi %max3A_442, %add3A_490 : vector<16xi32>
          %select_n3A_492 = arith.select %lt3A_488, %add3A_491, %max3A_442 : vector<16xi1>, vector<16xi32>
          %broadcast_in_dim3A_493 = vector.shape_cast %select_n3A_492 : vector<16xi32> to vector<16x1xi32>
          %gather3A_494 = vector.shape_cast %broadcast_in_dim3A_493 : vector<16x1xi32> to vector<16xi32>
          %gather3A_495 = tpu.dynamic_gather %max3A_436[%gather3A_494] in [0] : vector<16xf32>, vector<16xi32> -> vector<16xf32>
          %jit3A_496 = arith.constant 0xFF800000 : f32
          %broadcast_in_dim3A_497 = vector.broadcast %jit3A_496 : f32 to vector<16xf32>
          %select_n3A_498 = arith.select %and3A_457, %gather3A_495, %broadcast_in_dim3A_497 : vector<16xi1>, vector<16xf32>
          %max3A_499 = arith.maximumf %max3A_436, %select_n3A_498 : vector<16xf32>
          %sub3A_500 = arith.constant 8 : i32
          %sub3A_501 = vector.broadcast %sub3A_500 : i32 to vector<16xi32>
          %sub3A_502 = arith.subi %iota3A, %sub3A_501 : vector<16xi32>
          %max3A_503 = arith.constant 0 : i32
          %max3A_504 = vector.broadcast %max3A_503 : i32 to vector<16xi32>
          %max3A_505 = arith.maxsi %sub3A_502, %max3A_504 : vector<16xi32>
          %lt3A_506 = arith.constant 0 : i32
          %lt3A_507 = vector.broadcast %lt3A_506 : i32 to vector<16xi32>
          %lt3A_508 = arith.cmpi slt, %max3A_505, %lt3A_507 : vector<16xi32>
          %add3A_509 = arith.constant 16 : i32
          %add3A_510 = vector.broadcast %add3A_509 : i32 to vector<16xi32>
          %add3A_511 = arith.addi %max3A_505, %add3A_510 : vector<16xi32>
          %select_n3A_512 = arith.select %lt3A_508, %add3A_511, %max3A_505 : vector<16xi1>, vector<16xi32>
          %broadcast_in_dim3A_513 = vector.shape_cast %select_n3A_512 : vector<16xi32> to vector<16x1xi32>
          %gather3A_514 = vector.shape_cast %broadcast_in_dim3A_513 : vector<16x1xi32> to vector<16xi32>
          %gather3A_515 = tpu.dynamic_gather %get3A_238[%gather3A_514] in [0] : vector<16xi32>, vector<16xi32> -> vector<16xi32>
          %eq3A_516 = arith.cmpi eq, %gather3A_515, %get3A_238 : vector<16xi32>
          %ge3A_517 = arith.constant 8 : i32
          %ge3A_518 = vector.broadcast %ge3A_517 : i32 to vector<16xi32>
          %ge3A_519 = arith.cmpi sge, %iota3A, %ge3A_518 : vector<16xi32>
          %and3A_520 = arith.andi %eq3A_516, %ge3A_519 : vector<16xi1>
          %lt3A_521 = arith.constant 0 : i32
          %lt3A_522 = vector.broadcast %lt3A_521 : i32 to vector<16xi32>
          %lt3A_523 = arith.cmpi slt, %max3A_505, %lt3A_522 : vector<16xi32>
          %add3A_524 = arith.constant 16 : i32
          %add3A_525 = vector.broadcast %add3A_524 : i32 to vector<16xi32>
          %add3A_526 = arith.addi %max3A_505, %add3A_525 : vector<16xi32>
          %select_n3A_527 = arith.select %lt3A_523, %add3A_526, %max3A_505 : vector<16xi1>, vector<16xi32>
          %broadcast_in_dim3A_528 = vector.shape_cast %select_n3A_527 : vector<16xi32> to vector<16x1xi32>
          %gather3A_529 = vector.shape_cast %broadcast_in_dim3A_528 : vector<16x1xi32> to vector<16xi32>
          %gather3A_530 = tpu.dynamic_gather %add3A_471[%gather3A_529] in [0] : vector<16xf32>, vector<16xi32> -> vector<16xf32>
          %jit3A_531 = arith.constant 0.000000e+00 : f32
          %broadcast_in_dim3A_532 = vector.broadcast %jit3A_531 : f32 to vector<16xf32>
          %select_n3A_533 = arith.select %and3A_520, %gather3A_530, %broadcast_in_dim3A_532 : vector<16xi1>, vector<16xf32>
          %add3A_534 = arith.addf %add3A_471, %select_n3A_533 : vector<16xf32>
          %lt3A_535 = arith.constant 0 : i32
          %lt3A_536 = vector.broadcast %lt3A_535 : i32 to vector<16xi32>
          %lt3A_537 = arith.cmpi slt, %max3A_505, %lt3A_536 : vector<16xi32>
          %add3A_538 = arith.constant 16 : i32
          %add3A_539 = vector.broadcast %add3A_538 : i32 to vector<16xi32>
          %add3A_540 = arith.addi %max3A_505, %add3A_539 : vector<16xi32>
          %select_n3A_541 = arith.select %lt3A_537, %add3A_540, %max3A_505 : vector<16xi1>, vector<16xi32>
          %broadcast_in_dim3A_542 = vector.shape_cast %select_n3A_541 : vector<16xi32> to vector<16x1xi32>
          %gather3A_543 = vector.shape_cast %broadcast_in_dim3A_542 : vector<16x1xi32> to vector<16xi32>
          %gather3A_544 = tpu.dynamic_gather %min3A_485[%gather3A_543] in [0] : vector<16xf32>, vector<16xi32> -> vector<16xf32>
          %jit3A_545 = arith.constant 0x7F800000 : f32
          %broadcast_in_dim3A_546 = vector.broadcast %jit3A_545 : f32 to vector<16xf32>
          %select_n3A_547 = arith.select %and3A_520, %gather3A_544, %broadcast_in_dim3A_546 : vector<16xi1>, vector<16xf32>
          %min3A_548 = arith.minimumf %min3A_485, %select_n3A_547 : vector<16xf32>
          %lt3A_549 = arith.constant 0 : i32
          %lt3A_550 = vector.broadcast %lt3A_549 : i32 to vector<16xi32>
          %lt3A_551 = arith.cmpi slt, %max3A_505, %lt3A_550 : vector<16xi32>
          %add3A_552 = arith.constant 16 : i32
          %add3A_553 = vector.broadcast %add3A_552 : i32 to vector<16xi32>
          %add3A_554 = arith.addi %max3A_505, %add3A_553 : vector<16xi32>
          %select_n3A_555 = arith.select %lt3A_551, %add3A_554, %max3A_505 : vector<16xi1>, vector<16xi32>
          %broadcast_in_dim3A_556 = vector.shape_cast %select_n3A_555 : vector<16xi32> to vector<16x1xi32>
          %gather3A_557 = vector.shape_cast %broadcast_in_dim3A_556 : vector<16x1xi32> to vector<16xi32>
          %gather3A_558 = tpu.dynamic_gather %max3A_499[%gather3A_557] in [0] : vector<16xf32>, vector<16xi32> -> vector<16xf32>
          %jit3A_559 = arith.constant 0xFF800000 : f32
          %broadcast_in_dim3A_560 = vector.broadcast %jit3A_559 : f32 to vector<16xf32>
          %select_n3A_561 = arith.select %and3A_520, %gather3A_558, %broadcast_in_dim3A_560 : vector<16xi1>, vector<16xf32>
          %max3A_562 = arith.maximumf %max3A_499, %select_n3A_561 : vector<16xf32>
          %add3A_563 = arith.constant 1 : i32
          %add3A_564 = vector.broadcast %add3A_563 : i32 to vector<16xi32>
          %add3A_565 = arith.addi %iota3A, %add3A_564 : vector<16xi32>
          %min3A_566 = arith.constant 15 : i32
          %min3A_567 = vector.broadcast %min3A_566 : i32 to vector<16xi32>
          %min3A_568 = arith.minsi %add3A_565, %min3A_567 : vector<16xi32>
          %lt3A_569 = arith.constant 0 : i32
          %lt3A_570 = vector.broadcast %lt3A_569 : i32 to vector<16xi32>
          %lt3A_571 = arith.cmpi slt, %min3A_568, %lt3A_570 : vector<16xi32>
          %add3A_572 = arith.constant 16 : i32
          %add3A_573 = vector.broadcast %add3A_572 : i32 to vector<16xi32>
          %add3A_574 = arith.addi %min3A_568, %add3A_573 : vector<16xi32>
          %select_n3A_575 = arith.select %lt3A_571, %add3A_574, %min3A_568 : vector<16xi1>, vector<16xi32>
          %broadcast_in_dim3A_576 = vector.shape_cast %select_n3A_575 : vector<16xi32> to vector<16x1xi32>
          %gather3A_577 = vector.shape_cast %broadcast_in_dim3A_576 : vector<16x1xi32> to vector<16xi32>
          %gather3A_578 = tpu.dynamic_gather %get3A_238[%gather3A_577] in [0] : vector<16xi32>, vector<16xi32> -> vector<16xi32>
          %ne3A_579 = arith.cmpi ne, %get3A_238, %gather3A_578 : vector<16xi32>
          %eq3A_580 = arith.constant 15 : i32
          %eq3A_581 = vector.broadcast %eq3A_580 : i32 to vector<16xi32>
          %eq3A_582 = arith.cmpi eq, %iota3A, %eq3A_581 : vector<16xi32>
          %or3A = arith.ori %ne3A_579, %eq3A_582 : vector<16xi1>
          %and3A_583 = arith.andi %or3A, %and3A_301 : vector<16xi1>
          %sub3A_584 = vector.broadcast %multiple_of3A : i32 to vector<16xi32>
          %sub3A_585 = arith.subi %get3A_238, %sub3A_584 : vector<16xi32>
          %jit3A_586 = arith.constant 0 : i32
          %jit3A_587 = arith.constant 3135 : i32
          %max3A_588 = vector.broadcast %jit3A_586 : i32 to vector<16xi32>
          %max3A_589 = arith.maxsi %max3A_588, %sub3A_585 : vector<16xi32>
          %min3A_590 = vector.broadcast %jit3A_587 : i32 to vector<16xi32>
          %min3A_591 = arith.minsi %min3A_590, %max3A_589 : vector<16xi32>
          %gather3A_592 = tpu.vector_load_idx %arg11[%min3A_591] masked %and3A_583 : memref<3136xf32, #tpu.memory_space<vmem>>[vector<16xi32>], vector<16xf32>, vector<16xi1>
          %add3A_593 = arith.addf %gather3A_592, %add3A_534 : vector<16xf32>
          tpu.vector_store_idx %arg11[%min3A_591], %add3A_593 masked %and3A_583 : memref<3136xf32, #tpu.memory_space<vmem>>[vector<16xi32>], vector<16xf32>, vector<16xi1>
          %gather3A_594 = tpu.vector_load_idx %arg12[%min3A_591] masked %and3A_583 : memref<3136xf32, #tpu.memory_space<vmem>>[vector<16xi32>], vector<16xf32>, vector<16xi1>
          %min3A_595 = arith.minimumf %gather3A_594, %min3A_548 : vector<16xf32>
          tpu.vector_store_idx %arg12[%min3A_591], %min3A_595 masked %and3A_583 : memref<3136xf32, #tpu.memory_space<vmem>>[vector<16xi32>], vector<16xf32>, vector<16xi1>
          %gather3A_596 = tpu.vector_load_idx %arg13[%min3A_591] masked %and3A_583 : memref<3136xf32, #tpu.memory_space<vmem>>[vector<16xi32>], vector<16xf32>, vector<16xi1>
          %max3A_597 = arith.maximumf %gather3A_596, %max3A_562 : vector<16xf32>
          tpu.vector_store_idx %arg13[%min3A_591], %max3A_597 masked %and3A_583 : memref<3136xf32, #tpu.memory_space<vmem>>[vector<16xi32>], vector<16xf32>, vector<16xi1>
          %broadcast_in_dim3A_598 = arith.constant 0.000000e+00 : f32
          %broadcast_in_dim3A_599 = vector.broadcast %broadcast_in_dim3A_598 : f32 to vector<16xf32>
          %add3A_600 = arith.constant 0x7F800000 : f32
          %add3A_601 = vector.broadcast %add3A_600 : f32 to vector<16xf32>
          %add3A_602 = arith.addf %broadcast_in_dim3A_599, %add3A_601 : vector<16xf32>
          %add3A_603 = arith.constant 0xFF800000 : f32
          %add3A_604 = vector.broadcast %add3A_603 : f32 to vector<16xf32>
          %add3A_605 = arith.addf %broadcast_in_dim3A_599, %add3A_604 : vector<16xf32>
          scf.yield %squeeze3A_244, %broadcast_in_dim3A_599, %add3A_602, %add3A_605 : i32, vector<16xf32>, vector<16xf32>, vector<16xf32>
        }
        scf.yield %cond3A_256#0, %cond3A_256#1, %cond3A_256#2, %cond3A_256#3 : i32, vector<16xf32>, vector<16xf32>, vector<16xf32>
      }
      %scan3A_229 = arith.constant 512 : i32
      scf.yield %scan3A_228#0, %scan3A_228#1, %scan3A_228#2, %scan3A_228#3 : i32, vector<16xf32>, vector<16xf32>, vector<16xf32>
    }
    %sub3A_51 = arith.subi %while3A_50#0, %multiple_of3A : i32
    %jit3A_52 = arith.constant 0 : i32
    %jit3A_53 = arith.constant 3135 : i32
    %max3A = arith.maxsi %jit3A_52, %sub3A_51 : i32
    %min3A = arith.minsi %jit3A_53, %max3A : i32
    %broadcast_in_dim3A_54 = vector.broadcast %min3A : i32 to vector<16xi32>
    %eq3A = arith.constant 0 : i32
    %eq3A_55 = vector.broadcast %eq3A : i32 to vector<16xi32>
    %eq3A_56 = arith.cmpi eq, %iota3A, %eq3A_55 : vector<16xi32>
    %ge3A = arith.cmpi sge, %while3A_50#0, %multiple_of3A : i32
    %and3A_57 = vector.broadcast %ge3A : i1 to vector<16xi1>
    %and3A_58 = arith.andi %eq3A_56, %and3A_57 : vector<16xi1>
    %add3A_59 = arith.constant 3136 : i32
    %add3A_60 = arith.addi %multiple_of3A, %add3A_59 : i32
    %lt3A = arith.cmpi slt, %while3A_50#0, %add3A_60 : i32
    %and3A_61 = vector.broadcast %lt3A : i1 to vector<16xi1>
    %and3A_62 = arith.andi %and3A_58, %and3A_61 : vector<16xi1>
    %gather3A = tpu.vector_load_idx %arg11[%broadcast_in_dim3A_54] masked %and3A_62 : memref<3136xf32, #tpu.memory_space<vmem>>[vector<16xi32>], vector<16xf32>, vector<16xi1>
    %reduce_sum3A = arith.constant true
    %reduce_sum3A_63 = vector.broadcast %reduce_sum3A : i1 to vector<16xi1>
    %reduce_sum3A_64 = tpu.scan <sum>, %while3A_50#1 masked %reduce_sum3A_63 : vector<16xf32>, vector<16xi1> -> vector<16xf32>
    %reduce_sum3A_65 = vector.extract %reduce_sum3A_64[15] : f32 from vector<16xf32>
    %add3A_66 = vector.broadcast %reduce_sum3A_65 : f32 to vector<16xf32>
    %add3A_67 = arith.addf %gather3A, %add3A_66 : vector<16xf32>
    tpu.vector_store_idx %arg11[%broadcast_in_dim3A_54], %add3A_67 masked %and3A_62 : memref<3136xf32, #tpu.memory_space<vmem>>[vector<16xi32>], vector<16xf32>, vector<16xi1>
    %gather3A_68 = tpu.vector_load_idx %arg12[%broadcast_in_dim3A_54] masked %and3A_62 : memref<3136xf32, #tpu.memory_space<vmem>>[vector<16xi32>], vector<16xf32>, vector<16xi1>
    %reduce_min3A = arith.constant true
    %reduce_min3A_69 = vector.broadcast %reduce_min3A : i1 to vector<16xi1>
    %reduce_min3A_70 = tpu.scan <min>, %while3A_50#2 masked %reduce_min3A_69 : vector<16xf32>, vector<16xi1> -> vector<16xf32>
    %reduce_min3A_71 = vector.extract %reduce_min3A_70[15] : f32 from vector<16xf32>
    %min3A_72 = vector.broadcast %reduce_min3A_71 : f32 to vector<16xf32>
    %min3A_73 = arith.minimumf %gather3A_68, %min3A_72 : vector<16xf32>
    tpu.vector_store_idx %arg12[%broadcast_in_dim3A_54], %min3A_73 masked %and3A_62 : memref<3136xf32, #tpu.memory_space<vmem>>[vector<16xi32>], vector<16xf32>, vector<16xi1>
    %gather3A_74 = tpu.vector_load_idx %arg13[%broadcast_in_dim3A_54] masked %and3A_62 : memref<3136xf32, #tpu.memory_space<vmem>>[vector<16xi32>], vector<16xf32>, vector<16xi1>
    %reduce_max3A = arith.constant true
    %reduce_max3A_75 = vector.broadcast %reduce_max3A : i1 to vector<16xi1>
    %reduce_max3A_76 = tpu.scan <max>, %while3A_50#3 masked %reduce_max3A_75 : vector<16xf32>, vector<16xi1> -> vector<16xf32>
    %reduce_max3A_77 = vector.extract %reduce_max3A_76[15] : f32 from vector<16xf32>
    %max3A_78 = vector.broadcast %reduce_max3A_77 : f32 to vector<16xf32>
    %max3A_79 = arith.maximumf %gather3A_74, %max3A_78 : vector<16xf32>
    tpu.vector_store_idx %arg13[%broadcast_in_dim3A_54], %max3A_79 masked %and3A_62 : memref<3136xf32, #tpu.memory_space<vmem>>[vector<16xi32>], vector<16xf32>, vector<16xi1>
    "tpu.region"() ({
      %run_scoped3A = tpu.sem_alloc : memref<!tpu.dma_semaphore, #tpu.memory_space<semaphore_mem>>
      %dma_start3A = arith.constant 0 : i32
      %dma_start3A_212 = tpu.memref_slice %arg16[%dma_start3A] : memref<3136xi32, #tpu.memory_space<vmem>> -> memref<3136xi32, #tpu.memory_space<vmem>>
      %dma_start3A_213 = tpu.memref_slice %arg5[%multiple_of3A] : memref<100352xi32, #tpu.memory_space<hbm>> -> memref<3136xi32, #tpu.memory_space<hbm>>
      %dma_start3A_214 = arith.constant 0 : i32
      %dma_start3A_215 = tpu.memref_slice %arg16[%dma_start3A_214] : memref<3136xi32, #tpu.memory_space<vmem>> -> memref<3136xi32, #tpu.memory_space<vmem>>
      %dma_start3A_216 = tpu.memref_slice %arg5[%multiple_of3A] : memref<100352xi32, #tpu.memory_space<hbm>> -> memref<3136xi32, #tpu.memory_space<hbm>>
      tpu.enqueue_dma source(%dma_start3A_216 : memref<3136xi32, #tpu.memory_space<hbm>>) target(%dma_start3A_215 : memref<3136xi32, #tpu.memory_space<vmem>>) target_semaphore(%run_scoped3A : memref<!tpu.dma_semaphore, #tpu.memory_space<semaphore_mem>>)
      %dma_wait3A = arith.constant 0 : i32
      %dma_wait3A_217 = tpu.memref_slice %arg16[%dma_wait3A] : memref<3136xi32, #tpu.memory_space<vmem>> -> memref<3136xi32, #tpu.memory_space<vmem>>
      %dma_wait3A_218 = tpu.memref_slice %arg5[%multiple_of3A] : memref<100352xi32, #tpu.memory_space<hbm>> -> memref<3136xi32, #tpu.memory_space<hbm>>
      %dma_wait3A_219 = arith.constant 0 : i32
      %dma_wait3A_220 = tpu.memref_slice %arg16[%dma_wait3A_219] : memref<3136xi32, #tpu.memory_space<vmem>> -> memref<3136xi32, #tpu.memory_space<vmem>>
      %dma_wait3A_221 = tpu.memref_slice %arg5[%multiple_of3A] : memref<100352xi32, #tpu.memory_space<hbm>> -> memref<3136xi32, #tpu.memory_space<hbm>>
      tpu.wait_dma2 semaphore(%run_scoped3A : memref<!tpu.dma_semaphore, #tpu.memory_space<semaphore_mem>>) src(%dma_wait3A_221 : memref<3136xi32, #tpu.memory_space<hbm>>) dst(%dma_wait3A_220 : memref<3136xi32, #tpu.memory_space<vmem>>)
      tpu.yield
    }) : () -> ()
    %scan3A_80 = arith.constant 0 : i32
    %scan3A_81 = arith.constant 0 : i32
    %scan3A_82 = arith.constant 196 : i32
    %scan3A_83 = arith.addi %scan3A_81, %scan3A_82 : i32
    %scan3A_84 = arith.constant 1 : i32
    %scan3A_85 = scf.for %scan3A_212 = %scan3A_81 to %scan3A_83 step %scan3A_84 iter_args(%scan3A_213 = %scan3A_80) -> (i32)  : i32 {
      %mul3A_214 = arith.constant 16 : i32
      %mul3A_215 = arith.muli %scan3A_212, %mul3A_214 : i32
      %get3A_216 = arith.index_cast %mul3A_215 : i32 to index
      %get3A_217 = tpu.vector_load %arg11[%get3A_216] {strides = array<i32>} : memref<3136xf32, #tpu.memory_space<vmem>>, vector<16xf32>,
      %get3A_218 = arith.index_cast %mul3A_215 : i32 to index
      %get3A_219 = tpu.vector_load %arg12[%get3A_218] {strides = array<i32>} : memref<3136xf32, #tpu.memory_space<vmem>>, vector<16xf32>,
      %get3A_220 = arith.index_cast %mul3A_215 : i32 to index
      %get3A_221 = tpu.vector_load %arg13[%get3A_220] {strides = array<i32>} : memref<3136xf32, #tpu.memory_space<vmem>>, vector<16xf32>,
      %get3A_222 = arith.index_cast %mul3A_215 : i32 to index
      %get3A_223 = tpu.vector_load %arg16[%get3A_222] {strides = array<i32>} : memref<3136xi32, #tpu.memory_space<vmem>>, vector<16xi32>,
      %convert_element_type3A = arith.sitofp %get3A_223 : vector<16xi32> to vector<16xf32>
      %neg3A = arith.constant 0.000000e+00 : f32
      %neg3A_224 = vector.broadcast %neg3A : f32 to vector<16xf32>
      %neg3A_225 = arith.subf %neg3A_224, %convert_element_type3A : vector<16xf32>
      %exp3A = math.exp %neg3A_225 : vector<16xf32>
      %sub3A_226 = arith.constant 5.000000e-01 : f32
      %sub3A_227 = vector.broadcast %sub3A_226 : f32 to vector<16xf32>
      %sub3A_228 = arith.subf %exp3A, %sub3A_227 : vector<16xf32>
      %mul3A_229 = arith.constant 4 : i32
      %mul3A_230 = arith.muli %mul3A_215, %mul3A_229 : i32
      %mul3A_231 = arith.constant 4 : i32
      %mul3A_232 = vector.broadcast %mul3A_231 : i32 to vector<16xi32>
      %mul3A_233 = arith.muli %mul3A_232, %iota3A : vector<16xi32>
      %add3A_234 = vector.broadcast %mul3A_230 : i32 to vector<16xi32>
      %add3A_235 = arith.addi %add3A_234, %mul3A_233 : vector<16xi32>
      tpu.vector_store_idx %arg14[%add3A_235], %get3A_217 : memref<12544xf32, #tpu.memory_space<vmem>>[vector<16xi32>], vector<16xf32>,
      %add3A_236 = arith.constant 1 : i32
      %add3A_237 = vector.broadcast %add3A_236 : i32 to vector<16xi32>
      %add3A_238 = arith.addi %add3A_235, %add3A_237 : vector<16xi32>
      tpu.vector_store_idx %arg14[%add3A_238], %get3A_219 : memref<12544xf32, #tpu.memory_space<vmem>>[vector<16xi32>], vector<16xf32>,
      %add3A_239 = arith.constant 2 : i32
      %add3A_240 = vector.broadcast %add3A_239 : i32 to vector<16xi32>
      %add3A_241 = arith.addi %add3A_235, %add3A_240 : vector<16xi32>
      tpu.vector_store_idx %arg14[%add3A_241], %get3A_221 : memref<12544xf32, #tpu.memory_space<vmem>>[vector<16xi32>], vector<16xf32>,
      %add3A_242 = arith.constant 3 : i32
      %add3A_243 = vector.broadcast %add3A_242 : i32 to vector<16xi32>
      %add3A_244 = arith.addi %add3A_235, %add3A_243 : vector<16xi32>
      tpu.vector_store_idx %arg14[%add3A_244], %sub3A_228 : memref<12544xf32, #tpu.memory_space<vmem>>[vector<16xi32>], vector<16xf32>,
      %scan3A_245 = arith.constant 0 : i32
      scf.yield %scan3A_245 : i32
    }
    %scan3A_86 = arith.constant 196 : i32
    %mul3A_87 = arith.constant 12544 : i32
    %mul3A_88 = arith.muli %add3A, %mul3A_87 : i32
    %multiple_of3A_89 = tpu.assume_multiple %mul3A_88, 16 : i32
    "tpu.region"() ({
      %run_scoped3A = tpu.sem_alloc : memref<!tpu.dma_semaphore, #tpu.memory_space<semaphore_mem>>
      %dma_start3A = tpu.memref_slice %arg9[%multiple_of3A_89] : memref<401408xf32, #tpu.memory_space<hbm>> -> memref<12544xf32, #tpu.memory_space<hbm>>
      %dma_start3A_212 = tpu.memref_slice %arg9[%multiple_of3A_89] : memref<401408xf32, #tpu.memory_space<hbm>> -> memref<12544xf32, #tpu.memory_space<hbm>>
      tpu.enqueue_dma source(%arg14 : memref<12544xf32, #tpu.memory_space<vmem>>) target(%dma_start3A_212 : memref<12544xf32, #tpu.memory_space<hbm>>) target_semaphore(%run_scoped3A : memref<!tpu.dma_semaphore, #tpu.memory_space<semaphore_mem>>)
      %dma_wait3A = tpu.memref_slice %arg9[%multiple_of3A_89] : memref<401408xf32, #tpu.memory_space<hbm>> -> memref<12544xf32, #tpu.memory_space<hbm>>
      %dma_wait3A_213 = tpu.memref_slice %arg9[%multiple_of3A_89] : memref<401408xf32, #tpu.memory_space<hbm>> -> memref<12544xf32, #tpu.memory_space<hbm>>
      tpu.wait_dma2 semaphore(%run_scoped3A : memref<!tpu.dma_semaphore, #tpu.memory_space<semaphore_mem>>) src(%arg14 : memref<12544xf32, #tpu.memory_space<vmem>>) dst(%dma_wait3A_213 : memref<12544xf32, #tpu.memory_space<hbm>>)
      tpu.yield
    }) : () -> ()
    %mul3A_90 = arith.constant 1568 : i32
    %mul3A_91 = arith.muli %add3A, %mul3A_90 : i32
    %multiple_of3A_92 = tpu.assume_multiple %mul3A_91, 16 : i32
    "tpu.region"() ({
      %run_scoped3A = tpu.sem_alloc : memref<!tpu.dma_semaphore, #tpu.memory_space<semaphore_mem>>
      tpu.enqueue_dma source(%arg8 : memref<48xi32, #tpu.memory_space<hbm>>) target(%arg17 : memref<48xi32, #tpu.memory_space<vmem>>) target_semaphore(%run_scoped3A : memref<!tpu.dma_semaphore, #tpu.memory_space<semaphore_mem>>)
      tpu.wait_dma2 semaphore(%run_scoped3A : memref<!tpu.dma_semaphore, #tpu.memory_space<semaphore_mem>>) src(%arg8 : memref<48xi32, #tpu.memory_space<hbm>>) dst(%arg17 : memref<48xi32, #tpu.memory_space<vmem>>)
      tpu.yield
    }) : () -> ()
    %get3A_93 = arith.index_cast %add3A : i32 to index
    %get3A_94 = tpu.vector_load %arg17[%get3A_93] {strides = array<i32>} : memref<48xi32, #tpu.memory_space<vmem>>, vector<16xi32>,
    %slice3A_95 = vector.extract_strided_slice %get3A_94 {offsets = [0], sizes = [1], strides = [1]} : vector<16xi32> to vector<1xi32>
    %squeeze3A_96 = vector.extract %slice3A_95[0] : i32 from vector<1xi32>
    %slice3A_97 = vector.extract_strided_slice %get3A_94 {offsets = [1], sizes = [1], strides = [1]} : vector<16xi32> to vector<1xi32>
    %squeeze3A_98 = vector.extract %slice3A_97[0] : i32 from vector<1xi32>
    %scan3A_99 = arith.constant 0 : i32
    %scan3A_100 = arith.constant 0 : i32
    %scan3A_101 = arith.constant 98 : i32
    %scan3A_102 = arith.addi %scan3A_100, %scan3A_101 : i32
    %scan3A_103 = arith.constant 1 : i32
    %scan3A_104 = scf.for %scan3A_212 = %scan3A_100 to %scan3A_102 step %scan3A_103 iter_args(%scan3A_213 = %scan3A_99) -> (i32)  : i32 {
      %mul3A_214 = arith.constant 16 : i32
      %mul3A_215 = arith.muli %scan3A_212, %mul3A_214 : i32
      %broadcast_in_dim3A_216 = arith.constant 0.000000e+00 : f32
      %broadcast_in_dim3A_217 = vector.broadcast %broadcast_in_dim3A_216 : f32 to vector<16xf32>
      %swap3A = arith.index_cast %mul3A_215 : i32 to index
      %swap3A_218 = tpu.vector_load %arg11[%swap3A] {strides = array<i32>} : memref<3136xf32, #tpu.memory_space<vmem>>, vector<16xf32>,
      tpu.vector_store %arg11[%swap3A], %broadcast_in_dim3A_217 {strides = array<i32>} : memref<3136xf32, #tpu.memory_space<vmem>>, vector<16xf32>,
      %broadcast_in_dim3A_219 = arith.constant 0x7F800000 : f32
      %broadcast_in_dim3A_220 = vector.broadcast %broadcast_in_dim3A_219 : f32 to vector<16xf32>
      %swap3A_221 = arith.index_cast %mul3A_215 : i32 to index
      %swap3A_222 = tpu.vector_load %arg12[%swap3A_221] {strides = array<i32>} : memref<3136xf32, #tpu.memory_space<vmem>>, vector<16xf32>,
      tpu.vector_store %arg12[%swap3A_221], %broadcast_in_dim3A_220 {strides = array<i32>} : memref<3136xf32, #tpu.memory_space<vmem>>, vector<16xf32>,
      %broadcast_in_dim3A_223 = arith.constant 0xFF800000 : f32
      %broadcast_in_dim3A_224 = vector.broadcast %broadcast_in_dim3A_223 : f32 to vector<16xf32>
      %swap3A_225 = arith.index_cast %mul3A_215 : i32 to index
      %swap3A_226 = tpu.vector_load %arg13[%swap3A_225] {strides = array<i32>} : memref<3136xf32, #tpu.memory_space<vmem>>, vector<16xf32>,
      tpu.vector_store %arg13[%swap3A_225], %broadcast_in_dim3A_224 {strides = array<i32>} : memref<3136xf32, #tpu.memory_space<vmem>>, vector<16xf32>,
      %scan3A_227 = arith.constant 0 : i32
      scf.yield %scan3A_227 : i32
    }
    %scan3A_105 = arith.constant 98 : i32
    %and3A_106 = arith.constant -16 : i32
    %and3A_107 = arith.andi %squeeze3A_96, %and3A_106 : i32
    %sub3A_108 = arith.subi %squeeze3A_98, %and3A_107 : i32
    %add3A_109 = arith.constant 8191 : i32
    %add3A_110 = arith.addi %sub3A_108, %add3A_109 : i32
    %jit3A_111 = arith.constant 8192 : i32
    %div3A_112 = arith.divsi %add3A_110, %jit3A_111 : i32
    %sign3A_113 = arith.constant 0 : i32
    %sign3A_114 = arith.cmpi sgt, %add3A_110, %sign3A_113 : i32
    %sign3A_115 = arith.extui %sign3A_114 : i1 to i32
    %sign3A_116 = arith.constant 0 : i32
    %sign3A_117 = arith.cmpi slt, %add3A_110, %sign3A_116 : i32
    %sign3A_118 = arith.extui %sign3A_117 : i1 to i32
    %sign3A_119 = arith.subi %sign3A_115, %sign3A_118 : i32
    %sign3A_120 = arith.constant 0 : i32
    %sign3A_121 = arith.cmpi sgt, %jit3A_111, %sign3A_120 : i32
    %sign3A_122 = arith.extui %sign3A_121 : i1 to i32
    %sign3A_123 = arith.constant 0 : i32
    %sign3A_124 = arith.cmpi slt, %jit3A_111, %sign3A_123 : i32
    %sign3A_125 = arith.extui %sign3A_124 : i1 to i32
    %sign3A_126 = arith.subi %sign3A_122, %sign3A_125 : i32
    %ne3A_127 = arith.cmpi ne, %sign3A_119, %sign3A_126 : i32
    %rem3A_128 = arith.remsi %add3A_110, %jit3A_111 : i32
    %ne3A_129 = arith.constant 0 : i32
    %ne3A_130 = arith.cmpi ne, %rem3A_128, %ne3A_129 : i32
    %and3A_131 = arith.andi %ne3A_127, %ne3A_130 : i1
    %sub3A_132 = arith.constant 1 : i32
    %sub3A_133 = arith.subi %div3A_112, %sub3A_132 : i32
    %select_n3A_134 = arith.select %and3A_131, %sub3A_133, %div3A_112 : i32
    %broadcast_in_dim3A_135 = arith.constant 0.000000e+00 : f32
    %broadcast_in_dim3A_136 = vector.broadcast %broadcast_in_dim3A_135 : f32 to vector<16xf32>
    %add3A_137 = arith.constant 0x7F800000 : f32
    %add3A_138 = vector.broadcast %add3A_137 : f32 to vector<16xf32>
    %add3A_139 = arith.addf %broadcast_in_dim3A_136, %add3A_138 : vector<16xf32>
    %add3A_140 = arith.constant 0xFF800000 : f32
    %add3A_141 = vector.broadcast %add3A_140 : f32 to vector<16xf32>
    %add3A_142 = arith.addf %broadcast_in_dim3A_136, %add3A_141 : vector<16xf32>
    %while3A_143 = arith.constant 0 : i32
    %while3A_144 = arith.constant -1 : i32
    %while3A_145 = arith.subi %select_n3A_134, %while3A_143 : i32
    %while3A_146 = arith.addi %while3A_143, %while3A_145 : i32
    %while3A_147 = arith.constant 1 : i32
    %while3A_148 = arith.divsi %while3A_145, %while3A_147 : i32
    %while3A_149 = arith.muli %while3A_148, %while3A_147 : i32
    %while3A_150 = arith.addi %while3A_143, %while3A_149 : i32
    %while3A_151 = arith.constant 1 : i32
    %while3A_152:4 = scf.for %while3A_212 = %while3A_143 to %while3A_150 step %while3A_151 iter_args(%while3A_213 = %while3A_144, %while3A_214 = %broadcast_in_dim3A_136, %while3A_215 = %add3A_139, %while3A_216 = %add3A_142) -> (i32, vector<16xf32>, vector<16xf32>, vector<16xf32>)  : i32 {
      %mul3A_217 = arith.constant 8192 : i32
      %mul3A_218 = arith.muli %while3A_212, %mul3A_217 : i32
      %add3A_219 = arith.addi %and3A_107, %mul3A_218 : i32
      %min3A_220 = arith.constant 6391808 : i32
      %min3A_221 = arith.minsi %add3A_219, %min3A_220 : i32
      %multiple_of3A_222 = tpu.assume_multiple %min3A_221, 16 : i32
      "tpu.region"() ({
        %run_scoped3A = tpu.sem_alloc : memref<!tpu.dma_semaphore, #tpu.memory_space<semaphore_mem>>
        %dma_start3A = tpu.memref_slice %arg2[%multiple_of3A_222] : memref<6400000xf32, #tpu.memory_space<hbm>> -> memref<8192xf32, #tpu.memory_space<hbm>>
        %dma_start3A_230 = tpu.memref_slice %arg2[%multiple_of3A_222] : memref<6400000xf32, #tpu.memory_space<hbm>> -> memref<8192xf32, #tpu.memory_space<hbm>>
        tpu.enqueue_dma source(%dma_start3A_230 : memref<8192xf32, #tpu.memory_space<hbm>>) target(%arg18 : memref<8192xf32, #tpu.memory_space<vmem>>) target_semaphore(%run_scoped3A : memref<!tpu.dma_semaphore, #tpu.memory_space<semaphore_mem>>)
        %dma_wait3A = tpu.memref_slice %arg2[%multiple_of3A_222] : memref<6400000xf32, #tpu.memory_space<hbm>> -> memref<8192xf32, #tpu.memory_space<hbm>>
        %dma_wait3A_231 = tpu.memref_slice %arg2[%multiple_of3A_222] : memref<6400000xf32, #tpu.memory_space<hbm>> -> memref<8192xf32, #tpu.memory_space<hbm>>
        tpu.wait_dma2 semaphore(%run_scoped3A : memref<!tpu.dma_semaphore, #tpu.memory_space<semaphore_mem>>) src(%dma_wait3A_231 : memref<8192xf32, #tpu.memory_space<hbm>>) dst(%arg18 : memref<8192xf32, #tpu.memory_space<vmem>>)
        tpu.yield
      }) : () -> ()
      "tpu.region"() ({
        %run_scoped3A = tpu.sem_alloc : memref<!tpu.dma_semaphore, #tpu.memory_space<semaphore_mem>>
        %dma_start3A = tpu.memref_slice %arg4[%multiple_of3A_222] : memref<6400000xi32, #tpu.memory_space<hbm>> -> memref<8192xi32, #tpu.memory_space<hbm>>
        %dma_start3A_230 = tpu.memref_slice %arg4[%multiple_of3A_222] : memref<6400000xi32, #tpu.memory_space<hbm>> -> memref<8192xi32, #tpu.memory_space<hbm>>
        tpu.enqueue_dma source(%dma_start3A_230 : memref<8192xi32, #tpu.memory_space<hbm>>) target(%arg19 : memref<8192xi32, #tpu.memory_space<vmem>>) target_semaphore(%run_scoped3A : memref<!tpu.dma_semaphore, #tpu.memory_space<semaphore_mem>>)
        %dma_wait3A = tpu.memref_slice %arg4[%multiple_of3A_222] : memref<6400000xi32, #tpu.memory_space<hbm>> -> memref<8192xi32, #tpu.memory_space<hbm>>
        %dma_wait3A_231 = tpu.memref_slice %arg4[%multiple_of3A_222] : memref<6400000xi32, #tpu.memory_space<hbm>> -> memref<8192xi32, #tpu.memory_space<hbm>>
        tpu.wait_dma2 semaphore(%run_scoped3A : memref<!tpu.dma_semaphore, #tpu.memory_space<semaphore_mem>>) src(%dma_wait3A_231 : memref<8192xi32, #tpu.memory_space<hbm>>) dst(%arg19 : memref<8192xi32, #tpu.memory_space<vmem>>)
        tpu.yield
      }) : () -> ()
      %max3A_223 = arith.maxsi %squeeze3A_96, %add3A_219 : i32
      %scan3A_224 = arith.constant 0 : i32
      %scan3A_225 = arith.constant 512 : i32
      %scan3A_226 = arith.addi %scan3A_224, %scan3A_225 : i32
      %scan3A_227 = arith.constant 1 : i32
      %scan3A_228:4 = scf.for %scan3A_230 = %scan3A_224 to %scan3A_226 step %scan3A_227 iter_args(%scan3A_231 = %while3A_213, %scan3A_232 = %while3A_214, %scan3A_233 = %while3A_215, %scan3A_234 = %while3A_216) -> (i32, vector<16xf32>, vector<16xf32>, vector<16xf32>)  : i32 {
        %mul3A_235 = arith.constant 16 : i32
        %mul3A_236 = arith.muli %scan3A_230, %mul3A_235 : i32
        %get3A_237 = arith.index_cast %mul3A_236 : i32 to index
        %get3A_238 = tpu.vector_load %arg19[%get3A_237] {strides = array<i32>} : memref<8192xi32, #tpu.memory_space<vmem>>, vector<16xi32>,
        %get3A_239 = arith.index_cast %mul3A_236 : i32 to index
        %get3A_240 = tpu.vector_load %arg18[%get3A_239] {strides = array<i32>} : memref<8192xf32, #tpu.memory_space<vmem>>, vector<16xf32>,
        %slice3A_241 = vector.extract_strided_slice %get3A_238 {offsets = [0], sizes = [1], strides = [1]} : vector<16xi32> to vector<1xi32>
        %squeeze3A_242 = vector.extract %slice3A_241[0] : i32 from vector<1xi32>
        %slice3A_243 = vector.extract_strided_slice %get3A_238 {offsets = [15], sizes = [1], strides = [1]} : vector<16xi32> to vector<1xi32>
        %squeeze3A_244 = vector.extract %slice3A_243[0] : i32 from vector<1xi32>
        %add3A_245 = arith.addi %multiple_of3A_222, %mul3A_236 : i32
        %ge3A_246 = arith.cmpi sge, %add3A_245, %max3A_223 : i32
        %add3A_247 = arith.constant 15 : i32
        %add3A_248 = arith.addi %add3A_245, %add3A_247 : i32
        %lt3A_249 = arith.cmpi slt, %add3A_248, %squeeze3A_98 : i32
        %and3A_250 = arith.andi %ge3A_246, %lt3A_249 : i1
        %eq3A_251 = arith.cmpi eq, %squeeze3A_242, %squeeze3A_244 : i32
        %and3A_252 = arith.andi %and3A_250, %eq3A_251 : i1
        %eq3A_253 = arith.cmpi eq, %squeeze3A_242, %scan3A_231 : i32
        %and3A_254 = arith.andi %and3A_252, %eq3A_253 : i1
        %convert_element_type3A = arith.extui %and3A_254 : i1 to i32
        %cond3A = arith.constant 0 : i32
        %cond3A_255 = arith.cmpi ne, %convert_element_type3A, %cond3A : i32
        %cond3A_256:4 = scf.if %cond3A_255 -> (i32, vector<16xf32>, vector<16xf32>, vector<16xf32>) {
          %add3A_257 = arith.addf %scan3A_232, %get3A_240 : vector<16xf32>
          %min3A_258 = arith.minimumf %scan3A_233, %get3A_240 : vector<16xf32>
          %max3A_259 = arith.maximumf %scan3A_234, %get3A_240 : vector<16xf32>
          scf.yield %scan3A_231, %add3A_257, %min3A_258, %max3A_259 : i32, vector<16xf32>, vector<16xf32>, vector<16xf32>
        } else {
          %sub3A_257 = arith.subi %scan3A_231, %multiple_of3A_92 : i32
          %jit3A_258 = arith.constant 0 : i32
          %jit3A_259 = arith.constant 1567 : i32
          %max3A_260 = arith.maxsi %jit3A_258, %sub3A_257 : i32
          %min3A_261 = arith.minsi %jit3A_259, %max3A_260 : i32
          %broadcast_in_dim3A_262 = vector.broadcast %min3A_261 : i32 to vector<16xi32>
          %eq3A_263 = arith.constant 0 : i32
          %eq3A_264 = vector.broadcast %eq3A_263 : i32 to vector<16xi32>
          %eq3A_265 = arith.cmpi eq, %iota3A, %eq3A_264 : vector<16xi32>
          %ge3A_266 = arith.cmpi sge, %scan3A_231, %multiple_of3A_92 : i32
          %and3A_267 = vector.broadcast %ge3A_266 : i1 to vector<16xi1>
          %and3A_268 = arith.andi %eq3A_265, %and3A_267 : vector<16xi1>
          %add3A_269 = arith.constant 1568 : i32
          %add3A_270 = arith.addi %multiple_of3A_92, %add3A_269 : i32
          %lt3A_271 = arith.cmpi slt, %scan3A_231, %add3A_270 : i32
          %and3A_272 = vector.broadcast %lt3A_271 : i1 to vector<16xi1>
          %and3A_273 = arith.andi %and3A_268, %and3A_272 : vector<16xi1>
          %gather3A_274 = tpu.vector_load_idx %arg11[%broadcast_in_dim3A_262] masked %and3A_273 : memref<3136xf32, #tpu.memory_space<vmem>>[vector<16xi32>], vector<16xf32>, vector<16xi1>
          %reduce_sum3A_275 = arith.constant true
          %reduce_sum3A_276 = vector.broadcast %reduce_sum3A_275 : i1 to vector<16xi1>
          %reduce_sum3A_277 = tpu.scan <sum>, %scan3A_232 masked %reduce_sum3A_276 : vector<16xf32>, vector<16xi1> -> vector<16xf32>
          %reduce_sum3A_278 = vector.extract %reduce_sum3A_277[15] : f32 from vector<16xf32>
          %add3A_279 = vector.broadcast %reduce_sum3A_278 : f32 to vector<16xf32>
          %add3A_280 = arith.addf %gather3A_274, %add3A_279 : vector<16xf32>
          tpu.vector_store_idx %arg11[%broadcast_in_dim3A_262], %add3A_280 masked %and3A_273 : memref<3136xf32, #tpu.memory_space<vmem>>[vector<16xi32>], vector<16xf32>, vector<16xi1>
          %gather3A_281 = tpu.vector_load_idx %arg12[%broadcast_in_dim3A_262] masked %and3A_273 : memref<3136xf32, #tpu.memory_space<vmem>>[vector<16xi32>], vector<16xf32>, vector<16xi1>
          %reduce_min3A_282 = arith.constant true
          %reduce_min3A_283 = vector.broadcast %reduce_min3A_282 : i1 to vector<16xi1>
          %reduce_min3A_284 = tpu.scan <min>, %scan3A_233 masked %reduce_min3A_283 : vector<16xf32>, vector<16xi1> -> vector<16xf32>
          %reduce_min3A_285 = vector.extract %reduce_min3A_284[15] : f32 from vector<16xf32>
          %min3A_286 = vector.broadcast %reduce_min3A_285 : f32 to vector<16xf32>
          %min3A_287 = arith.minimumf %gather3A_281, %min3A_286 : vector<16xf32>
          tpu.vector_store_idx %arg12[%broadcast_in_dim3A_262], %min3A_287 masked %and3A_273 : memref<3136xf32, #tpu.memory_space<vmem>>[vector<16xi32>], vector<16xf32>, vector<16xi1>
          %gather3A_288 = tpu.vector_load_idx %arg13[%broadcast_in_dim3A_262] masked %and3A_273 : memref<3136xf32, #tpu.memory_space<vmem>>[vector<16xi32>], vector<16xf32>, vector<16xi1>
          %reduce_max3A_289 = arith.constant true
          %reduce_max3A_290 = vector.broadcast %reduce_max3A_289 : i1 to vector<16xi1>
          %reduce_max3A_291 = tpu.scan <max>, %scan3A_234 masked %reduce_max3A_290 : vector<16xf32>, vector<16xi1> -> vector<16xf32>
          %reduce_max3A_292 = vector.extract %reduce_max3A_291[15] : f32 from vector<16xf32>
          %max3A_293 = vector.broadcast %reduce_max3A_292 : f32 to vector<16xf32>
          %max3A_294 = arith.maximumf %gather3A_288, %max3A_293 : vector<16xf32>
          tpu.vector_store_idx %arg13[%broadcast_in_dim3A_262], %max3A_294 masked %and3A_273 : memref<3136xf32, #tpu.memory_space<vmem>>[vector<16xi32>], vector<16xf32>, vector<16xi1>
          %add3A_295 = vector.broadcast %add3A_245 : i32 to vector<16xi32>
          %add3A_296 = arith.addi %add3A_295, %iota3A : vector<16xi32>
          %ge3A_297 = vector.broadcast %max3A_223 : i32 to vector<16xi32>
          %ge3A_298 = arith.cmpi sge, %add3A_296, %ge3A_297 : vector<16xi32>
          %lt3A_299 = vector.broadcast %squeeze3A_98 : i32 to vector<16xi32>
          %lt3A_300 = arith.cmpi slt, %add3A_296, %lt3A_299 : vector<16xi32>
          %and3A_301 = arith.andi %ge3A_298, %lt3A_300 : vector<16xi1>
          %jit3A_302 = arith.constant 0.000000e+00 : f32
          %broadcast_in_dim3A_303 = vector.broadcast %jit3A_302 : f32 to vector<16xf32>
          %select_n3A_304 = arith.select %and3A_301, %get3A_240, %broadcast_in_dim3A_303 : vector<16xi1>, vector<16xf32>
          %jit3A_305 = arith.constant 0x7F800000 : f32
          %broadcast_in_dim3A_306 = vector.broadcast %jit3A_305 : f32 to vector<16xf32>
          %select_n3A_307 = arith.select %and3A_301, %get3A_240, %broadcast_in_dim3A_306 : vector<16xi1>, vector<16xf32>
          %jit3A_308 = arith.constant 0xFF800000 : f32
          %broadcast_in_dim3A_309 = vector.broadcast %jit3A_308 : f32 to vector<16xf32>
          %select_n3A_310 = arith.select %and3A_301, %get3A_240, %broadcast_in_dim3A_309 : vector<16xi1>, vector<16xf32>
          %sub3A_311 = arith.constant 1 : i32
          %sub3A_312 = vector.broadcast %sub3A_311 : i32 to vector<16xi32>
          %sub3A_313 = arith.subi %iota3A, %sub3A_312 : vector<16xi32>
          %max3A_314 = arith.constant 0 : i32
          %max3A_315 = vector.broadcast %max3A_314 : i32 to vector<16xi32>
          %max3A_316 = arith.maxsi %sub3A_313, %max3A_315 : vector<16xi32>
          %lt3A_317 = arith.constant 0 : i32
          %lt3A_318 = vector.broadcast %lt3A_317 : i32 to vector<16xi32>
          %lt3A_319 = arith.cmpi slt, %max3A_316, %lt3A_318 : vector<16xi32>
          %add3A_320 = arith.constant 16 : i32
          %add3A_321 = vector.broadcast %add3A_320 : i32 to vector<16xi32>
          %add3A_322 = arith.addi %max3A_316, %add3A_321 : vector<16xi32>
          %select_n3A_323 = arith.select %lt3A_319, %add3A_322, %max3A_316 : vector<16xi1>, vector<16xi32>
          %broadcast_in_dim3A_324 = vector.shape_cast %select_n3A_323 : vector<16xi32> to vector<16x1xi32>
          %gather3A_325 = vector.shape_cast %broadcast_in_dim3A_324 : vector<16x1xi32> to vector<16xi32>
          %gather3A_326 = tpu.dynamic_gather %get3A_238[%gather3A_325] in [0] : vector<16xi32>, vector<16xi32> -> vector<16xi32>
          %eq3A_327 = arith.cmpi eq, %gather3A_326, %get3A_238 : vector<16xi32>
          %ge3A_328 = arith.constant 1 : i32
          %ge3A_329 = vector.broadcast %ge3A_328 : i32 to vector<16xi32>
          %ge3A_330 = arith.cmpi sge, %iota3A, %ge3A_329 : vector<16xi32>
          %and3A_331 = arith.andi %eq3A_327, %ge3A_330 : vector<16xi1>
          %lt3A_332 = arith.constant 0 : i32
          %lt3A_333 = vector.broadcast %lt3A_332 : i32 to vector<16xi32>
          %lt3A_334 = arith.cmpi slt, %max3A_316, %lt3A_333 : vector<16xi32>
          %add3A_335 = arith.constant 16 : i32
          %add3A_336 = vector.broadcast %add3A_335 : i32 to vector<16xi32>
          %add3A_337 = arith.addi %max3A_316, %add3A_336 : vector<16xi32>
          %select_n3A_338 = arith.select %lt3A_334, %add3A_337, %max3A_316 : vector<16xi1>, vector<16xi32>
          %broadcast_in_dim3A_339 = vector.shape_cast %select_n3A_338 : vector<16xi32> to vector<16x1xi32>
          %gather3A_340 = vector.shape_cast %broadcast_in_dim3A_339 : vector<16x1xi32> to vector<16xi32>
          %gather3A_341 = tpu.dynamic_gather %select_n3A_304[%gather3A_340] in [0] : vector<16xf32>, vector<16xi32> -> vector<16xf32>
          %jit3A_342 = arith.constant 0.000000e+00 : f32
          %broadcast_in_dim3A_343 = vector.broadcast %jit3A_342 : f32 to vector<16xf32>
          %select_n3A_344 = arith.select %and3A_331, %gather3A_341, %broadcast_in_dim3A_343 : vector<16xi1>, vector<16xf32>
          %add3A_345 = arith.addf %select_n3A_304, %select_n3A_344 : vector<16xf32>
          %lt3A_346 = arith.constant 0 : i32
          %lt3A_347 = vector.broadcast %lt3A_346 : i32 to vector<16xi32>
          %lt3A_348 = arith.cmpi slt, %max3A_316, %lt3A_347 : vector<16xi32>
          %add3A_349 = arith.constant 16 : i32
          %add3A_350 = vector.broadcast %add3A_349 : i32 to vector<16xi32>
          %add3A_351 = arith.addi %max3A_316, %add3A_350 : vector<16xi32>
          %select_n3A_352 = arith.select %lt3A_348, %add3A_351, %max3A_316 : vector<16xi1>, vector<16xi32>
          %broadcast_in_dim3A_353 = vector.shape_cast %select_n3A_352 : vector<16xi32> to vector<16x1xi32>
          %gather3A_354 = vector.shape_cast %broadcast_in_dim3A_353 : vector<16x1xi32> to vector<16xi32>
          %gather3A_355 = tpu.dynamic_gather %select_n3A_307[%gather3A_354] in [0] : vector<16xf32>, vector<16xi32> -> vector<16xf32>
          %jit3A_356 = arith.constant 0x7F800000 : f32
          %broadcast_in_dim3A_357 = vector.broadcast %jit3A_356 : f32 to vector<16xf32>
          %select_n3A_358 = arith.select %and3A_331, %gather3A_355, %broadcast_in_dim3A_357 : vector<16xi1>, vector<16xf32>
          %min3A_359 = arith.minimumf %select_n3A_307, %select_n3A_358 : vector<16xf32>
          %lt3A_360 = arith.constant 0 : i32
          %lt3A_361 = vector.broadcast %lt3A_360 : i32 to vector<16xi32>
          %lt3A_362 = arith.cmpi slt, %max3A_316, %lt3A_361 : vector<16xi32>
          %add3A_363 = arith.constant 16 : i32
          %add3A_364 = vector.broadcast %add3A_363 : i32 to vector<16xi32>
          %add3A_365 = arith.addi %max3A_316, %add3A_364 : vector<16xi32>
          %select_n3A_366 = arith.select %lt3A_362, %add3A_365, %max3A_316 : vector<16xi1>, vector<16xi32>
          %broadcast_in_dim3A_367 = vector.shape_cast %select_n3A_366 : vector<16xi32> to vector<16x1xi32>
          %gather3A_368 = vector.shape_cast %broadcast_in_dim3A_367 : vector<16x1xi32> to vector<16xi32>
          %gather3A_369 = tpu.dynamic_gather %select_n3A_310[%gather3A_368] in [0] : vector<16xf32>, vector<16xi32> -> vector<16xf32>
          %jit3A_370 = arith.constant 0xFF800000 : f32
          %broadcast_in_dim3A_371 = vector.broadcast %jit3A_370 : f32 to vector<16xf32>
          %select_n3A_372 = arith.select %and3A_331, %gather3A_369, %broadcast_in_dim3A_371 : vector<16xi1>, vector<16xf32>
          %max3A_373 = arith.maximumf %select_n3A_310, %select_n3A_372 : vector<16xf32>
          %sub3A_374 = arith.constant 2 : i32
          %sub3A_375 = vector.broadcast %sub3A_374 : i32 to vector<16xi32>
          %sub3A_376 = arith.subi %iota3A, %sub3A_375 : vector<16xi32>
          %max3A_377 = arith.constant 0 : i32
          %max3A_378 = vector.broadcast %max3A_377 : i32 to vector<16xi32>
          %max3A_379 = arith.maxsi %sub3A_376, %max3A_378 : vector<16xi32>
          %lt3A_380 = arith.constant 0 : i32
          %lt3A_381 = vector.broadcast %lt3A_380 : i32 to vector<16xi32>
          %lt3A_382 = arith.cmpi slt, %max3A_379, %lt3A_381 : vector<16xi32>
          %add3A_383 = arith.constant 16 : i32
          %add3A_384 = vector.broadcast %add3A_383 : i32 to vector<16xi32>
          %add3A_385 = arith.addi %max3A_379, %add3A_384 : vector<16xi32>
          %select_n3A_386 = arith.select %lt3A_382, %add3A_385, %max3A_379 : vector<16xi1>, vector<16xi32>
          %broadcast_in_dim3A_387 = vector.shape_cast %select_n3A_386 : vector<16xi32> to vector<16x1xi32>
          %gather3A_388 = vector.shape_cast %broadcast_in_dim3A_387 : vector<16x1xi32> to vector<16xi32>
          %gather3A_389 = tpu.dynamic_gather %get3A_238[%gather3A_388] in [0] : vector<16xi32>, vector<16xi32> -> vector<16xi32>
          %eq3A_390 = arith.cmpi eq, %gather3A_389, %get3A_238 : vector<16xi32>
          %ge3A_391 = arith.constant 2 : i32
          %ge3A_392 = vector.broadcast %ge3A_391 : i32 to vector<16xi32>
          %ge3A_393 = arith.cmpi sge, %iota3A, %ge3A_392 : vector<16xi32>
          %and3A_394 = arith.andi %eq3A_390, %ge3A_393 : vector<16xi1>
          %lt3A_395 = arith.constant 0 : i32
          %lt3A_396 = vector.broadcast %lt3A_395 : i32 to vector<16xi32>
          %lt3A_397 = arith.cmpi slt, %max3A_379, %lt3A_396 : vector<16xi32>
          %add3A_398 = arith.constant 16 : i32
          %add3A_399 = vector.broadcast %add3A_398 : i32 to vector<16xi32>
          %add3A_400 = arith.addi %max3A_379, %add3A_399 : vector<16xi32>
          %select_n3A_401 = arith.select %lt3A_397, %add3A_400, %max3A_379 : vector<16xi1>, vector<16xi32>
          %broadcast_in_dim3A_402 = vector.shape_cast %select_n3A_401 : vector<16xi32> to vector<16x1xi32>
          %gather3A_403 = vector.shape_cast %broadcast_in_dim3A_402 : vector<16x1xi32> to vector<16xi32>
          %gather3A_404 = tpu.dynamic_gather %add3A_345[%gather3A_403] in [0] : vector<16xf32>, vector<16xi32> -> vector<16xf32>
          %jit3A_405 = arith.constant 0.000000e+00 : f32
          %broadcast_in_dim3A_406 = vector.broadcast %jit3A_405 : f32 to vector<16xf32>
          %select_n3A_407 = arith.select %and3A_394, %gather3A_404, %broadcast_in_dim3A_406 : vector<16xi1>, vector<16xf32>
          %add3A_408 = arith.addf %add3A_345, %select_n3A_407 : vector<16xf32>
          %lt3A_409 = arith.constant 0 : i32
          %lt3A_410 = vector.broadcast %lt3A_409 : i32 to vector<16xi32>
          %lt3A_411 = arith.cmpi slt, %max3A_379, %lt3A_410 : vector<16xi32>
          %add3A_412 = arith.constant 16 : i32
          %add3A_413 = vector.broadcast %add3A_412 : i32 to vector<16xi32>
          %add3A_414 = arith.addi %max3A_379, %add3A_413 : vector<16xi32>
          %select_n3A_415 = arith.select %lt3A_411, %add3A_414, %max3A_379 : vector<16xi1>, vector<16xi32>
          %broadcast_in_dim3A_416 = vector.shape_cast %select_n3A_415 : vector<16xi32> to vector<16x1xi32>
          %gather3A_417 = vector.shape_cast %broadcast_in_dim3A_416 : vector<16x1xi32> to vector<16xi32>
          %gather3A_418 = tpu.dynamic_gather %min3A_359[%gather3A_417] in [0] : vector<16xf32>, vector<16xi32> -> vector<16xf32>
          %jit3A_419 = arith.constant 0x7F800000 : f32
          %broadcast_in_dim3A_420 = vector.broadcast %jit3A_419 : f32 to vector<16xf32>
          %select_n3A_421 = arith.select %and3A_394, %gather3A_418, %broadcast_in_dim3A_420 : vector<16xi1>, vector<16xf32>
          %min3A_422 = arith.minimumf %min3A_359, %select_n3A_421 : vector<16xf32>
          %lt3A_423 = arith.constant 0 : i32
          %lt3A_424 = vector.broadcast %lt3A_423 : i32 to vector<16xi32>
          %lt3A_425 = arith.cmpi slt, %max3A_379, %lt3A_424 : vector<16xi32>
          %add3A_426 = arith.constant 16 : i32
          %add3A_427 = vector.broadcast %add3A_426 : i32 to vector<16xi32>
          %add3A_428 = arith.addi %max3A_379, %add3A_427 : vector<16xi32>
          %select_n3A_429 = arith.select %lt3A_425, %add3A_428, %max3A_379 : vector<16xi1>, vector<16xi32>
          %broadcast_in_dim3A_430 = vector.shape_cast %select_n3A_429 : vector<16xi32> to vector<16x1xi32>
          %gather3A_431 = vector.shape_cast %broadcast_in_dim3A_430 : vector<16x1xi32> to vector<16xi32>
          %gather3A_432 = tpu.dynamic_gather %max3A_373[%gather3A_431] in [0] : vector<16xf32>, vector<16xi32> -> vector<16xf32>
          %jit3A_433 = arith.constant 0xFF800000 : f32
          %broadcast_in_dim3A_434 = vector.broadcast %jit3A_433 : f32 to vector<16xf32>
          %select_n3A_435 = arith.select %and3A_394, %gather3A_432, %broadcast_in_dim3A_434 : vector<16xi1>, vector<16xf32>
          %max3A_436 = arith.maximumf %max3A_373, %select_n3A_435 : vector<16xf32>
          %sub3A_437 = arith.constant 4 : i32
          %sub3A_438 = vector.broadcast %sub3A_437 : i32 to vector<16xi32>
          %sub3A_439 = arith.subi %iota3A, %sub3A_438 : vector<16xi32>
          %max3A_440 = arith.constant 0 : i32
          %max3A_441 = vector.broadcast %max3A_440 : i32 to vector<16xi32>
          %max3A_442 = arith.maxsi %sub3A_439, %max3A_441 : vector<16xi32>
          %lt3A_443 = arith.constant 0 : i32
          %lt3A_444 = vector.broadcast %lt3A_443 : i32 to vector<16xi32>
          %lt3A_445 = arith.cmpi slt, %max3A_442, %lt3A_444 : vector<16xi32>
          %add3A_446 = arith.constant 16 : i32
          %add3A_447 = vector.broadcast %add3A_446 : i32 to vector<16xi32>
          %add3A_448 = arith.addi %max3A_442, %add3A_447 : vector<16xi32>
          %select_n3A_449 = arith.select %lt3A_445, %add3A_448, %max3A_442 : vector<16xi1>, vector<16xi32>
          %broadcast_in_dim3A_450 = vector.shape_cast %select_n3A_449 : vector<16xi32> to vector<16x1xi32>
          %gather3A_451 = vector.shape_cast %broadcast_in_dim3A_450 : vector<16x1xi32> to vector<16xi32>
          %gather3A_452 = tpu.dynamic_gather %get3A_238[%gather3A_451] in [0] : vector<16xi32>, vector<16xi32> -> vector<16xi32>
          %eq3A_453 = arith.cmpi eq, %gather3A_452, %get3A_238 : vector<16xi32>
          %ge3A_454 = arith.constant 4 : i32
          %ge3A_455 = vector.broadcast %ge3A_454 : i32 to vector<16xi32>
          %ge3A_456 = arith.cmpi sge, %iota3A, %ge3A_455 : vector<16xi32>
          %and3A_457 = arith.andi %eq3A_453, %ge3A_456 : vector<16xi1>
          %lt3A_458 = arith.constant 0 : i32
          %lt3A_459 = vector.broadcast %lt3A_458 : i32 to vector<16xi32>
          %lt3A_460 = arith.cmpi slt, %max3A_442, %lt3A_459 : vector<16xi32>
          %add3A_461 = arith.constant 16 : i32
          %add3A_462 = vector.broadcast %add3A_461 : i32 to vector<16xi32>
          %add3A_463 = arith.addi %max3A_442, %add3A_462 : vector<16xi32>
          %select_n3A_464 = arith.select %lt3A_460, %add3A_463, %max3A_442 : vector<16xi1>, vector<16xi32>
          %broadcast_in_dim3A_465 = vector.shape_cast %select_n3A_464 : vector<16xi32> to vector<16x1xi32>
          %gather3A_466 = vector.shape_cast %broadcast_in_dim3A_465 : vector<16x1xi32> to vector<16xi32>
          %gather3A_467 = tpu.dynamic_gather %add3A_408[%gather3A_466] in [0] : vector<16xf32>, vector<16xi32> -> vector<16xf32>
          %jit3A_468 = arith.constant 0.000000e+00 : f32
          %broadcast_in_dim3A_469 = vector.broadcast %jit3A_468 : f32 to vector<16xf32>
          %select_n3A_470 = arith.select %and3A_457, %gather3A_467, %broadcast_in_dim3A_469 : vector<16xi1>, vector<16xf32>
          %add3A_471 = arith.addf %add3A_408, %select_n3A_470 : vector<16xf32>
          %lt3A_472 = arith.constant 0 : i32
          %lt3A_473 = vector.broadcast %lt3A_472 : i32 to vector<16xi32>
          %lt3A_474 = arith.cmpi slt, %max3A_442, %lt3A_473 : vector<16xi32>
          %add3A_475 = arith.constant 16 : i32
          %add3A_476 = vector.broadcast %add3A_475 : i32 to vector<16xi32>
          %add3A_477 = arith.addi %max3A_442, %add3A_476 : vector<16xi32>
          %select_n3A_478 = arith.select %lt3A_474, %add3A_477, %max3A_442 : vector<16xi1>, vector<16xi32>
          %broadcast_in_dim3A_479 = vector.shape_cast %select_n3A_478 : vector<16xi32> to vector<16x1xi32>
          %gather3A_480 = vector.shape_cast %broadcast_in_dim3A_479 : vector<16x1xi32> to vector<16xi32>
          %gather3A_481 = tpu.dynamic_gather %min3A_422[%gather3A_480] in [0] : vector<16xf32>, vector<16xi32> -> vector<16xf32>
          %jit3A_482 = arith.constant 0x7F800000 : f32
          %broadcast_in_dim3A_483 = vector.broadcast %jit3A_482 : f32 to vector<16xf32>
          %select_n3A_484 = arith.select %and3A_457, %gather3A_481, %broadcast_in_dim3A_483 : vector<16xi1>, vector<16xf32>
          %min3A_485 = arith.minimumf %min3A_422, %select_n3A_484 : vector<16xf32>
          %lt3A_486 = arith.constant 0 : i32
          %lt3A_487 = vector.broadcast %lt3A_486 : i32 to vector<16xi32>
          %lt3A_488 = arith.cmpi slt, %max3A_442, %lt3A_487 : vector<16xi32>
          %add3A_489 = arith.constant 16 : i32
          %add3A_490 = vector.broadcast %add3A_489 : i32 to vector<16xi32>
          %add3A_491 = arith.addi %max3A_442, %add3A_490 : vector<16xi32>
          %select_n3A_492 = arith.select %lt3A_488, %add3A_491, %max3A_442 : vector<16xi1>, vector<16xi32>
          %broadcast_in_dim3A_493 = vector.shape_cast %select_n3A_492 : vector<16xi32> to vector<16x1xi32>
          %gather3A_494 = vector.shape_cast %broadcast_in_dim3A_493 : vector<16x1xi32> to vector<16xi32>
          %gather3A_495 = tpu.dynamic_gather %max3A_436[%gather3A_494] in [0] : vector<16xf32>, vector<16xi32> -> vector<16xf32>
          %jit3A_496 = arith.constant 0xFF800000 : f32
          %broadcast_in_dim3A_497 = vector.broadcast %jit3A_496 : f32 to vector<16xf32>
          %select_n3A_498 = arith.select %and3A_457, %gather3A_495, %broadcast_in_dim3A_497 : vector<16xi1>, vector<16xf32>
          %max3A_499 = arith.maximumf %max3A_436, %select_n3A_498 : vector<16xf32>
          %sub3A_500 = arith.constant 8 : i32
          %sub3A_501 = vector.broadcast %sub3A_500 : i32 to vector<16xi32>
          %sub3A_502 = arith.subi %iota3A, %sub3A_501 : vector<16xi32>
          %max3A_503 = arith.constant 0 : i32
          %max3A_504 = vector.broadcast %max3A_503 : i32 to vector<16xi32>
          %max3A_505 = arith.maxsi %sub3A_502, %max3A_504 : vector<16xi32>
          %lt3A_506 = arith.constant 0 : i32
          %lt3A_507 = vector.broadcast %lt3A_506 : i32 to vector<16xi32>
          %lt3A_508 = arith.cmpi slt, %max3A_505, %lt3A_507 : vector<16xi32>
          %add3A_509 = arith.constant 16 : i32
          %add3A_510 = vector.broadcast %add3A_509 : i32 to vector<16xi32>
          %add3A_511 = arith.addi %max3A_505, %add3A_510 : vector<16xi32>
          %select_n3A_512 = arith.select %lt3A_508, %add3A_511, %max3A_505 : vector<16xi1>, vector<16xi32>
          %broadcast_in_dim3A_513 = vector.shape_cast %select_n3A_512 : vector<16xi32> to vector<16x1xi32>
          %gather3A_514 = vector.shape_cast %broadcast_in_dim3A_513 : vector<16x1xi32> to vector<16xi32>
          %gather3A_515 = tpu.dynamic_gather %get3A_238[%gather3A_514] in [0] : vector<16xi32>, vector<16xi32> -> vector<16xi32>
          %eq3A_516 = arith.cmpi eq, %gather3A_515, %get3A_238 : vector<16xi32>
          %ge3A_517 = arith.constant 8 : i32
          %ge3A_518 = vector.broadcast %ge3A_517 : i32 to vector<16xi32>
          %ge3A_519 = arith.cmpi sge, %iota3A, %ge3A_518 : vector<16xi32>
          %and3A_520 = arith.andi %eq3A_516, %ge3A_519 : vector<16xi1>
          %lt3A_521 = arith.constant 0 : i32
          %lt3A_522 = vector.broadcast %lt3A_521 : i32 to vector<16xi32>
          %lt3A_523 = arith.cmpi slt, %max3A_505, %lt3A_522 : vector<16xi32>
          %add3A_524 = arith.constant 16 : i32
          %add3A_525 = vector.broadcast %add3A_524 : i32 to vector<16xi32>
          %add3A_526 = arith.addi %max3A_505, %add3A_525 : vector<16xi32>
          %select_n3A_527 = arith.select %lt3A_523, %add3A_526, %max3A_505 : vector<16xi1>, vector<16xi32>
          %broadcast_in_dim3A_528 = vector.shape_cast %select_n3A_527 : vector<16xi32> to vector<16x1xi32>
          %gather3A_529 = vector.shape_cast %broadcast_in_dim3A_528 : vector<16x1xi32> to vector<16xi32>
          %gather3A_530 = tpu.dynamic_gather %add3A_471[%gather3A_529] in [0] : vector<16xf32>, vector<16xi32> -> vector<16xf32>
          %jit3A_531 = arith.constant 0.000000e+00 : f32
          %broadcast_in_dim3A_532 = vector.broadcast %jit3A_531 : f32 to vector<16xf32>
          %select_n3A_533 = arith.select %and3A_520, %gather3A_530, %broadcast_in_dim3A_532 : vector<16xi1>, vector<16xf32>
          %add3A_534 = arith.addf %add3A_471, %select_n3A_533 : vector<16xf32>
          %lt3A_535 = arith.constant 0 : i32
          %lt3A_536 = vector.broadcast %lt3A_535 : i32 to vector<16xi32>
          %lt3A_537 = arith.cmpi slt, %max3A_505, %lt3A_536 : vector<16xi32>
          %add3A_538 = arith.constant 16 : i32
          %add3A_539 = vector.broadcast %add3A_538 : i32 to vector<16xi32>
          %add3A_540 = arith.addi %max3A_505, %add3A_539 : vector<16xi32>
          %select_n3A_541 = arith.select %lt3A_537, %add3A_540, %max3A_505 : vector<16xi1>, vector<16xi32>
          %broadcast_in_dim3A_542 = vector.shape_cast %select_n3A_541 : vector<16xi32> to vector<16x1xi32>
          %gather3A_543 = vector.shape_cast %broadcast_in_dim3A_542 : vector<16x1xi32> to vector<16xi32>
          %gather3A_544 = tpu.dynamic_gather %min3A_485[%gather3A_543] in [0] : vector<16xf32>, vector<16xi32> -> vector<16xf32>
          %jit3A_545 = arith.constant 0x7F800000 : f32
          %broadcast_in_dim3A_546 = vector.broadcast %jit3A_545 : f32 to vector<16xf32>
          %select_n3A_547 = arith.select %and3A_520, %gather3A_544, %broadcast_in_dim3A_546 : vector<16xi1>, vector<16xf32>
          %min3A_548 = arith.minimumf %min3A_485, %select_n3A_547 : vector<16xf32>
          %lt3A_549 = arith.constant 0 : i32
          %lt3A_550 = vector.broadcast %lt3A_549 : i32 to vector<16xi32>
          %lt3A_551 = arith.cmpi slt, %max3A_505, %lt3A_550 : vector<16xi32>
          %add3A_552 = arith.constant 16 : i32
          %add3A_553 = vector.broadcast %add3A_552 : i32 to vector<16xi32>
          %add3A_554 = arith.addi %max3A_505, %add3A_553 : vector<16xi32>
          %select_n3A_555 = arith.select %lt3A_551, %add3A_554, %max3A_505 : vector<16xi1>, vector<16xi32>
          %broadcast_in_dim3A_556 = vector.shape_cast %select_n3A_555 : vector<16xi32> to vector<16x1xi32>
          %gather3A_557 = vector.shape_cast %broadcast_in_dim3A_556 : vector<16x1xi32> to vector<16xi32>
          %gather3A_558 = tpu.dynamic_gather %max3A_499[%gather3A_557] in [0] : vector<16xf32>, vector<16xi32> -> vector<16xf32>
          %jit3A_559 = arith.constant 0xFF800000 : f32
          %broadcast_in_dim3A_560 = vector.broadcast %jit3A_559 : f32 to vector<16xf32>
          %select_n3A_561 = arith.select %and3A_520, %gather3A_558, %broadcast_in_dim3A_560 : vector<16xi1>, vector<16xf32>
          %max3A_562 = arith.maximumf %max3A_499, %select_n3A_561 : vector<16xf32>
          %add3A_563 = arith.constant 1 : i32
          %add3A_564 = vector.broadcast %add3A_563 : i32 to vector<16xi32>
          %add3A_565 = arith.addi %iota3A, %add3A_564 : vector<16xi32>
          %min3A_566 = arith.constant 15 : i32
          %min3A_567 = vector.broadcast %min3A_566 : i32 to vector<16xi32>
          %min3A_568 = arith.minsi %add3A_565, %min3A_567 : vector<16xi32>
          %lt3A_569 = arith.constant 0 : i32
          %lt3A_570 = vector.broadcast %lt3A_569 : i32 to vector<16xi32>
          %lt3A_571 = arith.cmpi slt, %min3A_568, %lt3A_570 : vector<16xi32>
          %add3A_572 = arith.constant 16 : i32
          %add3A_573 = vector.broadcast %add3A_572 : i32 to vector<16xi32>
          %add3A_574 = arith.addi %min3A_568, %add3A_573 : vector<16xi32>
          %select_n3A_575 = arith.select %lt3A_571, %add3A_574, %min3A_568 : vector<16xi1>, vector<16xi32>
          %broadcast_in_dim3A_576 = vector.shape_cast %select_n3A_575 : vector<16xi32> to vector<16x1xi32>
          %gather3A_577 = vector.shape_cast %broadcast_in_dim3A_576 : vector<16x1xi32> to vector<16xi32>
          %gather3A_578 = tpu.dynamic_gather %get3A_238[%gather3A_577] in [0] : vector<16xi32>, vector<16xi32> -> vector<16xi32>
          %ne3A_579 = arith.cmpi ne, %get3A_238, %gather3A_578 : vector<16xi32>
          %eq3A_580 = arith.constant 15 : i32
          %eq3A_581 = vector.broadcast %eq3A_580 : i32 to vector<16xi32>
          %eq3A_582 = arith.cmpi eq, %iota3A, %eq3A_581 : vector<16xi32>
          %or3A = arith.ori %ne3A_579, %eq3A_582 : vector<16xi1>
          %and3A_583 = arith.andi %or3A, %and3A_301 : vector<16xi1>
          %sub3A_584 = vector.broadcast %multiple_of3A_92 : i32 to vector<16xi32>
          %sub3A_585 = arith.subi %get3A_238, %sub3A_584 : vector<16xi32>
          %jit3A_586 = arith.constant 0 : i32
          %jit3A_587 = arith.constant 1567 : i32
          %max3A_588 = vector.broadcast %jit3A_586 : i32 to vector<16xi32>
          %max3A_589 = arith.maxsi %max3A_588, %sub3A_585 : vector<16xi32>
          %min3A_590 = vector.broadcast %jit3A_587 : i32 to vector<16xi32>
          %min3A_591 = arith.minsi %min3A_590, %max3A_589 : vector<16xi32>
          %gather3A_592 = tpu.vector_load_idx %arg11[%min3A_591] masked %and3A_583 : memref<3136xf32, #tpu.memory_space<vmem>>[vector<16xi32>], vector<16xf32>, vector<16xi1>
          %add3A_593 = arith.addf %gather3A_592, %add3A_534 : vector<16xf32>
          tpu.vector_store_idx %arg11[%min3A_591], %add3A_593 masked %and3A_583 : memref<3136xf32, #tpu.memory_space<vmem>>[vector<16xi32>], vector<16xf32>, vector<16xi1>
          %gather3A_594 = tpu.vector_load_idx %arg12[%min3A_591] masked %and3A_583 : memref<3136xf32, #tpu.memory_space<vmem>>[vector<16xi32>], vector<16xf32>, vector<16xi1>
          %min3A_595 = arith.minimumf %gather3A_594, %min3A_548 : vector<16xf32>
          tpu.vector_store_idx %arg12[%min3A_591], %min3A_595 masked %and3A_583 : memref<3136xf32, #tpu.memory_space<vmem>>[vector<16xi32>], vector<16xf32>, vector<16xi1>
          %gather3A_596 = tpu.vector_load_idx %arg13[%min3A_591] masked %and3A_583 : memref<3136xf32, #tpu.memory_space<vmem>>[vector<16xi32>], vector<16xf32>, vector<16xi1>
          %max3A_597 = arith.maximumf %gather3A_596, %max3A_562 : vector<16xf32>
          tpu.vector_store_idx %arg13[%min3A_591], %max3A_597 masked %and3A_583 : memref<3136xf32, #tpu.memory_space<vmem>>[vector<16xi32>], vector<16xf32>, vector<16xi1>
          %broadcast_in_dim3A_598 = arith.constant 0.000000e+00 : f32
          %broadcast_in_dim3A_599 = vector.broadcast %broadcast_in_dim3A_598 : f32 to vector<16xf32>
          %add3A_600 = arith.constant 0x7F800000 : f32
          %add3A_601 = vector.broadcast %add3A_600 : f32 to vector<16xf32>
          %add3A_602 = arith.addf %broadcast_in_dim3A_599, %add3A_601 : vector<16xf32>
          %add3A_603 = arith.constant 0xFF800000 : f32
          %add3A_604 = vector.broadcast %add3A_603 : f32 to vector<16xf32>
          %add3A_605 = arith.addf %broadcast_in_dim3A_599, %add3A_604 : vector<16xf32>
          scf.yield %squeeze3A_244, %broadcast_in_dim3A_599, %add3A_602, %add3A_605 : i32, vector<16xf32>, vector<16xf32>, vector<16xf32>
        }
        scf.yield %cond3A_256#0, %cond3A_256#1, %cond3A_256#2, %cond3A_256#3 : i32, vector<16xf32>, vector<16xf32>, vector<16xf32>
      }
      %scan3A_229 = arith.constant 512 : i32
      scf.yield %scan3A_228#0, %scan3A_228#1, %scan3A_228#2, %scan3A_228#3 : i32, vector<16xf32>, vector<16xf32>, vector<16xf32>
    }
    %while3A_153 = arith.constant 1 : i32
    %while3A_154:4 = scf.for %while3A_212 = %while3A_150 to %while3A_146 step %while3A_153 iter_args(%while3A_213 = %while3A_152#0, %while3A_214 = %while3A_152#1, %while3A_215 = %while3A_152#2, %while3A_216 = %while3A_152#3) -> (i32, vector<16xf32>, vector<16xf32>, vector<16xf32>)  : i32 {
      %mul3A_217 = arith.constant 8192 : i32
      %mul3A_218 = arith.muli %while3A_212, %mul3A_217 : i32
      %add3A_219 = arith.addi %and3A_107, %mul3A_218 : i32
      %min3A_220 = arith.constant 6391808 : i32
      %min3A_221 = arith.minsi %add3A_219, %min3A_220 : i32
      %multiple_of3A_222 = tpu.assume_multiple %min3A_221, 16 : i32
      "tpu.region"() ({
        %run_scoped3A = tpu.sem_alloc : memref<!tpu.dma_semaphore, #tpu.memory_space<semaphore_mem>>
        %dma_start3A = tpu.memref_slice %arg2[%multiple_of3A_222] : memref<6400000xf32, #tpu.memory_space<hbm>> -> memref<8192xf32, #tpu.memory_space<hbm>>
        %dma_start3A_230 = tpu.memref_slice %arg2[%multiple_of3A_222] : memref<6400000xf32, #tpu.memory_space<hbm>> -> memref<8192xf32, #tpu.memory_space<hbm>>
        tpu.enqueue_dma source(%dma_start3A_230 : memref<8192xf32, #tpu.memory_space<hbm>>) target(%arg18 : memref<8192xf32, #tpu.memory_space<vmem>>) target_semaphore(%run_scoped3A : memref<!tpu.dma_semaphore, #tpu.memory_space<semaphore_mem>>)
        %dma_wait3A = tpu.memref_slice %arg2[%multiple_of3A_222] : memref<6400000xf32, #tpu.memory_space<hbm>> -> memref<8192xf32, #tpu.memory_space<hbm>>
        %dma_wait3A_231 = tpu.memref_slice %arg2[%multiple_of3A_222] : memref<6400000xf32, #tpu.memory_space<hbm>> -> memref<8192xf32, #tpu.memory_space<hbm>>
        tpu.wait_dma2 semaphore(%run_scoped3A : memref<!tpu.dma_semaphore, #tpu.memory_space<semaphore_mem>>) src(%dma_wait3A_231 : memref<8192xf32, #tpu.memory_space<hbm>>) dst(%arg18 : memref<8192xf32, #tpu.memory_space<vmem>>)
        tpu.yield
      }) : () -> ()
      "tpu.region"() ({
        %run_scoped3A = tpu.sem_alloc : memref<!tpu.dma_semaphore, #tpu.memory_space<semaphore_mem>>
        %dma_start3A = tpu.memref_slice %arg4[%multiple_of3A_222] : memref<6400000xi32, #tpu.memory_space<hbm>> -> memref<8192xi32, #tpu.memory_space<hbm>>
        %dma_start3A_230 = tpu.memref_slice %arg4[%multiple_of3A_222] : memref<6400000xi32, #tpu.memory_space<hbm>> -> memref<8192xi32, #tpu.memory_space<hbm>>
        tpu.enqueue_dma source(%dma_start3A_230 : memref<8192xi32, #tpu.memory_space<hbm>>) target(%arg19 : memref<8192xi32, #tpu.memory_space<vmem>>) target_semaphore(%run_scoped3A : memref<!tpu.dma_semaphore, #tpu.memory_space<semaphore_mem>>)
        %dma_wait3A = tpu.memref_slice %arg4[%multiple_of3A_222] : memref<6400000xi32, #tpu.memory_space<hbm>> -> memref<8192xi32, #tpu.memory_space<hbm>>
        %dma_wait3A_231 = tpu.memref_slice %arg4[%multiple_of3A_222] : memref<6400000xi32, #tpu.memory_space<hbm>> -> memref<8192xi32, #tpu.memory_space<hbm>>
        tpu.wait_dma2 semaphore(%run_scoped3A : memref<!tpu.dma_semaphore, #tpu.memory_space<semaphore_mem>>) src(%dma_wait3A_231 : memref<8192xi32, #tpu.memory_space<hbm>>) dst(%arg19 : memref<8192xi32, #tpu.memory_space<vmem>>)
        tpu.yield
      }) : () -> ()
      %max3A_223 = arith.maxsi %squeeze3A_96, %add3A_219 : i32
      %scan3A_224 = arith.constant 0 : i32
      %scan3A_225 = arith.constant 512 : i32
      %scan3A_226 = arith.addi %scan3A_224, %scan3A_225 : i32
      %scan3A_227 = arith.constant 1 : i32
      %scan3A_228:4 = scf.for %scan3A_230 = %scan3A_224 to %scan3A_226 step %scan3A_227 iter_args(%scan3A_231 = %while3A_213, %scan3A_232 = %while3A_214, %scan3A_233 = %while3A_215, %scan3A_234 = %while3A_216) -> (i32, vector<16xf32>, vector<16xf32>, vector<16xf32>)  : i32 {
        %mul3A_235 = arith.constant 16 : i32
        %mul3A_236 = arith.muli %scan3A_230, %mul3A_235 : i32
        %get3A_237 = arith.index_cast %mul3A_236 : i32 to index
        %get3A_238 = tpu.vector_load %arg19[%get3A_237] {strides = array<i32>} : memref<8192xi32, #tpu.memory_space<vmem>>, vector<16xi32>,
        %get3A_239 = arith.index_cast %mul3A_236 : i32 to index
        %get3A_240 = tpu.vector_load %arg18[%get3A_239] {strides = array<i32>} : memref<8192xf32, #tpu.memory_space<vmem>>, vector<16xf32>,
        %slice3A_241 = vector.extract_strided_slice %get3A_238 {offsets = [0], sizes = [1], strides = [1]} : vector<16xi32> to vector<1xi32>
        %squeeze3A_242 = vector.extract %slice3A_241[0] : i32 from vector<1xi32>
        %slice3A_243 = vector.extract_strided_slice %get3A_238 {offsets = [15], sizes = [1], strides = [1]} : vector<16xi32> to vector<1xi32>
        %squeeze3A_244 = vector.extract %slice3A_243[0] : i32 from vector<1xi32>
        %add3A_245 = arith.addi %multiple_of3A_222, %mul3A_236 : i32
        %ge3A_246 = arith.cmpi sge, %add3A_245, %max3A_223 : i32
        %add3A_247 = arith.constant 15 : i32
        %add3A_248 = arith.addi %add3A_245, %add3A_247 : i32
        %lt3A_249 = arith.cmpi slt, %add3A_248, %squeeze3A_98 : i32
        %and3A_250 = arith.andi %ge3A_246, %lt3A_249 : i1
        %eq3A_251 = arith.cmpi eq, %squeeze3A_242, %squeeze3A_244 : i32
        %and3A_252 = arith.andi %and3A_250, %eq3A_251 : i1
        %eq3A_253 = arith.cmpi eq, %squeeze3A_242, %scan3A_231 : i32
        %and3A_254 = arith.andi %and3A_252, %eq3A_253 : i1
        %convert_element_type3A = arith.extui %and3A_254 : i1 to i32
        %cond3A = arith.constant 0 : i32
        %cond3A_255 = arith.cmpi ne, %convert_element_type3A, %cond3A : i32
        %cond3A_256:4 = scf.if %cond3A_255 -> (i32, vector<16xf32>, vector<16xf32>, vector<16xf32>) {
          %add3A_257 = arith.addf %scan3A_232, %get3A_240 : vector<16xf32>
          %min3A_258 = arith.minimumf %scan3A_233, %get3A_240 : vector<16xf32>
          %max3A_259 = arith.maximumf %scan3A_234, %get3A_240 : vector<16xf32>
          scf.yield %scan3A_231, %add3A_257, %min3A_258, %max3A_259 : i32, vector<16xf32>, vector<16xf32>, vector<16xf32>
        } else {
          %sub3A_257 = arith.subi %scan3A_231, %multiple_of3A_92 : i32
          %jit3A_258 = arith.constant 0 : i32
          %jit3A_259 = arith.constant 1567 : i32
          %max3A_260 = arith.maxsi %jit3A_258, %sub3A_257 : i32
          %min3A_261 = arith.minsi %jit3A_259, %max3A_260 : i32
          %broadcast_in_dim3A_262 = vector.broadcast %min3A_261 : i32 to vector<16xi32>
          %eq3A_263 = arith.constant 0 : i32
          %eq3A_264 = vector.broadcast %eq3A_263 : i32 to vector<16xi32>
          %eq3A_265 = arith.cmpi eq, %iota3A, %eq3A_264 : vector<16xi32>
          %ge3A_266 = arith.cmpi sge, %scan3A_231, %multiple_of3A_92 : i32
          %and3A_267 = vector.broadcast %ge3A_266 : i1 to vector<16xi1>
          %and3A_268 = arith.andi %eq3A_265, %and3A_267 : vector<16xi1>
          %add3A_269 = arith.constant 1568 : i32
          %add3A_270 = arith.addi %multiple_of3A_92, %add3A_269 : i32
          %lt3A_271 = arith.cmpi slt, %scan3A_231, %add3A_270 : i32
          %and3A_272 = vector.broadcast %lt3A_271 : i1 to vector<16xi1>
          %and3A_273 = arith.andi %and3A_268, %and3A_272 : vector<16xi1>
          %gather3A_274 = tpu.vector_load_idx %arg11[%broadcast_in_dim3A_262] masked %and3A_273 : memref<3136xf32, #tpu.memory_space<vmem>>[vector<16xi32>], vector<16xf32>, vector<16xi1>
          %reduce_sum3A_275 = arith.constant true
          %reduce_sum3A_276 = vector.broadcast %reduce_sum3A_275 : i1 to vector<16xi1>
          %reduce_sum3A_277 = tpu.scan <sum>, %scan3A_232 masked %reduce_sum3A_276 : vector<16xf32>, vector<16xi1> -> vector<16xf32>
          %reduce_sum3A_278 = vector.extract %reduce_sum3A_277[15] : f32 from vector<16xf32>
          %add3A_279 = vector.broadcast %reduce_sum3A_278 : f32 to vector<16xf32>
          %add3A_280 = arith.addf %gather3A_274, %add3A_279 : vector<16xf32>
          tpu.vector_store_idx %arg11[%broadcast_in_dim3A_262], %add3A_280 masked %and3A_273 : memref<3136xf32, #tpu.memory_space<vmem>>[vector<16xi32>], vector<16xf32>, vector<16xi1>
          %gather3A_281 = tpu.vector_load_idx %arg12[%broadcast_in_dim3A_262] masked %and3A_273 : memref<3136xf32, #tpu.memory_space<vmem>>[vector<16xi32>], vector<16xf32>, vector<16xi1>
          %reduce_min3A_282 = arith.constant true
          %reduce_min3A_283 = vector.broadcast %reduce_min3A_282 : i1 to vector<16xi1>
          %reduce_min3A_284 = tpu.scan <min>, %scan3A_233 masked %reduce_min3A_283 : vector<16xf32>, vector<16xi1> -> vector<16xf32>
          %reduce_min3A_285 = vector.extract %reduce_min3A_284[15] : f32 from vector<16xf32>
          %min3A_286 = vector.broadcast %reduce_min3A_285 : f32 to vector<16xf32>
          %min3A_287 = arith.minimumf %gather3A_281, %min3A_286 : vector<16xf32>
          tpu.vector_store_idx %arg12[%broadcast_in_dim3A_262], %min3A_287 masked %and3A_273 : memref<3136xf32, #tpu.memory_space<vmem>>[vector<16xi32>], vector<16xf32>, vector<16xi1>
          %gather3A_288 = tpu.vector_load_idx %arg13[%broadcast_in_dim3A_262] masked %and3A_273 : memref<3136xf32, #tpu.memory_space<vmem>>[vector<16xi32>], vector<16xf32>, vector<16xi1>
          %reduce_max3A_289 = arith.constant true
          %reduce_max3A_290 = vector.broadcast %reduce_max3A_289 : i1 to vector<16xi1>
          %reduce_max3A_291 = tpu.scan <max>, %scan3A_234 masked %reduce_max3A_290 : vector<16xf32>, vector<16xi1> -> vector<16xf32>
          %reduce_max3A_292 = vector.extract %reduce_max3A_291[15] : f32 from vector<16xf32>
          %max3A_293 = vector.broadcast %reduce_max3A_292 : f32 to vector<16xf32>
          %max3A_294 = arith.maximumf %gather3A_288, %max3A_293 : vector<16xf32>
          tpu.vector_store_idx %arg13[%broadcast_in_dim3A_262], %max3A_294 masked %and3A_273 : memref<3136xf32, #tpu.memory_space<vmem>>[vector<16xi32>], vector<16xf32>, vector<16xi1>
          %add3A_295 = vector.broadcast %add3A_245 : i32 to vector<16xi32>
          %add3A_296 = arith.addi %add3A_295, %iota3A : vector<16xi32>
          %ge3A_297 = vector.broadcast %max3A_223 : i32 to vector<16xi32>
          %ge3A_298 = arith.cmpi sge, %add3A_296, %ge3A_297 : vector<16xi32>
          %lt3A_299 = vector.broadcast %squeeze3A_98 : i32 to vector<16xi32>
          %lt3A_300 = arith.cmpi slt, %add3A_296, %lt3A_299 : vector<16xi32>
          %and3A_301 = arith.andi %ge3A_298, %lt3A_300 : vector<16xi1>
          %jit3A_302 = arith.constant 0.000000e+00 : f32
          %broadcast_in_dim3A_303 = vector.broadcast %jit3A_302 : f32 to vector<16xf32>
          %select_n3A_304 = arith.select %and3A_301, %get3A_240, %broadcast_in_dim3A_303 : vector<16xi1>, vector<16xf32>
          %jit3A_305 = arith.constant 0x7F800000 : f32
          %broadcast_in_dim3A_306 = vector.broadcast %jit3A_305 : f32 to vector<16xf32>
          %select_n3A_307 = arith.select %and3A_301, %get3A_240, %broadcast_in_dim3A_306 : vector<16xi1>, vector<16xf32>
          %jit3A_308 = arith.constant 0xFF800000 : f32
          %broadcast_in_dim3A_309 = vector.broadcast %jit3A_308 : f32 to vector<16xf32>
          %select_n3A_310 = arith.select %and3A_301, %get3A_240, %broadcast_in_dim3A_309 : vector<16xi1>, vector<16xf32>
          %sub3A_311 = arith.constant 1 : i32
          %sub3A_312 = vector.broadcast %sub3A_311 : i32 to vector<16xi32>
          %sub3A_313 = arith.subi %iota3A, %sub3A_312 : vector<16xi32>
          %max3A_314 = arith.constant 0 : i32
          %max3A_315 = vector.broadcast %max3A_314 : i32 to vector<16xi32>
          %max3A_316 = arith.maxsi %sub3A_313, %max3A_315 : vector<16xi32>
          %lt3A_317 = arith.constant 0 : i32
          %lt3A_318 = vector.broadcast %lt3A_317 : i32 to vector<16xi32>
          %lt3A_319 = arith.cmpi slt, %max3A_316, %lt3A_318 : vector<16xi32>
          %add3A_320 = arith.constant 16 : i32
          %add3A_321 = vector.broadcast %add3A_320 : i32 to vector<16xi32>
          %add3A_322 = arith.addi %max3A_316, %add3A_321 : vector<16xi32>
          %select_n3A_323 = arith.select %lt3A_319, %add3A_322, %max3A_316 : vector<16xi1>, vector<16xi32>
          %broadcast_in_dim3A_324 = vector.shape_cast %select_n3A_323 : vector<16xi32> to vector<16x1xi32>
          %gather3A_325 = vector.shape_cast %broadcast_in_dim3A_324 : vector<16x1xi32> to vector<16xi32>
          %gather3A_326 = tpu.dynamic_gather %get3A_238[%gather3A_325] in [0] : vector<16xi32>, vector<16xi32> -> vector<16xi32>
          %eq3A_327 = arith.cmpi eq, %gather3A_326, %get3A_238 : vector<16xi32>
          %ge3A_328 = arith.constant 1 : i32
          %ge3A_329 = vector.broadcast %ge3A_328 : i32 to vector<16xi32>
          %ge3A_330 = arith.cmpi sge, %iota3A, %ge3A_329 : vector<16xi32>
          %and3A_331 = arith.andi %eq3A_327, %ge3A_330 : vector<16xi1>
          %lt3A_332 = arith.constant 0 : i32
          %lt3A_333 = vector.broadcast %lt3A_332 : i32 to vector<16xi32>
          %lt3A_334 = arith.cmpi slt, %max3A_316, %lt3A_333 : vector<16xi32>
          %add3A_335 = arith.constant 16 : i32
          %add3A_336 = vector.broadcast %add3A_335 : i32 to vector<16xi32>
          %add3A_337 = arith.addi %max3A_316, %add3A_336 : vector<16xi32>
          %select_n3A_338 = arith.select %lt3A_334, %add3A_337, %max3A_316 : vector<16xi1>, vector<16xi32>
          %broadcast_in_dim3A_339 = vector.shape_cast %select_n3A_338 : vector<16xi32> to vector<16x1xi32>
          %gather3A_340 = vector.shape_cast %broadcast_in_dim3A_339 : vector<16x1xi32> to vector<16xi32>
          %gather3A_341 = tpu.dynamic_gather %select_n3A_304[%gather3A_340] in [0] : vector<16xf32>, vector<16xi32> -> vector<16xf32>
          %jit3A_342 = arith.constant 0.000000e+00 : f32
          %broadcast_in_dim3A_343 = vector.broadcast %jit3A_342 : f32 to vector<16xf32>
          %select_n3A_344 = arith.select %and3A_331, %gather3A_341, %broadcast_in_dim3A_343 : vector<16xi1>, vector<16xf32>
          %add3A_345 = arith.addf %select_n3A_304, %select_n3A_344 : vector<16xf32>
          %lt3A_346 = arith.constant 0 : i32
          %lt3A_347 = vector.broadcast %lt3A_346 : i32 to vector<16xi32>
          %lt3A_348 = arith.cmpi slt, %max3A_316, %lt3A_347 : vector<16xi32>
          %add3A_349 = arith.constant 16 : i32
          %add3A_350 = vector.broadcast %add3A_349 : i32 to vector<16xi32>
          %add3A_351 = arith.addi %max3A_316, %add3A_350 : vector<16xi32>
          %select_n3A_352 = arith.select %lt3A_348, %add3A_351, %max3A_316 : vector<16xi1>, vector<16xi32>
          %broadcast_in_dim3A_353 = vector.shape_cast %select_n3A_352 : vector<16xi32> to vector<16x1xi32>
          %gather3A_354 = vector.shape_cast %broadcast_in_dim3A_353 : vector<16x1xi32> to vector<16xi32>
          %gather3A_355 = tpu.dynamic_gather %select_n3A_307[%gather3A_354] in [0] : vector<16xf32>, vector<16xi32> -> vector<16xf32>
          %jit3A_356 = arith.constant 0x7F800000 : f32
          %broadcast_in_dim3A_357 = vector.broadcast %jit3A_356 : f32 to vector<16xf32>
          %select_n3A_358 = arith.select %and3A_331, %gather3A_355, %broadcast_in_dim3A_357 : vector<16xi1>, vector<16xf32>
          %min3A_359 = arith.minimumf %select_n3A_307, %select_n3A_358 : vector<16xf32>
          %lt3A_360 = arith.constant 0 : i32
          %lt3A_361 = vector.broadcast %lt3A_360 : i32 to vector<16xi32>
          %lt3A_362 = arith.cmpi slt, %max3A_316, %lt3A_361 : vector<16xi32>
          %add3A_363 = arith.constant 16 : i32
          %add3A_364 = vector.broadcast %add3A_363 : i32 to vector<16xi32>
          %add3A_365 = arith.addi %max3A_316, %add3A_364 : vector<16xi32>
          %select_n3A_366 = arith.select %lt3A_362, %add3A_365, %max3A_316 : vector<16xi1>, vector<16xi32>
          %broadcast_in_dim3A_367 = vector.shape_cast %select_n3A_366 : vector<16xi32> to vector<16x1xi32>
          %gather3A_368 = vector.shape_cast %broadcast_in_dim3A_367 : vector<16x1xi32> to vector<16xi32>
          %gather3A_369 = tpu.dynamic_gather %select_n3A_310[%gather3A_368] in [0] : vector<16xf32>, vector<16xi32> -> vector<16xf32>
          %jit3A_370 = arith.constant 0xFF800000 : f32
          %broadcast_in_dim3A_371 = vector.broadcast %jit3A_370 : f32 to vector<16xf32>
          %select_n3A_372 = arith.select %and3A_331, %gather3A_369, %broadcast_in_dim3A_371 : vector<16xi1>, vector<16xf32>
          %max3A_373 = arith.maximumf %select_n3A_310, %select_n3A_372 : vector<16xf32>
          %sub3A_374 = arith.constant 2 : i32
          %sub3A_375 = vector.broadcast %sub3A_374 : i32 to vector<16xi32>
          %sub3A_376 = arith.subi %iota3A, %sub3A_375 : vector<16xi32>
          %max3A_377 = arith.constant 0 : i32
          %max3A_378 = vector.broadcast %max3A_377 : i32 to vector<16xi32>
          %max3A_379 = arith.maxsi %sub3A_376, %max3A_378 : vector<16xi32>
          %lt3A_380 = arith.constant 0 : i32
          %lt3A_381 = vector.broadcast %lt3A_380 : i32 to vector<16xi32>
          %lt3A_382 = arith.cmpi slt, %max3A_379, %lt3A_381 : vector<16xi32>
          %add3A_383 = arith.constant 16 : i32
          %add3A_384 = vector.broadcast %add3A_383 : i32 to vector<16xi32>
          %add3A_385 = arith.addi %max3A_379, %add3A_384 : vector<16xi32>
          %select_n3A_386 = arith.select %lt3A_382, %add3A_385, %max3A_379 : vector<16xi1>, vector<16xi32>
          %broadcast_in_dim3A_387 = vector.shape_cast %select_n3A_386 : vector<16xi32> to vector<16x1xi32>
          %gather3A_388 = vector.shape_cast %broadcast_in_dim3A_387 : vector<16x1xi32> to vector<16xi32>
          %gather3A_389 = tpu.dynamic_gather %get3A_238[%gather3A_388] in [0] : vector<16xi32>, vector<16xi32> -> vector<16xi32>
          %eq3A_390 = arith.cmpi eq, %gather3A_389, %get3A_238 : vector<16xi32>
          %ge3A_391 = arith.constant 2 : i32
          %ge3A_392 = vector.broadcast %ge3A_391 : i32 to vector<16xi32>
          %ge3A_393 = arith.cmpi sge, %iota3A, %ge3A_392 : vector<16xi32>
          %and3A_394 = arith.andi %eq3A_390, %ge3A_393 : vector<16xi1>
          %lt3A_395 = arith.constant 0 : i32
          %lt3A_396 = vector.broadcast %lt3A_395 : i32 to vector<16xi32>
          %lt3A_397 = arith.cmpi slt, %max3A_379, %lt3A_396 : vector<16xi32>
          %add3A_398 = arith.constant 16 : i32
          %add3A_399 = vector.broadcast %add3A_398 : i32 to vector<16xi32>
          %add3A_400 = arith.addi %max3A_379, %add3A_399 : vector<16xi32>
          %select_n3A_401 = arith.select %lt3A_397, %add3A_400, %max3A_379 : vector<16xi1>, vector<16xi32>
          %broadcast_in_dim3A_402 = vector.shape_cast %select_n3A_401 : vector<16xi32> to vector<16x1xi32>
          %gather3A_403 = vector.shape_cast %broadcast_in_dim3A_402 : vector<16x1xi32> to vector<16xi32>
          %gather3A_404 = tpu.dynamic_gather %add3A_345[%gather3A_403] in [0] : vector<16xf32>, vector<16xi32> -> vector<16xf32>
          %jit3A_405 = arith.constant 0.000000e+00 : f32
          %broadcast_in_dim3A_406 = vector.broadcast %jit3A_405 : f32 to vector<16xf32>
          %select_n3A_407 = arith.select %and3A_394, %gather3A_404, %broadcast_in_dim3A_406 : vector<16xi1>, vector<16xf32>
          %add3A_408 = arith.addf %add3A_345, %select_n3A_407 : vector<16xf32>
          %lt3A_409 = arith.constant 0 : i32
          %lt3A_410 = vector.broadcast %lt3A_409 : i32 to vector<16xi32>
          %lt3A_411 = arith.cmpi slt, %max3A_379, %lt3A_410 : vector<16xi32>
          %add3A_412 = arith.constant 16 : i32
          %add3A_413 = vector.broadcast %add3A_412 : i32 to vector<16xi32>
          %add3A_414 = arith.addi %max3A_379, %add3A_413 : vector<16xi32>
          %select_n3A_415 = arith.select %lt3A_411, %add3A_414, %max3A_379 : vector<16xi1>, vector<16xi32>
          %broadcast_in_dim3A_416 = vector.shape_cast %select_n3A_415 : vector<16xi32> to vector<16x1xi32>
          %gather3A_417 = vector.shape_cast %broadcast_in_dim3A_416 : vector<16x1xi32> to vector<16xi32>
          %gather3A_418 = tpu.dynamic_gather %min3A_359[%gather3A_417] in [0] : vector<16xf32>, vector<16xi32> -> vector<16xf32>
          %jit3A_419 = arith.constant 0x7F800000 : f32
          %broadcast_in_dim3A_420 = vector.broadcast %jit3A_419 : f32 to vector<16xf32>
          %select_n3A_421 = arith.select %and3A_394, %gather3A_418, %broadcast_in_dim3A_420 : vector<16xi1>, vector<16xf32>
          %min3A_422 = arith.minimumf %min3A_359, %select_n3A_421 : vector<16xf32>
          %lt3A_423 = arith.constant 0 : i32
          %lt3A_424 = vector.broadcast %lt3A_423 : i32 to vector<16xi32>
          %lt3A_425 = arith.cmpi slt, %max3A_379, %lt3A_424 : vector<16xi32>
          %add3A_426 = arith.constant 16 : i32
          %add3A_427 = vector.broadcast %add3A_426 : i32 to vector<16xi32>
          %add3A_428 = arith.addi %max3A_379, %add3A_427 : vector<16xi32>
          %select_n3A_429 = arith.select %lt3A_425, %add3A_428, %max3A_379 : vector<16xi1>, vector<16xi32>
          %broadcast_in_dim3A_430 = vector.shape_cast %select_n3A_429 : vector<16xi32> to vector<16x1xi32>
          %gather3A_431 = vector.shape_cast %broadcast_in_dim3A_430 : vector<16x1xi32> to vector<16xi32>
          %gather3A_432 = tpu.dynamic_gather %max3A_373[%gather3A_431] in [0] : vector<16xf32>, vector<16xi32> -> vector<16xf32>
          %jit3A_433 = arith.constant 0xFF800000 : f32
          %broadcast_in_dim3A_434 = vector.broadcast %jit3A_433 : f32 to vector<16xf32>
          %select_n3A_435 = arith.select %and3A_394, %gather3A_432, %broadcast_in_dim3A_434 : vector<16xi1>, vector<16xf32>
          %max3A_436 = arith.maximumf %max3A_373, %select_n3A_435 : vector<16xf32>
          %sub3A_437 = arith.constant 4 : i32
          %sub3A_438 = vector.broadcast %sub3A_437 : i32 to vector<16xi32>
          %sub3A_439 = arith.subi %iota3A, %sub3A_438 : vector<16xi32>
          %max3A_440 = arith.constant 0 : i32
          %max3A_441 = vector.broadcast %max3A_440 : i32 to vector<16xi32>
          %max3A_442 = arith.maxsi %sub3A_439, %max3A_441 : vector<16xi32>
          %lt3A_443 = arith.constant 0 : i32
          %lt3A_444 = vector.broadcast %lt3A_443 : i32 to vector<16xi32>
          %lt3A_445 = arith.cmpi slt, %max3A_442, %lt3A_444 : vector<16xi32>
          %add3A_446 = arith.constant 16 : i32
          %add3A_447 = vector.broadcast %add3A_446 : i32 to vector<16xi32>
          %add3A_448 = arith.addi %max3A_442, %add3A_447 : vector<16xi32>
          %select_n3A_449 = arith.select %lt3A_445, %add3A_448, %max3A_442 : vector<16xi1>, vector<16xi32>
          %broadcast_in_dim3A_450 = vector.shape_cast %select_n3A_449 : vector<16xi32> to vector<16x1xi32>
          %gather3A_451 = vector.shape_cast %broadcast_in_dim3A_450 : vector<16x1xi32> to vector<16xi32>
          %gather3A_452 = tpu.dynamic_gather %get3A_238[%gather3A_451] in [0] : vector<16xi32>, vector<16xi32> -> vector<16xi32>
          %eq3A_453 = arith.cmpi eq, %gather3A_452, %get3A_238 : vector<16xi32>
          %ge3A_454 = arith.constant 4 : i32
          %ge3A_455 = vector.broadcast %ge3A_454 : i32 to vector<16xi32>
          %ge3A_456 = arith.cmpi sge, %iota3A, %ge3A_455 : vector<16xi32>
          %and3A_457 = arith.andi %eq3A_453, %ge3A_456 : vector<16xi1>
          %lt3A_458 = arith.constant 0 : i32
          %lt3A_459 = vector.broadcast %lt3A_458 : i32 to vector<16xi32>
          %lt3A_460 = arith.cmpi slt, %max3A_442, %lt3A_459 : vector<16xi32>
          %add3A_461 = arith.constant 16 : i32
          %add3A_462 = vector.broadcast %add3A_461 : i32 to vector<16xi32>
          %add3A_463 = arith.addi %max3A_442, %add3A_462 : vector<16xi32>
          %select_n3A_464 = arith.select %lt3A_460, %add3A_463, %max3A_442 : vector<16xi1>, vector<16xi32>
          %broadcast_in_dim3A_465 = vector.shape_cast %select_n3A_464 : vector<16xi32> to vector<16x1xi32>
          %gather3A_466 = vector.shape_cast %broadcast_in_dim3A_465 : vector<16x1xi32> to vector<16xi32>
          %gather3A_467 = tpu.dynamic_gather %add3A_408[%gather3A_466] in [0] : vector<16xf32>, vector<16xi32> -> vector<16xf32>
          %jit3A_468 = arith.constant 0.000000e+00 : f32
          %broadcast_in_dim3A_469 = vector.broadcast %jit3A_468 : f32 to vector<16xf32>
          %select_n3A_470 = arith.select %and3A_457, %gather3A_467, %broadcast_in_dim3A_469 : vector<16xi1>, vector<16xf32>
          %add3A_471 = arith.addf %add3A_408, %select_n3A_470 : vector<16xf32>
          %lt3A_472 = arith.constant 0 : i32
          %lt3A_473 = vector.broadcast %lt3A_472 : i32 to vector<16xi32>
          %lt3A_474 = arith.cmpi slt, %max3A_442, %lt3A_473 : vector<16xi32>
          %add3A_475 = arith.constant 16 : i32
          %add3A_476 = vector.broadcast %add3A_475 : i32 to vector<16xi32>
          %add3A_477 = arith.addi %max3A_442, %add3A_476 : vector<16xi32>
          %select_n3A_478 = arith.select %lt3A_474, %add3A_477, %max3A_442 : vector<16xi1>, vector<16xi32>
          %broadcast_in_dim3A_479 = vector.shape_cast %select_n3A_478 : vector<16xi32> to vector<16x1xi32>
          %gather3A_480 = vector.shape_cast %broadcast_in_dim3A_479 : vector<16x1xi32> to vector<16xi32>
          %gather3A_481 = tpu.dynamic_gather %min3A_422[%gather3A_480] in [0] : vector<16xf32>, vector<16xi32> -> vector<16xf32>
          %jit3A_482 = arith.constant 0x7F800000 : f32
          %broadcast_in_dim3A_483 = vector.broadcast %jit3A_482 : f32 to vector<16xf32>
          %select_n3A_484 = arith.select %and3A_457, %gather3A_481, %broadcast_in_dim3A_483 : vector<16xi1>, vector<16xf32>
          %min3A_485 = arith.minimumf %min3A_422, %select_n3A_484 : vector<16xf32>
          %lt3A_486 = arith.constant 0 : i32
          %lt3A_487 = vector.broadcast %lt3A_486 : i32 to vector<16xi32>
          %lt3A_488 = arith.cmpi slt, %max3A_442, %lt3A_487 : vector<16xi32>
          %add3A_489 = arith.constant 16 : i32
          %add3A_490 = vector.broadcast %add3A_489 : i32 to vector<16xi32>
          %add3A_491 = arith.addi %max3A_442, %add3A_490 : vector<16xi32>
          %select_n3A_492 = arith.select %lt3A_488, %add3A_491, %max3A_442 : vector<16xi1>, vector<16xi32>
          %broadcast_in_dim3A_493 = vector.shape_cast %select_n3A_492 : vector<16xi32> to vector<16x1xi32>
          %gather3A_494 = vector.shape_cast %broadcast_in_dim3A_493 : vector<16x1xi32> to vector<16xi32>
          %gather3A_495 = tpu.dynamic_gather %max3A_436[%gather3A_494] in [0] : vector<16xf32>, vector<16xi32> -> vector<16xf32>
          %jit3A_496 = arith.constant 0xFF800000 : f32
          %broadcast_in_dim3A_497 = vector.broadcast %jit3A_496 : f32 to vector<16xf32>
          %select_n3A_498 = arith.select %and3A_457, %gather3A_495, %broadcast_in_dim3A_497 : vector<16xi1>, vector<16xf32>
          %max3A_499 = arith.maximumf %max3A_436, %select_n3A_498 : vector<16xf32>
          %sub3A_500 = arith.constant 8 : i32
          %sub3A_501 = vector.broadcast %sub3A_500 : i32 to vector<16xi32>
          %sub3A_502 = arith.subi %iota3A, %sub3A_501 : vector<16xi32>
          %max3A_503 = arith.constant 0 : i32
          %max3A_504 = vector.broadcast %max3A_503 : i32 to vector<16xi32>
          %max3A_505 = arith.maxsi %sub3A_502, %max3A_504 : vector<16xi32>
          %lt3A_506 = arith.constant 0 : i32
          %lt3A_507 = vector.broadcast %lt3A_506 : i32 to vector<16xi32>
          %lt3A_508 = arith.cmpi slt, %max3A_505, %lt3A_507 : vector<16xi32>
          %add3A_509 = arith.constant 16 : i32
          %add3A_510 = vector.broadcast %add3A_509 : i32 to vector<16xi32>
          %add3A_511 = arith.addi %max3A_505, %add3A_510 : vector<16xi32>
          %select_n3A_512 = arith.select %lt3A_508, %add3A_511, %max3A_505 : vector<16xi1>, vector<16xi32>
          %broadcast_in_dim3A_513 = vector.shape_cast %select_n3A_512 : vector<16xi32> to vector<16x1xi32>
          %gather3A_514 = vector.shape_cast %broadcast_in_dim3A_513 : vector<16x1xi32> to vector<16xi32>
          %gather3A_515 = tpu.dynamic_gather %get3A_238[%gather3A_514] in [0] : vector<16xi32>, vector<16xi32> -> vector<16xi32>
          %eq3A_516 = arith.cmpi eq, %gather3A_515, %get3A_238 : vector<16xi32>
          %ge3A_517 = arith.constant 8 : i32
          %ge3A_518 = vector.broadcast %ge3A_517 : i32 to vector<16xi32>
          %ge3A_519 = arith.cmpi sge, %iota3A, %ge3A_518 : vector<16xi32>
          %and3A_520 = arith.andi %eq3A_516, %ge3A_519 : vector<16xi1>
          %lt3A_521 = arith.constant 0 : i32
          %lt3A_522 = vector.broadcast %lt3A_521 : i32 to vector<16xi32>
          %lt3A_523 = arith.cmpi slt, %max3A_505, %lt3A_522 : vector<16xi32>
          %add3A_524 = arith.constant 16 : i32
          %add3A_525 = vector.broadcast %add3A_524 : i32 to vector<16xi32>
          %add3A_526 = arith.addi %max3A_505, %add3A_525 : vector<16xi32>
          %select_n3A_527 = arith.select %lt3A_523, %add3A_526, %max3A_505 : vector<16xi1>, vector<16xi32>
          %broadcast_in_dim3A_528 = vector.shape_cast %select_n3A_527 : vector<16xi32> to vector<16x1xi32>
          %gather3A_529 = vector.shape_cast %broadcast_in_dim3A_528 : vector<16x1xi32> to vector<16xi32>
          %gather3A_530 = tpu.dynamic_gather %add3A_471[%gather3A_529] in [0] : vector<16xf32>, vector<16xi32> -> vector<16xf32>
          %jit3A_531 = arith.constant 0.000000e+00 : f32
          %broadcast_in_dim3A_532 = vector.broadcast %jit3A_531 : f32 to vector<16xf32>
          %select_n3A_533 = arith.select %and3A_520, %gather3A_530, %broadcast_in_dim3A_532 : vector<16xi1>, vector<16xf32>
          %add3A_534 = arith.addf %add3A_471, %select_n3A_533 : vector<16xf32>
          %lt3A_535 = arith.constant 0 : i32
          %lt3A_536 = vector.broadcast %lt3A_535 : i32 to vector<16xi32>
          %lt3A_537 = arith.cmpi slt, %max3A_505, %lt3A_536 : vector<16xi32>
          %add3A_538 = arith.constant 16 : i32
          %add3A_539 = vector.broadcast %add3A_538 : i32 to vector<16xi32>
          %add3A_540 = arith.addi %max3A_505, %add3A_539 : vector<16xi32>
          %select_n3A_541 = arith.select %lt3A_537, %add3A_540, %max3A_505 : vector<16xi1>, vector<16xi32>
          %broadcast_in_dim3A_542 = vector.shape_cast %select_n3A_541 : vector<16xi32> to vector<16x1xi32>
          %gather3A_543 = vector.shape_cast %broadcast_in_dim3A_542 : vector<16x1xi32> to vector<16xi32>
          %gather3A_544 = tpu.dynamic_gather %min3A_485[%gather3A_543] in [0] : vector<16xf32>, vector<16xi32> -> vector<16xf32>
          %jit3A_545 = arith.constant 0x7F800000 : f32
          %broadcast_in_dim3A_546 = vector.broadcast %jit3A_545 : f32 to vector<16xf32>
          %select_n3A_547 = arith.select %and3A_520, %gather3A_544, %broadcast_in_dim3A_546 : vector<16xi1>, vector<16xf32>
          %min3A_548 = arith.minimumf %min3A_485, %select_n3A_547 : vector<16xf32>
          %lt3A_549 = arith.constant 0 : i32
          %lt3A_550 = vector.broadcast %lt3A_549 : i32 to vector<16xi32>
          %lt3A_551 = arith.cmpi slt, %max3A_505, %lt3A_550 : vector<16xi32>
          %add3A_552 = arith.constant 16 : i32
          %add3A_553 = vector.broadcast %add3A_552 : i32 to vector<16xi32>
          %add3A_554 = arith.addi %max3A_505, %add3A_553 : vector<16xi32>
          %select_n3A_555 = arith.select %lt3A_551, %add3A_554, %max3A_505 : vector<16xi1>, vector<16xi32>
          %broadcast_in_dim3A_556 = vector.shape_cast %select_n3A_555 : vector<16xi32> to vector<16x1xi32>
          %gather3A_557 = vector.shape_cast %broadcast_in_dim3A_556 : vector<16x1xi32> to vector<16xi32>
          %gather3A_558 = tpu.dynamic_gather %max3A_499[%gather3A_557] in [0] : vector<16xf32>, vector<16xi32> -> vector<16xf32>
          %jit3A_559 = arith.constant 0xFF800000 : f32
          %broadcast_in_dim3A_560 = vector.broadcast %jit3A_559 : f32 to vector<16xf32>
          %select_n3A_561 = arith.select %and3A_520, %gather3A_558, %broadcast_in_dim3A_560 : vector<16xi1>, vector<16xf32>
          %max3A_562 = arith.maximumf %max3A_499, %select_n3A_561 : vector<16xf32>
          %add3A_563 = arith.constant 1 : i32
          %add3A_564 = vector.broadcast %add3A_563 : i32 to vector<16xi32>
          %add3A_565 = arith.addi %iota3A, %add3A_564 : vector<16xi32>
          %min3A_566 = arith.constant 15 : i32
          %min3A_567 = vector.broadcast %min3A_566 : i32 to vector<16xi32>
          %min3A_568 = arith.minsi %add3A_565, %min3A_567 : vector<16xi32>
          %lt3A_569 = arith.constant 0 : i32
          %lt3A_570 = vector.broadcast %lt3A_569 : i32 to vector<16xi32>
          %lt3A_571 = arith.cmpi slt, %min3A_568, %lt3A_570 : vector<16xi32>
          %add3A_572 = arith.constant 16 : i32
          %add3A_573 = vector.broadcast %add3A_572 : i32 to vector<16xi32>
          %add3A_574 = arith.addi %min3A_568, %add3A_573 : vector<16xi32>
          %select_n3A_575 = arith.select %lt3A_571, %add3A_574, %min3A_568 : vector<16xi1>, vector<16xi32>
          %broadcast_in_dim3A_576 = vector.shape_cast %select_n3A_575 : vector<16xi32> to vector<16x1xi32>
          %gather3A_577 = vector.shape_cast %broadcast_in_dim3A_576 : vector<16x1xi32> to vector<16xi32>
          %gather3A_578 = tpu.dynamic_gather %get3A_238[%gather3A_577] in [0] : vector<16xi32>, vector<16xi32> -> vector<16xi32>
          %ne3A_579 = arith.cmpi ne, %get3A_238, %gather3A_578 : vector<16xi32>
          %eq3A_580 = arith.constant 15 : i32
          %eq3A_581 = vector.broadcast %eq3A_580 : i32 to vector<16xi32>
          %eq3A_582 = arith.cmpi eq, %iota3A, %eq3A_581 : vector<16xi32>
          %or3A = arith.ori %ne3A_579, %eq3A_582 : vector<16xi1>
          %and3A_583 = arith.andi %or3A, %and3A_301 : vector<16xi1>
          %sub3A_584 = vector.broadcast %multiple_of3A_92 : i32 to vector<16xi32>
          %sub3A_585 = arith.subi %get3A_238, %sub3A_584 : vector<16xi32>
          %jit3A_586 = arith.constant 0 : i32
          %jit3A_587 = arith.constant 1567 : i32
          %max3A_588 = vector.broadcast %jit3A_586 : i32 to vector<16xi32>
          %max3A_589 = arith.maxsi %max3A_588, %sub3A_585 : vector<16xi32>
          %min3A_590 = vector.broadcast %jit3A_587 : i32 to vector<16xi32>
          %min3A_591 = arith.minsi %min3A_590, %max3A_589 : vector<16xi32>
          %gather3A_592 = tpu.vector_load_idx %arg11[%min3A_591] masked %and3A_583 : memref<3136xf32, #tpu.memory_space<vmem>>[vector<16xi32>], vector<16xf32>, vector<16xi1>
          %add3A_593 = arith.addf %gather3A_592, %add3A_534 : vector<16xf32>
          tpu.vector_store_idx %arg11[%min3A_591], %add3A_593 masked %and3A_583 : memref<3136xf32, #tpu.memory_space<vmem>>[vector<16xi32>], vector<16xf32>, vector<16xi1>
          %gather3A_594 = tpu.vector_load_idx %arg12[%min3A_591] masked %and3A_583 : memref<3136xf32, #tpu.memory_space<vmem>>[vector<16xi32>], vector<16xf32>, vector<16xi1>
          %min3A_595 = arith.minimumf %gather3A_594, %min3A_548 : vector<16xf32>
          tpu.vector_store_idx %arg12[%min3A_591], %min3A_595 masked %and3A_583 : memref<3136xf32, #tpu.memory_space<vmem>>[vector<16xi32>], vector<16xf32>, vector<16xi1>
          %gather3A_596 = tpu.vector_load_idx %arg13[%min3A_591] masked %and3A_583 : memref<3136xf32, #tpu.memory_space<vmem>>[vector<16xi32>], vector<16xf32>, vector<16xi1>
          %max3A_597 = arith.maximumf %gather3A_596, %max3A_562 : vector<16xf32>
          tpu.vector_store_idx %arg13[%min3A_591], %max3A_597 masked %and3A_583 : memref<3136xf32, #tpu.memory_space<vmem>>[vector<16xi32>], vector<16xf32>, vector<16xi1>
          %broadcast_in_dim3A_598 = arith.constant 0.000000e+00 : f32
          %broadcast_in_dim3A_599 = vector.broadcast %broadcast_in_dim3A_598 : f32 to vector<16xf32>
          %add3A_600 = arith.constant 0x7F800000 : f32
          %add3A_601 = vector.broadcast %add3A_600 : f32 to vector<16xf32>
          %add3A_602 = arith.addf %broadcast_in_dim3A_599, %add3A_601 : vector<16xf32>
          %add3A_603 = arith.constant 0xFF800000 : f32
          %add3A_604 = vector.broadcast %add3A_603 : f32 to vector<16xf32>
          %add3A_605 = arith.addf %broadcast_in_dim3A_599, %add3A_604 : vector<16xf32>
          scf.yield %squeeze3A_244, %broadcast_in_dim3A_599, %add3A_602, %add3A_605 : i32, vector<16xf32>, vector<16xf32>, vector<16xf32>
        }
        scf.yield %cond3A_256#0, %cond3A_256#1, %cond3A_256#2, %cond3A_256#3 : i32, vector<16xf32>, vector<16xf32>, vector<16xf32>
      }
      %scan3A_229 = arith.constant 512 : i32
      scf.yield %scan3A_228#0, %scan3A_228#1, %scan3A_228#2, %scan3A_228#3 : i32, vector<16xf32>, vector<16xf32>, vector<16xf32>
    }
    %sub3A_155 = arith.subi %while3A_154#0, %multiple_of3A_92 : i32
    %jit3A_156 = arith.constant 0 : i32
    %jit3A_157 = arith.constant 1567 : i32
    %max3A_158 = arith.maxsi %jit3A_156, %sub3A_155 : i32
    %min3A_159 = arith.minsi %jit3A_157, %max3A_158 : i32
    %broadcast_in_dim3A_160 = vector.broadcast %min3A_159 : i32 to vector<16xi32>
    %eq3A_161 = arith.constant 0 : i32
    %eq3A_162 = vector.broadcast %eq3A_161 : i32 to vector<16xi32>
    %eq3A_163 = arith.cmpi eq, %iota3A, %eq3A_162 : vector<16xi32>
    %ge3A_164 = arith.cmpi sge, %while3A_154#0, %multiple_of3A_92 : i32
    %and3A_165 = vector.broadcast %ge3A_164 : i1 to vector<16xi1>
    %and3A_166 = arith.andi %eq3A_163, %and3A_165 : vector<16xi1>
    %add3A_167 = arith.constant 1568 : i32
    %add3A_168 = arith.addi %multiple_of3A_92, %add3A_167 : i32
    %lt3A_169 = arith.cmpi slt, %while3A_154#0, %add3A_168 : i32
    %and3A_170 = vector.broadcast %lt3A_169 : i1 to vector<16xi1>
    %and3A_171 = arith.andi %and3A_166, %and3A_170 : vector<16xi1>
    %gather3A_172 = tpu.vector_load_idx %arg11[%broadcast_in_dim3A_160] masked %and3A_171 : memref<3136xf32, #tpu.memory_space<vmem>>[vector<16xi32>], vector<16xf32>, vector<16xi1>
    %reduce_sum3A_173 = arith.constant true
    %reduce_sum3A_174 = vector.broadcast %reduce_sum3A_173 : i1 to vector<16xi1>
    %reduce_sum3A_175 = tpu.scan <sum>, %while3A_154#1 masked %reduce_sum3A_174 : vector<16xf32>, vector<16xi1> -> vector<16xf32>
    %reduce_sum3A_176 = vector.extract %reduce_sum3A_175[15] : f32 from vector<16xf32>
    %add3A_177 = vector.broadcast %reduce_sum3A_176 : f32 to vector<16xf32>
    %add3A_178 = arith.addf %gather3A_172, %add3A_177 : vector<16xf32>
    tpu.vector_store_idx %arg11[%broadcast_in_dim3A_160], %add3A_178 masked %and3A_171 : memref<3136xf32, #tpu.memory_space<vmem>>[vector<16xi32>], vector<16xf32>, vector<16xi1>
    %gather3A_179 = tpu.vector_load_idx %arg12[%broadcast_in_dim3A_160] masked %and3A_171 : memref<3136xf32, #tpu.memory_space<vmem>>[vector<16xi32>], vector<16xf32>, vector<16xi1>
    %reduce_min3A_180 = arith.constant true
    %reduce_min3A_181 = vector.broadcast %reduce_min3A_180 : i1 to vector<16xi1>
    %reduce_min3A_182 = tpu.scan <min>, %while3A_154#2 masked %reduce_min3A_181 : vector<16xf32>, vector<16xi1> -> vector<16xf32>
    %reduce_min3A_183 = vector.extract %reduce_min3A_182[15] : f32 from vector<16xf32>
    %min3A_184 = vector.broadcast %reduce_min3A_183 : f32 to vector<16xf32>
    %min3A_185 = arith.minimumf %gather3A_179, %min3A_184 : vector<16xf32>
    tpu.vector_store_idx %arg12[%broadcast_in_dim3A_160], %min3A_185 masked %and3A_171 : memref<3136xf32, #tpu.memory_space<vmem>>[vector<16xi32>], vector<16xf32>, vector<16xi1>
    %gather3A_186 = tpu.vector_load_idx %arg13[%broadcast_in_dim3A_160] masked %and3A_171 : memref<3136xf32, #tpu.memory_space<vmem>>[vector<16xi32>], vector<16xf32>, vector<16xi1>
    %reduce_max3A_187 = arith.constant true
    %reduce_max3A_188 = vector.broadcast %reduce_max3A_187 : i1 to vector<16xi1>
    %reduce_max3A_189 = tpu.scan <max>, %while3A_154#3 masked %reduce_max3A_188 : vector<16xf32>, vector<16xi1> -> vector<16xf32>
    %reduce_max3A_190 = vector.extract %reduce_max3A_189[15] : f32 from vector<16xf32>
    %max3A_191 = vector.broadcast %reduce_max3A_190 : f32 to vector<16xf32>
    %max3A_192 = arith.maximumf %gather3A_186, %max3A_191 : vector<16xf32>
    tpu.vector_store_idx %arg13[%broadcast_in_dim3A_160], %max3A_192 masked %and3A_171 : memref<3136xf32, #tpu.memory_space<vmem>>[vector<16xi32>], vector<16xf32>, vector<16xi1>
    "tpu.region"() ({
      %run_scoped3A = tpu.sem_alloc : memref<!tpu.dma_semaphore, #tpu.memory_space<semaphore_mem>>
      %dma_start3A = arith.constant 0 : i32
      %dma_start3A_212 = tpu.memref_slice %arg16[%dma_start3A] : memref<3136xi32, #tpu.memory_space<vmem>> -> memref<1568xi32, #tpu.memory_space<vmem>>
      %dma_start3A_213 = tpu.memref_slice %arg6[%multiple_of3A_92] : memref<50176xi32, #tpu.memory_space<hbm>> -> memref<1568xi32, #tpu.memory_space<hbm>>
      %dma_start3A_214 = arith.constant 0 : i32
      %dma_start3A_215 = tpu.memref_slice %arg16[%dma_start3A_214] : memref<3136xi32, #tpu.memory_space<vmem>> -> memref<1568xi32, #tpu.memory_space<vmem>>
      %dma_start3A_216 = tpu.memref_slice %arg6[%multiple_of3A_92] : memref<50176xi32, #tpu.memory_space<hbm>> -> memref<1568xi32, #tpu.memory_space<hbm>>
      tpu.enqueue_dma source(%dma_start3A_216 : memref<1568xi32, #tpu.memory_space<hbm>>) target(%dma_start3A_215 : memref<1568xi32, #tpu.memory_space<vmem>>) target_semaphore(%run_scoped3A : memref<!tpu.dma_semaphore, #tpu.memory_space<semaphore_mem>>)
      %dma_wait3A = arith.constant 0 : i32
      %dma_wait3A_217 = tpu.memref_slice %arg16[%dma_wait3A] : memref<3136xi32, #tpu.memory_space<vmem>> -> memref<1568xi32, #tpu.memory_space<vmem>>
      %dma_wait3A_218 = tpu.memref_slice %arg6[%multiple_of3A_92] : memref<50176xi32, #tpu.memory_space<hbm>> -> memref<1568xi32, #tpu.memory_space<hbm>>
      %dma_wait3A_219 = arith.constant 0 : i32
      %dma_wait3A_220 = tpu.memref_slice %arg16[%dma_wait3A_219] : memref<3136xi32, #tpu.memory_space<vmem>> -> memref<1568xi32, #tpu.memory_space<vmem>>
      %dma_wait3A_221 = tpu.memref_slice %arg6[%multiple_of3A_92] : memref<50176xi32, #tpu.memory_space<hbm>> -> memref<1568xi32, #tpu.memory_space<hbm>>
      tpu.wait_dma2 semaphore(%run_scoped3A : memref<!tpu.dma_semaphore, #tpu.memory_space<semaphore_mem>>) src(%dma_wait3A_221 : memref<1568xi32, #tpu.memory_space<hbm>>) dst(%dma_wait3A_220 : memref<1568xi32, #tpu.memory_space<vmem>>)
      tpu.yield
    }) : () -> ()
    %scan3A_193 = arith.constant 0 : i32
    %scan3A_194 = arith.constant 0 : i32
    %scan3A_195 = arith.constant 98 : i32
    %scan3A_196 = arith.addi %scan3A_194, %scan3A_195 : i32
    %scan3A_197 = arith.constant 1 : i32
    %scan3A_198 = scf.for %scan3A_212 = %scan3A_194 to %scan3A_196 step %scan3A_197 iter_args(%scan3A_213 = %scan3A_193) -> (i32)  : i32 {
      %mul3A_214 = arith.constant 16 : i32
      %mul3A_215 = arith.muli %scan3A_212, %mul3A_214 : i32
      %get3A_216 = arith.index_cast %mul3A_215 : i32 to index
      %get3A_217 = tpu.vector_load %arg11[%get3A_216] {strides = array<i32>} : memref<3136xf32, #tpu.memory_space<vmem>>, vector<16xf32>,
      %get3A_218 = arith.index_cast %mul3A_215 : i32 to index
      %get3A_219 = tpu.vector_load %arg12[%get3A_218] {strides = array<i32>} : memref<3136xf32, #tpu.memory_space<vmem>>, vector<16xf32>,
      %get3A_220 = arith.index_cast %mul3A_215 : i32 to index
      %get3A_221 = tpu.vector_load %arg13[%get3A_220] {strides = array<i32>} : memref<3136xf32, #tpu.memory_space<vmem>>, vector<16xf32>,
      %get3A_222 = arith.index_cast %mul3A_215 : i32 to index
      %get3A_223 = tpu.vector_load %arg16[%get3A_222] {strides = array<i32>} : memref<3136xi32, #tpu.memory_space<vmem>>, vector<16xi32>,
      %convert_element_type3A = arith.sitofp %get3A_223 : vector<16xi32> to vector<16xf32>
      %neg3A = arith.constant 0.000000e+00 : f32
      %neg3A_224 = vector.broadcast %neg3A : f32 to vector<16xf32>
      %neg3A_225 = arith.subf %neg3A_224, %convert_element_type3A : vector<16xf32>
      %exp3A = math.exp %neg3A_225 : vector<16xf32>
      %sub3A_226 = arith.constant 5.000000e-01 : f32
      %sub3A_227 = vector.broadcast %sub3A_226 : f32 to vector<16xf32>
      %sub3A_228 = arith.subf %exp3A, %sub3A_227 : vector<16xf32>
      %swap3A = arith.index_cast %mul3A_215 : i32 to index
      %swap3A_229 = tpu.vector_load %arg15[%swap3A] {strides = array<i32>} : memref<1568xf32, #tpu.memory_space<vmem>>, vector<16xf32>,
      tpu.vector_store %arg15[%swap3A], %sub3A_228 {strides = array<i32>} : memref<1568xf32, #tpu.memory_space<vmem>>, vector<16xf32>,
      %scan3A_230 = arith.constant 0 : i32
      scf.yield %scan3A_230 : i32
    }
    %scan3A_199 = arith.constant 98 : i32
    %add3A_200 = arith.constant 0 : i32
    %add3A_201 = arith.addi %add3A_200, %multiple_of3A_92 : i32
    %multiple_of3A_202 = tpu.assume_multiple %add3A_201, 16 : i32
    "tpu.region"() ({
      %run_scoped3A = tpu.sem_alloc : memref<!tpu.dma_semaphore, #tpu.memory_space<semaphore_mem>>
      %dma_start3A = arith.constant 0 : i32
      %dma_start3A_212 = tpu.memref_slice %arg11[%dma_start3A] : memref<3136xf32, #tpu.memory_space<vmem>> -> memref<1568xf32, #tpu.memory_space<vmem>>
      %dma_start3A_213 = tpu.memref_slice %arg10[%multiple_of3A_202] : memref<200704xf32, #tpu.memory_space<hbm>> -> memref<1568xf32, #tpu.memory_space<hbm>>
      %dma_start3A_214 = tpu.memref_slice %arg10[%multiple_of3A_202] : memref<200704xf32, #tpu.memory_space<hbm>> -> memref<1568xf32, #tpu.memory_space<hbm>>
      %dma_start3A_215 = arith.constant 0 : i32
      %dma_start3A_216 = tpu.memref_slice %arg11[%dma_start3A_215] : memref<3136xf32, #tpu.memory_space<vmem>> -> memref<1568xf32, #tpu.memory_space<vmem>>
      tpu.enqueue_dma source(%dma_start3A_216 : memref<1568xf32, #tpu.memory_space<vmem>>) target(%dma_start3A_214 : memref<1568xf32, #tpu.memory_space<hbm>>) target_semaphore(%run_scoped3A : memref<!tpu.dma_semaphore, #tpu.memory_space<semaphore_mem>>)
      %dma_wait3A = arith.constant 0 : i32
      %dma_wait3A_217 = tpu.memref_slice %arg11[%dma_wait3A] : memref<3136xf32, #tpu.memory_space<vmem>> -> memref<1568xf32, #tpu.memory_space<vmem>>
      %dma_wait3A_218 = tpu.memref_slice %arg10[%multiple_of3A_202] : memref<200704xf32, #tpu.memory_space<hbm>> -> memref<1568xf32, #tpu.memory_space<hbm>>
      %dma_wait3A_219 = tpu.memref_slice %arg10[%multiple_of3A_202] : memref<200704xf32, #tpu.memory_space<hbm>> -> memref<1568xf32, #tpu.memory_space<hbm>>
      %dma_wait3A_220 = arith.constant 0 : i32
      %dma_wait3A_221 = tpu.memref_slice %arg11[%dma_wait3A_220] : memref<3136xf32, #tpu.memory_space<vmem>> -> memref<1568xf32, #tpu.memory_space<vmem>>
      tpu.wait_dma2 semaphore(%run_scoped3A : memref<!tpu.dma_semaphore, #tpu.memory_space<semaphore_mem>>) src(%dma_wait3A_221 : memref<1568xf32, #tpu.memory_space<vmem>>) dst(%dma_wait3A_219 : memref<1568xf32, #tpu.memory_space<hbm>>)
      tpu.yield
    }) : () -> ()
    %add3A_203 = arith.constant 50176 : i32
    %add3A_204 = arith.addi %add3A_203, %multiple_of3A_92 : i32
    %multiple_of3A_205 = tpu.assume_multiple %add3A_204, 16 : i32
    "tpu.region"() ({
      %run_scoped3A = tpu.sem_alloc : memref<!tpu.dma_semaphore, #tpu.memory_space<semaphore_mem>>
      %dma_start3A = arith.constant 0 : i32
      %dma_start3A_212 = tpu.memref_slice %arg12[%dma_start3A] : memref<3136xf32, #tpu.memory_space<vmem>> -> memref<1568xf32, #tpu.memory_space<vmem>>
      %dma_start3A_213 = tpu.memref_slice %arg10[%multiple_of3A_205] : memref<200704xf32, #tpu.memory_space<hbm>> -> memref<1568xf32, #tpu.memory_space<hbm>>
      %dma_start3A_214 = tpu.memref_slice %arg10[%multiple_of3A_205] : memref<200704xf32, #tpu.memory_space<hbm>> -> memref<1568xf32, #tpu.memory_space<hbm>>
      %dma_start3A_215 = arith.constant 0 : i32
      %dma_start3A_216 = tpu.memref_slice %arg12[%dma_start3A_215] : memref<3136xf32, #tpu.memory_space<vmem>> -> memref<1568xf32, #tpu.memory_space<vmem>>
      tpu.enqueue_dma source(%dma_start3A_216 : memref<1568xf32, #tpu.memory_space<vmem>>) target(%dma_start3A_214 : memref<1568xf32, #tpu.memory_space<hbm>>) target_semaphore(%run_scoped3A : memref<!tpu.dma_semaphore, #tpu.memory_space<semaphore_mem>>)
      %dma_wait3A = arith.constant 0 : i32
      %dma_wait3A_217 = tpu.memref_slice %arg12[%dma_wait3A] : memref<3136xf32, #tpu.memory_space<vmem>> -> memref<1568xf32, #tpu.memory_space<vmem>>
      %dma_wait3A_218 = tpu.memref_slice %arg10[%multiple_of3A_205] : memref<200704xf32, #tpu.memory_space<hbm>> -> memref<1568xf32, #tpu.memory_space<hbm>>
      %dma_wait3A_219 = tpu.memref_slice %arg10[%multiple_of3A_205] : memref<200704xf32, #tpu.memory_space<hbm>> -> memref<1568xf32, #tpu.memory_space<hbm>>
      %dma_wait3A_220 = arith.constant 0 : i32
      %dma_wait3A_221 = tpu.memref_slice %arg12[%dma_wait3A_220] : memref<3136xf32, #tpu.memory_space<vmem>> -> memref<1568xf32, #tpu.memory_space<vmem>>
      tpu.wait_dma2 semaphore(%run_scoped3A : memref<!tpu.dma_semaphore, #tpu.memory_space<semaphore_mem>>) src(%dma_wait3A_221 : memref<1568xf32, #tpu.memory_space<vmem>>) dst(%dma_wait3A_219 : memref<1568xf32, #tpu.memory_space<hbm>>)
      tpu.yield
    }) : () -> ()
    %add3A_206 = arith.constant 100352 : i32
    %add3A_207 = arith.addi %add3A_206, %multiple_of3A_92 : i32
    %multiple_of3A_208 = tpu.assume_multiple %add3A_207, 16 : i32
    "tpu.region"() ({
      %run_scoped3A = tpu.sem_alloc : memref<!tpu.dma_semaphore, #tpu.memory_space<semaphore_mem>>
      %dma_start3A = arith.constant 0 : i32
      %dma_start3A_212 = tpu.memref_slice %arg13[%dma_start3A] : memref<3136xf32, #tpu.memory_space<vmem>> -> memref<1568xf32, #tpu.memory_space<vmem>>
      %dma_start3A_213 = tpu.memref_slice %arg10[%multiple_of3A_208] : memref<200704xf32, #tpu.memory_space<hbm>> -> memref<1568xf32, #tpu.memory_space<hbm>>
      %dma_start3A_214 = tpu.memref_slice %arg10[%multiple_of3A_208] : memref<200704xf32, #tpu.memory_space<hbm>> -> memref<1568xf32, #tpu.memory_space<hbm>>
      %dma_start3A_215 = arith.constant 0 : i32
      %dma_start3A_216 = tpu.memref_slice %arg13[%dma_start3A_215] : memref<3136xf32, #tpu.memory_space<vmem>> -> memref<1568xf32, #tpu.memory_space<vmem>>
      tpu.enqueue_dma source(%dma_start3A_216 : memref<1568xf32, #tpu.memory_space<vmem>>) target(%dma_start3A_214 : memref<1568xf32, #tpu.memory_space<hbm>>) target_semaphore(%run_scoped3A : memref<!tpu.dma_semaphore, #tpu.memory_space<semaphore_mem>>)
      %dma_wait3A = arith.constant 0 : i32
      %dma_wait3A_217 = tpu.memref_slice %arg13[%dma_wait3A] : memref<3136xf32, #tpu.memory_space<vmem>> -> memref<1568xf32, #tpu.memory_space<vmem>>
      %dma_wait3A_218 = tpu.memref_slice %arg10[%multiple_of3A_208] : memref<200704xf32, #tpu.memory_space<hbm>> -> memref<1568xf32, #tpu.memory_space<hbm>>
      %dma_wait3A_219 = tpu.memref_slice %arg10[%multiple_of3A_208] : memref<200704xf32, #tpu.memory_space<hbm>> -> memref<1568xf32, #tpu.memory_space<hbm>>
      %dma_wait3A_220 = arith.constant 0 : i32
      %dma_wait3A_221 = tpu.memref_slice %arg13[%dma_wait3A_220] : memref<3136xf32, #tpu.memory_space<vmem>> -> memref<1568xf32, #tpu.memory_space<vmem>>
      tpu.wait_dma2 semaphore(%run_scoped3A : memref<!tpu.dma_semaphore, #tpu.memory_space<semaphore_mem>>) src(%dma_wait3A_221 : memref<1568xf32, #tpu.memory_space<vmem>>) dst(%dma_wait3A_219 : memref<1568xf32, #tpu.memory_space<hbm>>)
      tpu.yield
    }) : () -> ()
    %add3A_209 = arith.constant 150528 : i32
    %add3A_210 = arith.addi %add3A_209, %multiple_of3A_92 : i32
    %multiple_of3A_211 = tpu.assume_multiple %add3A_210, 16 : i32
    "tpu.region"() ({
      %run_scoped3A = tpu.sem_alloc : memref<!tpu.dma_semaphore, #tpu.memory_space<semaphore_mem>>
      %dma_start3A = arith.constant 0 : i32
      %dma_start3A_212 = tpu.memref_slice %arg15[%dma_start3A] : memref<1568xf32, #tpu.memory_space<vmem>> -> memref<1568xf32, #tpu.memory_space<vmem>>
      %dma_start3A_213 = tpu.memref_slice %arg10[%multiple_of3A_211] : memref<200704xf32, #tpu.memory_space<hbm>> -> memref<1568xf32, #tpu.memory_space<hbm>>
      %dma_start3A_214 = tpu.memref_slice %arg10[%multiple_of3A_211] : memref<200704xf32, #tpu.memory_space<hbm>> -> memref<1568xf32, #tpu.memory_space<hbm>>
      %dma_start3A_215 = arith.constant 0 : i32
      %dma_start3A_216 = tpu.memref_slice %arg15[%dma_start3A_215] : memref<1568xf32, #tpu.memory_space<vmem>> -> memref<1568xf32, #tpu.memory_space<vmem>>
      tpu.enqueue_dma source(%dma_start3A_216 : memref<1568xf32, #tpu.memory_space<vmem>>) target(%dma_start3A_214 : memref<1568xf32, #tpu.memory_space<hbm>>) target_semaphore(%run_scoped3A : memref<!tpu.dma_semaphore, #tpu.memory_space<semaphore_mem>>)
      %dma_wait3A = arith.constant 0 : i32
      %dma_wait3A_217 = tpu.memref_slice %arg15[%dma_wait3A] : memref<1568xf32, #tpu.memory_space<vmem>> -> memref<1568xf32, #tpu.memory_space<vmem>>
      %dma_wait3A_218 = tpu.memref_slice %arg10[%multiple_of3A_211] : memref<200704xf32, #tpu.memory_space<hbm>> -> memref<1568xf32, #tpu.memory_space<hbm>>
      %dma_wait3A_219 = tpu.memref_slice %arg10[%multiple_of3A_211] : memref<200704xf32, #tpu.memory_space<hbm>> -> memref<1568xf32, #tpu.memory_space<hbm>>
      %dma_wait3A_220 = arith.constant 0 : i32
      %dma_wait3A_221 = tpu.memref_slice %arg15[%dma_wait3A_220] : memref<1568xf32, #tpu.memory_space<vmem>> -> memref<1568xf32, #tpu.memory_space<vmem>>
      tpu.wait_dma2 semaphore(%run_scoped3A : memref<!tpu.dma_semaphore, #tpu.memory_space<semaphore_mem>>) src(%dma_wait3A_221 : memref<1568xf32, #tpu.memory_space<vmem>>) dst(%dma_wait3A_219 : memref<1568xf32, #tpu.memory_space<hbm>>)
      tpu.yield
    }) : () -> ()
    return
  }
}

#map = affine_map<(d0, d1) -> (0)>
module attributes {stable_mosaic.version = 14 : i64} {
  func.func @_gather_body(%arg0: i32, %arg1: i32, %arg2: memref<200704xf32, #tpu.memory_space<hbm>>, %arg3: memref<100352xi32, #tpu.memory_space<hbm>>, %arg4: memref<100352xi32, #tpu.memory_space<hbm>>, %arg5: memref<401408xf32, #tpu.memory_space<hbm>>, %arg6: memref<401408xf32, #tpu.memory_space<hbm>>, %arg7: memref<50176xf32, #tpu.memory_space<vmem>>, %arg8: memref<3136xi32, #tpu.memory_space<vmem>>, %arg9: memref<3136xi32, #tpu.memory_space<vmem>>, %arg10: memref<3136xi32, #tpu.memory_space<vmem>>, %arg11: memref<12544xf32, #tpu.memory_space<vmem>>, %arg12: memref<12544xf32, #tpu.memory_space<vmem>>) attributes {dimension_semantics = [#tpu.dimension_semantics<core_parallel>, #tpu.dimension_semantics<subcore_parallel>], iteration_bounds = array<i64: 2, 16>, scalar_prefetch = 0 : i64, scratch_operands = 6 : i64, tpu.core_type = #tpu.core_type<sc_vector_subcore>, window_params = [{transform_indices = #map}, {transform_indices = #map}, {transform_indices = #map}, {transform_indices = #map}, {transform_indices = #map}]} {
    %mul3A = arith.constant 2 : i32
    %mul3A_0 = arith.muli %arg1, %mul3A : i32
    %add3A = arith.addi %mul3A_0, %arg0 : i32
    %iota3A = tpu.iota {dimensions = array<i32: 0>} : vector<16xi32>
    %mul3A_1 = arith.constant 3136 : i32
    %mul3A_2 = arith.muli %add3A, %mul3A_1 : i32
    %multiple_of3A = tpu.assume_multiple %mul3A_2, 16 : i32
    "tpu.region"() ({
      %run_scoped3A = tpu.sem_alloc : memref<!tpu.dma_semaphore, #tpu.memory_space<semaphore_mem>>
      %dma_start3A = tpu.memref_slice %arg3[%multiple_of3A] : memref<100352xi32, #tpu.memory_space<hbm>> -> memref<3136xi32, #tpu.memory_space<hbm>>
      %dma_start3A_47 = tpu.memref_slice %arg3[%multiple_of3A] : memref<100352xi32, #tpu.memory_space<hbm>> -> memref<3136xi32, #tpu.memory_space<hbm>>
      tpu.enqueue_dma source(%dma_start3A_47 : memref<3136xi32, #tpu.memory_space<hbm>>) target(%arg8 : memref<3136xi32, #tpu.memory_space<vmem>>) target_semaphore(%run_scoped3A : memref<!tpu.dma_semaphore, #tpu.memory_space<semaphore_mem>>)
      %dma_wait3A = tpu.memref_slice %arg3[%multiple_of3A] : memref<100352xi32, #tpu.memory_space<hbm>> -> memref<3136xi32, #tpu.memory_space<hbm>>
      %dma_wait3A_48 = tpu.memref_slice %arg3[%multiple_of3A] : memref<100352xi32, #tpu.memory_space<hbm>> -> memref<3136xi32, #tpu.memory_space<hbm>>
      tpu.wait_dma2 semaphore(%run_scoped3A : memref<!tpu.dma_semaphore, #tpu.memory_space<semaphore_mem>>) src(%dma_wait3A_48 : memref<3136xi32, #tpu.memory_space<hbm>>) dst(%arg8 : memref<3136xi32, #tpu.memory_space<vmem>>)
      tpu.yield
    }) : () -> ()
    %scan3A = arith.constant 0 : i32
    %scan3A_3 = arith.constant 0 : i32
    %scan3A_4 = arith.constant 196 : i32
    %scan3A_5 = arith.addi %scan3A_3, %scan3A_4 : i32
    %scan3A_6 = arith.constant 1 : i32
    %scan3A_7 = scf.for %scan3A_47 = %scan3A_3 to %scan3A_5 step %scan3A_6 iter_args(%scan3A_48 = %scan3A) -> (i32)  : i32 {
      %mul3A_49 = arith.constant 16 : i32
      %mul3A_50 = arith.muli %scan3A_47, %mul3A_49 : i32
      %get3A = arith.index_cast %mul3A_50 : i32 to index
      %get3A_51 = tpu.vector_load %arg8[%get3A] {strides = array<i32>} : memref<3136xi32, #tpu.memory_space<vmem>>, vector<16xi32>,
      %sub3A = arith.constant 1 : i32
      %sub3A_52 = vector.broadcast %sub3A : i32 to vector<16xi32>
      %sub3A_53 = arith.subi %get3A_51, %sub3A_52 : vector<16xi32>
      %lt3A = arith.constant 0 : i32
      %lt3A_54 = vector.broadcast %lt3A : i32 to vector<16xi32>
      %lt3A_55 = arith.cmpi slt, %sub3A_53, %lt3A_54 : vector<16xi32>
      %add3A_56 = arith.constant 50000 : i32
      %add3A_57 = vector.broadcast %add3A_56 : i32 to vector<16xi32>
      %add3A_58 = arith.addi %sub3A_53, %add3A_57 : vector<16xi32>
      %select_n3A = arith.select %lt3A_55, %add3A_58, %sub3A_53 : vector<16xi1>, vector<16xi32>
      %jit3A = arith.constant 0 : i32
      %jit3A_59 = arith.constant 49999 : i32
      %max3A = vector.broadcast %jit3A : i32 to vector<16xi32>
      %max3A_60 = arith.maxsi %max3A, %select_n3A : vector<16xi32>
      %min3A = vector.broadcast %jit3A_59 : i32 to vector<16xi32>
      %min3A_61 = arith.minsi %min3A, %max3A_60 : vector<16xi32>
      %swap3A = arith.index_cast %mul3A_50 : i32 to index
      %swap3A_62 = tpu.vector_load %arg9[%swap3A] {strides = array<i32>} : memref<3136xi32, #tpu.memory_space<vmem>>, vector<16xi32>,
      tpu.vector_store %arg9[%swap3A], %min3A_61 {strides = array<i32>} : memref<3136xi32, #tpu.memory_space<vmem>>, vector<16xi32>,
      %scan3A_63 = arith.constant 0 : i32
      scf.yield %scan3A_63 : i32
    }
    %scan3A_8 = arith.constant 196 : i32
    "tpu.region"() ({
      %run_scoped3A = tpu.sem_alloc : memref<!tpu.dma_semaphore, #tpu.memory_space<semaphore_mem>>
      %dma_start3A = tpu.memref_slice %arg4[%multiple_of3A] : memref<100352xi32, #tpu.memory_space<hbm>> -> memref<3136xi32, #tpu.memory_space<hbm>>
      %dma_start3A_47 = tpu.memref_slice %arg4[%multiple_of3A] : memref<100352xi32, #tpu.memory_space<hbm>> -> memref<3136xi32, #tpu.memory_space<hbm>>
      tpu.enqueue_dma source(%dma_start3A_47 : memref<3136xi32, #tpu.memory_space<hbm>>) target(%arg8 : memref<3136xi32, #tpu.memory_space<vmem>>) target_semaphore(%run_scoped3A : memref<!tpu.dma_semaphore, #tpu.memory_space<semaphore_mem>>)
      %dma_wait3A = tpu.memref_slice %arg4[%multiple_of3A] : memref<100352xi32, #tpu.memory_space<hbm>> -> memref<3136xi32, #tpu.memory_space<hbm>>
      %dma_wait3A_48 = tpu.memref_slice %arg4[%multiple_of3A] : memref<100352xi32, #tpu.memory_space<hbm>> -> memref<3136xi32, #tpu.memory_space<hbm>>
      tpu.wait_dma2 semaphore(%run_scoped3A : memref<!tpu.dma_semaphore, #tpu.memory_space<semaphore_mem>>) src(%dma_wait3A_48 : memref<3136xi32, #tpu.memory_space<hbm>>) dst(%arg8 : memref<3136xi32, #tpu.memory_space<vmem>>)
      tpu.yield
    }) : () -> ()
    %scan3A_9 = arith.constant 0 : i32
    %scan3A_10 = arith.constant 0 : i32
    %scan3A_11 = arith.constant 196 : i32
    %scan3A_12 = arith.addi %scan3A_10, %scan3A_11 : i32
    %scan3A_13 = arith.constant 1 : i32
    %scan3A_14 = scf.for %scan3A_47 = %scan3A_10 to %scan3A_12 step %scan3A_13 iter_args(%scan3A_48 = %scan3A_9) -> (i32)  : i32 {
      %mul3A_49 = arith.constant 16 : i32
      %mul3A_50 = arith.muli %scan3A_47, %mul3A_49 : i32
      %get3A = arith.index_cast %mul3A_50 : i32 to index
      %get3A_51 = tpu.vector_load %arg8[%get3A] {strides = array<i32>} : memref<3136xi32, #tpu.memory_space<vmem>>, vector<16xi32>,
      %sub3A = arith.constant 1 : i32
      %sub3A_52 = vector.broadcast %sub3A : i32 to vector<16xi32>
      %sub3A_53 = arith.subi %get3A_51, %sub3A_52 : vector<16xi32>
      %lt3A = arith.constant 0 : i32
      %lt3A_54 = vector.broadcast %lt3A : i32 to vector<16xi32>
      %lt3A_55 = arith.cmpi slt, %sub3A_53, %lt3A_54 : vector<16xi32>
      %add3A_56 = arith.constant 50000 : i32
      %add3A_57 = vector.broadcast %add3A_56 : i32 to vector<16xi32>
      %add3A_58 = arith.addi %sub3A_53, %add3A_57 : vector<16xi32>
      %select_n3A = arith.select %lt3A_55, %add3A_58, %sub3A_53 : vector<16xi1>, vector<16xi32>
      %jit3A = arith.constant 0 : i32
      %jit3A_59 = arith.constant 49999 : i32
      %max3A = vector.broadcast %jit3A : i32 to vector<16xi32>
      %max3A_60 = arith.maxsi %max3A, %select_n3A : vector<16xi32>
      %min3A = vector.broadcast %jit3A_59 : i32 to vector<16xi32>
      %min3A_61 = arith.minsi %min3A, %max3A_60 : vector<16xi32>
      %swap3A = arith.index_cast %mul3A_50 : i32 to index
      %swap3A_62 = tpu.vector_load %arg10[%swap3A] {strides = array<i32>} : memref<3136xi32, #tpu.memory_space<vmem>>, vector<16xi32>,
      tpu.vector_store %arg10[%swap3A], %min3A_61 {strides = array<i32>} : memref<3136xi32, #tpu.memory_space<vmem>>, vector<16xi32>,
      %scan3A_63 = arith.constant 0 : i32
      scf.yield %scan3A_63 : i32
    }
    %scan3A_15 = arith.constant 196 : i32
    "tpu.region"() ({
      %run_scoped3A = tpu.sem_alloc : memref<!tpu.dma_semaphore, #tpu.memory_space<semaphore_mem>>
      %dma_start3A = arith.constant 0 : i32
      %dma_start3A_47 = tpu.memref_slice %arg2[%dma_start3A] : memref<200704xf32, #tpu.memory_space<hbm>> -> memref<50176xf32, #tpu.memory_space<hbm>>
      %dma_start3A_48 = arith.constant 0 : i32
      %dma_start3A_49 = tpu.memref_slice %arg2[%dma_start3A_48] : memref<200704xf32, #tpu.memory_space<hbm>> -> memref<50176xf32, #tpu.memory_space<hbm>>
      tpu.enqueue_dma source(%dma_start3A_49 : memref<50176xf32, #tpu.memory_space<hbm>>) target(%arg7 : memref<50176xf32, #tpu.memory_space<vmem>>) target_semaphore(%run_scoped3A : memref<!tpu.dma_semaphore, #tpu.memory_space<semaphore_mem>>)
      %dma_wait3A = arith.constant 0 : i32
      %dma_wait3A_50 = tpu.memref_slice %arg2[%dma_wait3A] : memref<200704xf32, #tpu.memory_space<hbm>> -> memref<50176xf32, #tpu.memory_space<hbm>>
      %dma_wait3A_51 = arith.constant 0 : i32
      %dma_wait3A_52 = tpu.memref_slice %arg2[%dma_wait3A_51] : memref<200704xf32, #tpu.memory_space<hbm>> -> memref<50176xf32, #tpu.memory_space<hbm>>
      tpu.wait_dma2 semaphore(%run_scoped3A : memref<!tpu.dma_semaphore, #tpu.memory_space<semaphore_mem>>) src(%dma_wait3A_52 : memref<50176xf32, #tpu.memory_space<hbm>>) dst(%arg7 : memref<50176xf32, #tpu.memory_space<vmem>>)
      tpu.yield
    }) : () -> ()
    %scan3A_16 = arith.constant 0 : i32
    %scan3A_17 = arith.constant 0 : i32
    %scan3A_18 = arith.constant 196 : i32
    %scan3A_19 = arith.addi %scan3A_17, %scan3A_18 : i32
    %scan3A_20 = arith.constant 1 : i32
    %scan3A_21 = scf.for %scan3A_47 = %scan3A_17 to %scan3A_19 step %scan3A_20 iter_args(%scan3A_48 = %scan3A_16) -> (i32)  : i32 {
      %mul3A_49 = arith.constant 16 : i32
      %mul3A_50 = arith.muli %scan3A_47, %mul3A_49 : i32
      %mul3A_51 = arith.constant 4 : i32
      %mul3A_52 = arith.muli %mul3A_50, %mul3A_51 : i32
      %mul3A_53 = arith.constant 4 : i32
      %mul3A_54 = vector.broadcast %mul3A_53 : i32 to vector<16xi32>
      %mul3A_55 = arith.muli %mul3A_54, %iota3A : vector<16xi32>
      %add3A_56 = vector.broadcast %mul3A_52 : i32 to vector<16xi32>
      %add3A_57 = arith.addi %add3A_56, %mul3A_55 : vector<16xi32>
      %add3A_58 = arith.constant 0 : i32
      %add3A_59 = vector.broadcast %add3A_58 : i32 to vector<16xi32>
      %add3A_60 = arith.addi %add3A_57, %add3A_59 : vector<16xi32>
      %get3A = arith.index_cast %mul3A_50 : i32 to index
      %get3A_61 = tpu.vector_load %arg9[%get3A] {strides = array<i32>} : memref<3136xi32, #tpu.memory_space<vmem>>, vector<16xi32>,
      %gather3A = tpu.vector_load_idx %arg7[%get3A_61] : memref<50176xf32, #tpu.memory_space<vmem>>[vector<16xi32>], vector<16xf32>,
      tpu.vector_store_idx %arg11[%add3A_60], %gather3A : memref<12544xf32, #tpu.memory_space<vmem>>[vector<16xi32>], vector<16xf32>,
      %get3A_62 = arith.index_cast %mul3A_50 : i32 to index
      %get3A_63 = tpu.vector_load %arg10[%get3A_62] {strides = array<i32>} : memref<3136xi32, #tpu.memory_space<vmem>>, vector<16xi32>,
      %gather3A_64 = tpu.vector_load_idx %arg7[%get3A_63] : memref<50176xf32, #tpu.memory_space<vmem>>[vector<16xi32>], vector<16xf32>,
      tpu.vector_store_idx %arg12[%add3A_60], %gather3A_64 : memref<12544xf32, #tpu.memory_space<vmem>>[vector<16xi32>], vector<16xf32>,
      %scan3A_65 = arith.constant 0 : i32
      scf.yield %scan3A_65 : i32
    }
    %scan3A_22 = arith.constant 196 : i32
    "tpu.region"() ({
      %run_scoped3A = tpu.sem_alloc : memref<!tpu.dma_semaphore, #tpu.memory_space<semaphore_mem>>
      %dma_start3A = arith.constant 50176 : i32
      %dma_start3A_47 = tpu.memref_slice %arg2[%dma_start3A] : memref<200704xf32, #tpu.memory_space<hbm>> -> memref<50176xf32, #tpu.memory_space<hbm>>
      %dma_start3A_48 = arith.constant 50176 : i32
      %dma_start3A_49 = tpu.memref_slice %arg2[%dma_start3A_48] : memref<200704xf32, #tpu.memory_space<hbm>> -> memref<50176xf32, #tpu.memory_space<hbm>>
      tpu.enqueue_dma source(%dma_start3A_49 : memref<50176xf32, #tpu.memory_space<hbm>>) target(%arg7 : memref<50176xf32, #tpu.memory_space<vmem>>) target_semaphore(%run_scoped3A : memref<!tpu.dma_semaphore, #tpu.memory_space<semaphore_mem>>)
      %dma_wait3A = arith.constant 50176 : i32
      %dma_wait3A_50 = tpu.memref_slice %arg2[%dma_wait3A] : memref<200704xf32, #tpu.memory_space<hbm>> -> memref<50176xf32, #tpu.memory_space<hbm>>
      %dma_wait3A_51 = arith.constant 50176 : i32
      %dma_wait3A_52 = tpu.memref_slice %arg2[%dma_wait3A_51] : memref<200704xf32, #tpu.memory_space<hbm>> -> memref<50176xf32, #tpu.memory_space<hbm>>
      tpu.wait_dma2 semaphore(%run_scoped3A : memref<!tpu.dma_semaphore, #tpu.memory_space<semaphore_mem>>) src(%dma_wait3A_52 : memref<50176xf32, #tpu.memory_space<hbm>>) dst(%arg7 : memref<50176xf32, #tpu.memory_space<vmem>>)
      tpu.yield
    }) : () -> ()
    %scan3A_23 = arith.constant 0 : i32
    %scan3A_24 = arith.constant 0 : i32
    %scan3A_25 = arith.constant 196 : i32
    %scan3A_26 = arith.addi %scan3A_24, %scan3A_25 : i32
    %scan3A_27 = arith.constant 1 : i32
    %scan3A_28 = scf.for %scan3A_47 = %scan3A_24 to %scan3A_26 step %scan3A_27 iter_args(%scan3A_48 = %scan3A_23) -> (i32)  : i32 {
      %mul3A_49 = arith.constant 16 : i32
      %mul3A_50 = arith.muli %scan3A_47, %mul3A_49 : i32
      %mul3A_51 = arith.constant 4 : i32
      %mul3A_52 = arith.muli %mul3A_50, %mul3A_51 : i32
      %mul3A_53 = arith.constant 4 : i32
      %mul3A_54 = vector.broadcast %mul3A_53 : i32 to vector<16xi32>
      %mul3A_55 = arith.muli %mul3A_54, %iota3A : vector<16xi32>
      %add3A_56 = vector.broadcast %mul3A_52 : i32 to vector<16xi32>
      %add3A_57 = arith.addi %add3A_56, %mul3A_55 : vector<16xi32>
      %add3A_58 = arith.constant 1 : i32
      %add3A_59 = vector.broadcast %add3A_58 : i32 to vector<16xi32>
      %add3A_60 = arith.addi %add3A_57, %add3A_59 : vector<16xi32>
      %get3A = arith.index_cast %mul3A_50 : i32 to index
      %get3A_61 = tpu.vector_load %arg9[%get3A] {strides = array<i32>} : memref<3136xi32, #tpu.memory_space<vmem>>, vector<16xi32>,
      %gather3A = tpu.vector_load_idx %arg7[%get3A_61] : memref<50176xf32, #tpu.memory_space<vmem>>[vector<16xi32>], vector<16xf32>,
      tpu.vector_store_idx %arg11[%add3A_60], %gather3A : memref<12544xf32, #tpu.memory_space<vmem>>[vector<16xi32>], vector<16xf32>,
      %get3A_62 = arith.index_cast %mul3A_50 : i32 to index
      %get3A_63 = tpu.vector_load %arg10[%get3A_62] {strides = array<i32>} : memref<3136xi32, #tpu.memory_space<vmem>>, vector<16xi32>,
      %gather3A_64 = tpu.vector_load_idx %arg7[%get3A_63] : memref<50176xf32, #tpu.memory_space<vmem>>[vector<16xi32>], vector<16xf32>,
      tpu.vector_store_idx %arg12[%add3A_60], %gather3A_64 : memref<12544xf32, #tpu.memory_space<vmem>>[vector<16xi32>], vector<16xf32>,
      %scan3A_65 = arith.constant 0 : i32
      scf.yield %scan3A_65 : i32
    }
    %scan3A_29 = arith.constant 196 : i32
    "tpu.region"() ({
      %run_scoped3A = tpu.sem_alloc : memref<!tpu.dma_semaphore, #tpu.memory_space<semaphore_mem>>
      %dma_start3A = arith.constant 100352 : i32
      %dma_start3A_47 = tpu.memref_slice %arg2[%dma_start3A] : memref<200704xf32, #tpu.memory_space<hbm>> -> memref<50176xf32, #tpu.memory_space<hbm>>
      %dma_start3A_48 = arith.constant 100352 : i32
      %dma_start3A_49 = tpu.memref_slice %arg2[%dma_start3A_48] : memref<200704xf32, #tpu.memory_space<hbm>> -> memref<50176xf32, #tpu.memory_space<hbm>>
      tpu.enqueue_dma source(%dma_start3A_49 : memref<50176xf32, #tpu.memory_space<hbm>>) target(%arg7 : memref<50176xf32, #tpu.memory_space<vmem>>) target_semaphore(%run_scoped3A : memref<!tpu.dma_semaphore, #tpu.memory_space<semaphore_mem>>)
      %dma_wait3A = arith.constant 100352 : i32
      %dma_wait3A_50 = tpu.memref_slice %arg2[%dma_wait3A] : memref<200704xf32, #tpu.memory_space<hbm>> -> memref<50176xf32, #tpu.memory_space<hbm>>
      %dma_wait3A_51 = arith.constant 100352 : i32
      %dma_wait3A_52 = tpu.memref_slice %arg2[%dma_wait3A_51] : memref<200704xf32, #tpu.memory_space<hbm>> -> memref<50176xf32, #tpu.memory_space<hbm>>
      tpu.wait_dma2 semaphore(%run_scoped3A : memref<!tpu.dma_semaphore, #tpu.memory_space<semaphore_mem>>) src(%dma_wait3A_52 : memref<50176xf32, #tpu.memory_space<hbm>>) dst(%arg7 : memref<50176xf32, #tpu.memory_space<vmem>>)
      tpu.yield
    }) : () -> ()
    %scan3A_30 = arith.constant 0 : i32
    %scan3A_31 = arith.constant 0 : i32
    %scan3A_32 = arith.constant 196 : i32
    %scan3A_33 = arith.addi %scan3A_31, %scan3A_32 : i32
    %scan3A_34 = arith.constant 1 : i32
    %scan3A_35 = scf.for %scan3A_47 = %scan3A_31 to %scan3A_33 step %scan3A_34 iter_args(%scan3A_48 = %scan3A_30) -> (i32)  : i32 {
      %mul3A_49 = arith.constant 16 : i32
      %mul3A_50 = arith.muli %scan3A_47, %mul3A_49 : i32
      %mul3A_51 = arith.constant 4 : i32
      %mul3A_52 = arith.muli %mul3A_50, %mul3A_51 : i32
      %mul3A_53 = arith.constant 4 : i32
      %mul3A_54 = vector.broadcast %mul3A_53 : i32 to vector<16xi32>
      %mul3A_55 = arith.muli %mul3A_54, %iota3A : vector<16xi32>
      %add3A_56 = vector.broadcast %mul3A_52 : i32 to vector<16xi32>
      %add3A_57 = arith.addi %add3A_56, %mul3A_55 : vector<16xi32>
      %add3A_58 = arith.constant 2 : i32
      %add3A_59 = vector.broadcast %add3A_58 : i32 to vector<16xi32>
      %add3A_60 = arith.addi %add3A_57, %add3A_59 : vector<16xi32>
      %get3A = arith.index_cast %mul3A_50 : i32 to index
      %get3A_61 = tpu.vector_load %arg9[%get3A] {strides = array<i32>} : memref<3136xi32, #tpu.memory_space<vmem>>, vector<16xi32>,
      %gather3A = tpu.vector_load_idx %arg7[%get3A_61] : memref<50176xf32, #tpu.memory_space<vmem>>[vector<16xi32>], vector<16xf32>,
      tpu.vector_store_idx %arg11[%add3A_60], %gather3A : memref<12544xf32, #tpu.memory_space<vmem>>[vector<16xi32>], vector<16xf32>,
      %get3A_62 = arith.index_cast %mul3A_50 : i32 to index
      %get3A_63 = tpu.vector_load %arg10[%get3A_62] {strides = array<i32>} : memref<3136xi32, #tpu.memory_space<vmem>>, vector<16xi32>,
      %gather3A_64 = tpu.vector_load_idx %arg7[%get3A_63] : memref<50176xf32, #tpu.memory_space<vmem>>[vector<16xi32>], vector<16xf32>,
      tpu.vector_store_idx %arg12[%add3A_60], %gather3A_64 : memref<12544xf32, #tpu.memory_space<vmem>>[vector<16xi32>], vector<16xf32>,
      %scan3A_65 = arith.constant 0 : i32
      scf.yield %scan3A_65 : i32
    }
    %scan3A_36 = arith.constant 196 : i32
    "tpu.region"() ({
      %run_scoped3A = tpu.sem_alloc : memref<!tpu.dma_semaphore, #tpu.memory_space<semaphore_mem>>
      %dma_start3A = arith.constant 150528 : i32
      %dma_start3A_47 = tpu.memref_slice %arg2[%dma_start3A] : memref<200704xf32, #tpu.memory_space<hbm>> -> memref<50176xf32, #tpu.memory_space<hbm>>
      %dma_start3A_48 = arith.constant 150528 : i32
      %dma_start3A_49 = tpu.memref_slice %arg2[%dma_start3A_48] : memref<200704xf32, #tpu.memory_space<hbm>> -> memref<50176xf32, #tpu.memory_space<hbm>>
      tpu.enqueue_dma source(%dma_start3A_49 : memref<50176xf32, #tpu.memory_space<hbm>>) target(%arg7 : memref<50176xf32, #tpu.memory_space<vmem>>) target_semaphore(%run_scoped3A : memref<!tpu.dma_semaphore, #tpu.memory_space<semaphore_mem>>)
      %dma_wait3A = arith.constant 150528 : i32
      %dma_wait3A_50 = tpu.memref_slice %arg2[%dma_wait3A] : memref<200704xf32, #tpu.memory_space<hbm>> -> memref<50176xf32, #tpu.memory_space<hbm>>
      %dma_wait3A_51 = arith.constant 150528 : i32
      %dma_wait3A_52 = tpu.memref_slice %arg2[%dma_wait3A_51] : memref<200704xf32, #tpu.memory_space<hbm>> -> memref<50176xf32, #tpu.memory_space<hbm>>
      tpu.wait_dma2 semaphore(%run_scoped3A : memref<!tpu.dma_semaphore, #tpu.memory_space<semaphore_mem>>) src(%dma_wait3A_52 : memref<50176xf32, #tpu.memory_space<hbm>>) dst(%arg7 : memref<50176xf32, #tpu.memory_space<vmem>>)
      tpu.yield
    }) : () -> ()
    %scan3A_37 = arith.constant 0 : i32
    %scan3A_38 = arith.constant 0 : i32
    %scan3A_39 = arith.constant 196 : i32
    %scan3A_40 = arith.addi %scan3A_38, %scan3A_39 : i32
    %scan3A_41 = arith.constant 1 : i32
    %scan3A_42 = scf.for %scan3A_47 = %scan3A_38 to %scan3A_40 step %scan3A_41 iter_args(%scan3A_48 = %scan3A_37) -> (i32)  : i32 {
      %mul3A_49 = arith.constant 16 : i32
      %mul3A_50 = arith.muli %scan3A_47, %mul3A_49 : i32
      %mul3A_51 = arith.constant 4 : i32
      %mul3A_52 = arith.muli %mul3A_50, %mul3A_51 : i32
      %mul3A_53 = arith.constant 4 : i32
      %mul3A_54 = vector.broadcast %mul3A_53 : i32 to vector<16xi32>
      %mul3A_55 = arith.muli %mul3A_54, %iota3A : vector<16xi32>
      %add3A_56 = vector.broadcast %mul3A_52 : i32 to vector<16xi32>
      %add3A_57 = arith.addi %add3A_56, %mul3A_55 : vector<16xi32>
      %add3A_58 = arith.constant 3 : i32
      %add3A_59 = vector.broadcast %add3A_58 : i32 to vector<16xi32>
      %add3A_60 = arith.addi %add3A_57, %add3A_59 : vector<16xi32>
      %get3A = arith.index_cast %mul3A_50 : i32 to index
      %get3A_61 = tpu.vector_load %arg9[%get3A] {strides = array<i32>} : memref<3136xi32, #tpu.memory_space<vmem>>, vector<16xi32>,
      %gather3A = tpu.vector_load_idx %arg7[%get3A_61] : memref<50176xf32, #tpu.memory_space<vmem>>[vector<16xi32>], vector<16xf32>,
      tpu.vector_store_idx %arg11[%add3A_60], %gather3A : memref<12544xf32, #tpu.memory_space<vmem>>[vector<16xi32>], vector<16xf32>,
      %get3A_62 = arith.index_cast %mul3A_50 : i32 to index
      %get3A_63 = tpu.vector_load %arg10[%get3A_62] {strides = array<i32>} : memref<3136xi32, #tpu.memory_space<vmem>>, vector<16xi32>,
      %gather3A_64 = tpu.vector_load_idx %arg7[%get3A_63] : memref<50176xf32, #tpu.memory_space<vmem>>[vector<16xi32>], vector<16xf32>,
      tpu.vector_store_idx %arg12[%add3A_60], %gather3A_64 : memref<12544xf32, #tpu.memory_space<vmem>>[vector<16xi32>], vector<16xf32>,
      %scan3A_65 = arith.constant 0 : i32
      scf.yield %scan3A_65 : i32
    }
    %scan3A_43 = arith.constant 196 : i32
    %mul3A_44 = arith.constant 12544 : i32
    %mul3A_45 = arith.muli %add3A, %mul3A_44 : i32
    %multiple_of3A_46 = tpu.assume_multiple %mul3A_45, 16 : i32
    "tpu.region"() ({
      %run_scoped3A = tpu.sem_alloc : memref<!tpu.dma_semaphore, #tpu.memory_space<semaphore_mem>>
      %dma_start3A = tpu.memref_slice %arg5[%multiple_of3A_46] : memref<401408xf32, #tpu.memory_space<hbm>> -> memref<12544xf32, #tpu.memory_space<hbm>>
      %dma_start3A_47 = tpu.memref_slice %arg5[%multiple_of3A_46] : memref<401408xf32, #tpu.memory_space<hbm>> -> memref<12544xf32, #tpu.memory_space<hbm>>
      tpu.enqueue_dma source(%arg11 : memref<12544xf32, #tpu.memory_space<vmem>>) target(%dma_start3A_47 : memref<12544xf32, #tpu.memory_space<hbm>>) target_semaphore(%run_scoped3A : memref<!tpu.dma_semaphore, #tpu.memory_space<semaphore_mem>>)
      %dma_wait3A = tpu.memref_slice %arg5[%multiple_of3A_46] : memref<401408xf32, #tpu.memory_space<hbm>> -> memref<12544xf32, #tpu.memory_space<hbm>>
      %dma_wait3A_48 = tpu.memref_slice %arg5[%multiple_of3A_46] : memref<401408xf32, #tpu.memory_space<hbm>> -> memref<12544xf32, #tpu.memory_space<hbm>>
      tpu.wait_dma2 semaphore(%run_scoped3A : memref<!tpu.dma_semaphore, #tpu.memory_space<semaphore_mem>>) src(%arg11 : memref<12544xf32, #tpu.memory_space<vmem>>) dst(%dma_wait3A_48 : memref<12544xf32, #tpu.memory_space<hbm>>)
      tpu.yield
    }) : () -> ()
    "tpu.region"() ({
      %run_scoped3A = tpu.sem_alloc : memref<!tpu.dma_semaphore, #tpu.memory_space<semaphore_mem>>
      %dma_start3A = tpu.memref_slice %arg6[%multiple_of3A_46] : memref<401408xf32, #tpu.memory_space<hbm>> -> memref<12544xf32, #tpu.memory_space<hbm>>
      %dma_start3A_47 = tpu.memref_slice %arg6[%multiple_of3A_46] : memref<401408xf32, #tpu.memory_space<hbm>> -> memref<12544xf32, #tpu.memory_space<hbm>>
      tpu.enqueue_dma source(%arg12 : memref<12544xf32, #tpu.memory_space<vmem>>) target(%dma_start3A_47 : memref<12544xf32, #tpu.memory_space<hbm>>) target_semaphore(%run_scoped3A : memref<!tpu.dma_semaphore, #tpu.memory_space<semaphore_mem>>)
      %dma_wait3A = tpu.memref_slice %arg6[%multiple_of3A_46] : memref<401408xf32, #tpu.memory_space<hbm>> -> memref<12544xf32, #tpu.memory_space<hbm>>
      %dma_wait3A_48 = tpu.memref_slice %arg6[%multiple_of3A_46] : memref<401408xf32, #tpu.memory_space<hbm>> -> memref<12544xf32, #tpu.memory_space<hbm>>
      tpu.wait_dma2 semaphore(%run_scoped3A : memref<!tpu.dma_semaphore, #tpu.memory_space<semaphore_mem>>) src(%arg12 : memref<12544xf32, #tpu.memory_space<vmem>>) dst(%dma_wait3A_48 : memref<12544xf32, #tpu.memory_space<hbm>>)
      tpu.yield
    }) : () -> ()
    return
  }
}

</mosaic_0001>

<sc_bundles>
// kernel: kernel.4.cloned.1.call-start
scs
__scs_entry_jumppad:
0x0: {  	(pc) =	sbr.rel $0x88, $3  }
0x1: {  	(tag) =	ssettag $0x0;
	lr =	simm.s32 $0x1  }
0x2: {  	[smem:$0x3F9B] =	sst lr;
	_ =	strace $0xD0000000  }
0x3: {  	_ = 	snop  }
0x4: {  	_ = 	snop  }
0x5: {  	_ = 	snop  }
0x6: {  	_ = 	snop  }
0x7: {  	_ = 	snop  }
__scs_overlays_trampoline_lowered:
0x8: {  	[smem:$0x3FAA] =	sst s0  }
0x9: {  	[smem:$0x3FAB] =	sst s1  }
0xa: {  	[smem:$0x3FAC] =	sst s2  }
0xb: {  	[smem:$0x3FAD] =	sst s3  }
0xc: {  	[smem:$0x3FAE] =	sst s4  }
0xd: {  	[smem:$0x3FAF] =	sst s5  }
0xe: {  	[smem:$0x3FB0] =	sst s6  }
0xf: {  	[smem:$0x3FB1] =	sst s7  }
0x10: {  	[smem:$0x3FB2] =	sst s8  }
0x11: {  	[smem:$0x3FB3] =	sst s9;
	s0 =	simm.s32 @!p0 $0x0  }
0x12: {  	s1 =	sld [smem:$0x3F99];
	s0 =	simm.s32 @p0 $0x1  }
0x13: {  	[smem:$0x3FB4] =	sst s0;
	s0 =	simm.s32 @!p1 $0x0  }
0x14: {  	s2 =	sld [smem:$0x3F98];
	s0 =	simm.s32 @p1 $0x1  }
0x15: {  	[smem:$0x3FB5] =	sst s0;
	s0 =	simm.s32 @!p2 $0x0  }
0x16: {  	s3 =	sld [smem:$0x3FDB];
	s0 =	simm.s32 @p2 $0x1  }
0x17: {  	s4 =	simm.s32 $0x1BF5;
	[smem:$0x3FB7] =	sst s0  }
0x18: {  	s0 =	sld [smem:$0x3F9A];
	_ =	swait.ge [sflag:s4], $0x0  }
0x19: {  	s7 =	sld [smem:$0x3F9B]  }
0x1a: {  	s8 =	sadd.s32 $0xFFFFE003, lr  }
0x1b: {  	s9 =	sadd.s32 $0xFFFFFEF7, lr;
	s5 =	simm.s32 $0xFFFFFFFF;
	p2 =	slt.u32 s8, $0xFFFFF086  }
0x1c: {  	p1 =	slt.u32 s9, $0xF7A;
	s5 =	simm.s32 @!p2 $0x0  }
0x1d: {  	s5 =	simm.s32 @p1 $0x1;
	p0 =	seq.s32 s7, s2  }
0x1e: {  	s7 =	smul.u32 @!p0 $0xF7A, s2;
	p2 =	seq.s32 @!p0 s5, $0x0  }
0x1f: {  	s9 =	smul.u32 $0xF7A, s1;
	s8 =	simm.s32 @!p0 $0x1BF5;
	p2 =	por !p2, p0  }
0x20: {  	[sflag:s8] =	ssyncset.s32 @!p0 $0xFFFFF086;
	s6 =	sadd.s32 @!p0 s3, s7;
	s7 =	simm.s32 @!p0 $0x108  }
0x21: {  	s3 =	sadd.s32 s3, s9;
	s6 =	sadd.s32 @!p0 $0x88, s6;
	s7 =	simm.s32 @p2 $0x1082  }
0x22: {  	[simem:s7], [sflag:s8] =	dma.local @!p0 [hbm:s6], $0xF7A  }
0x23: {  	s9 =	sor.u32 $0xD0000000, s2;
	s6 =	simm.s32 $0x108;
	_ =	swait.ge @!p0 [sflag:s8], $0x0  }
0x24: {  	s3 =	sadd.s32 $0x88, s3;
	s6 =	simm.s32 @!p1 $0x1082;
	[sflag:s4] =	ssyncset.s32 $0xFFFFF086  }
0x25: {  	[simem:s6], [sflag:s4] =	dma.local [hbm:s3], $0xF7A  }
0x26: {  	[smem:$0x3F9B] =	sst s1;
	(tag) =	ssettag s2;
	_ =	strace s9  }
0x27: {  	s1 =	sld [smem:$0x3FAB]  }
0x28: {  	s2 =	sld [smem:$0x3FAC]  }
0x29: {  	s4 =	sld [smem:$0x3FAE]  }
0x2a: {  	p0 =	seq.s32 s5, $0x0;
	s5 =	sld [smem:$0x3FAF]  }
0x2b: {  	s6 =	sld [smem:$0x3FB0]  }
0x2c: {  	s7 =	sld [smem:$0x3FB1]  }
0x2d: {  	s3 =	simm.s32 $0x108;
	s8 =	sld [smem:$0x3FB2]  }
0x2e: {  	s3 =	simm.s32 @!p0 $0x1082;
	s9 =	sld [smem:$0x3FB3]  }
0x2f: {  	lr =	sadd.s32 s0, s3;
	s0 =	sld [smem:$0x3FAA]  }
0x30: {  	s3 =	sld [smem:$0x3FAD]  }
0x31: {  	[smem:$0x3FB6] =	sst s10  }
0x32: {  	s10 =	sld [smem:$0x3FB4];
	_ =	sdelay $0x3  }
0x33: {  	p0 =	seq.s32 s10, $0x1;
	s10 =	sld [smem:$0x3FB6];
	_ =	sdelay $0x3  }
0x34: {  	[smem:$0x3FB6] =	sst s10  }
0x35: {  	s10 =	sld [smem:$0x3FB5];
	_ =	sdelay $0x3  }
0x36: {  	p1 =	seq.s32 s10, $0x1;
	s10 =	sld [smem:$0x3FB6];
	_ =	sdelay $0x3  }
0x37: {  	[smem:$0x3FB6] =	sst s10  }
0x38: {  	s10 =	sld [smem:$0x3FB7]  }
0x39: {  	_ = 	snop;
	(pc) =	sbr.ind lr, $3  }
0x3a: {  	_ = 	snop  }
0x3b: {  	_ = 	snop  }
0x3c: {  	p2 =	seq.s32 s10, $0x1;
	s10 =	sld [smem:$0x3FB6]  }
0x3d: {  	_ =	shalt  }
0x3e: {  	_ =	shalt  }
0x3f: {  	_ =	shalt  }
0x40: {  	_ =	shalt  }
0x41: {  	_ =	shalt  }
0x42: {  	_ =	shalt  }
0x43: {  	_ =	shalt  }
0x44: {  	_ =	shalt  }
0x45: {  	_ =	shalt  }
0x46: {  	_ =	shalt  }
0x47: {  	_ =	shalt  }
0x48: {  	_ =	shalt  }
0x49: {  	_ =	shalt  }
0x4a: {  	_ =	shalt  }
0x4b: {  	_ =	shalt  }
0x4c: {  	_ =	shalt  }
0x4d: {  	_ =	shalt  }
0x4e: {  	_ =	shalt  }
0x4f: {  	_ =	shalt  }
0x50: {  	_ =	shalt  }
0x51: {  	_ =	shalt  }
0x52: {  	_ =	shalt  }
0x53: {  	_ =	shalt  }
0x54: {  	_ =	shalt  }
0x55: {  	_ =	shalt  }
0x56: {  	_ =	shalt  }
0x57: {  	_ =	shalt  }
0x58: {  	_ =	shalt  }
0x59: {  	_ =	shalt  }
0x5a: {  	_ =	shalt  }
0x5b: {  	_ =	shalt  }
0x5c: {  	_ =	shalt  }
0x5d: {  	_ =	shalt  }
0x5e: {  	_ =	shalt  }
0x5f: {  	_ =	shalt  }
0x60: {  	_ =	shalt  }
0x61: {  	_ =	shalt  }
0x62: {  	_ =	shalt  }
0x63: {  	_ =	shalt  }
0x64: {  	_ =	shalt  }
0x65: {  	_ =	shalt  }
0x66: {  	_ =	shalt  }
0x67: {  	_ =	shalt  }
0x68: {  	_ =	shalt  }
0x69: {  	_ =	shalt  }
0x6a: {  	_ =	shalt  }
0x6b: {  	_ =	shalt  }
0x6c: {  	_ =	shalt  }
0x6d: {  	_ =	shalt  }
0x6e: {  	_ =	shalt  }
0x6f: {  	_ =	shalt  }
0x70: {  	_ =	shalt  }
0x71: {  	_ =	shalt  }
0x72: {  	_ =	shalt  }
0x73: {  	_ =	shalt  }
0x74: {  	_ =	shalt  }
0x75: {  	_ =	shalt  }
0x76: {  	_ =	shalt  }
0x77: {  	_ =	shalt  }
0x78: {  	_ =	shalt  }
0x79: {  	_ =	shalt  }
0x7a: {  	_ =	shalt  }
0x7b: {  	_ =	shalt  }
0x7c: {  	_ =	shalt  }
0x7d: {  	_ =	shalt  }
0x7e: {  	_ =	shalt  }
0x7f: {  	_ =	shalt  }
0x80: {  	_ =	shalt  }
0x81: {  	_ =	shalt  }
0x82: {  	_ =	shalt  }
0x83: {  	_ =	shalt  }
0x84: {  	_ =	shalt  }
0x85: {  	_ =	shalt  }
0x86: {  	_ =	shalt  }
0x87: {  	_ =	shalt  }
.Lfunc_end0:
.L_simem_size_0:
called_computation_lowered:
.L_overlay_start_0:
0x88: {  	s2 =	sld [smem:$0x3FD9]  }
0x89: {  	s3 =	sld [smem:$0x3FFE];
	_ =	sdelay $0x1  }
0x8a: {  	s1 =	srdreg.scid  }
0x8b: {  	s0 =	sand.u32 $0x1, s1  }
0x8c: {  	s14 =	sshll.u32 s0, $0xA;
	s2 =	sadd.s32 s3, s2  }
0x8d: {  	s2 =	sadd.s32 s2, s14  }
0x8e: {  	[smem:$0x3FC2] =	sst s2  }
0x8f: {  	_ = 	snop  }
0x90: {  	s2 =	sld [smem:$0x3FD0]  }
0x91: {  	s15 =	sld [smem:$0x3FC9]  }
0x92: {  	s4 =	sld [smem:$0x3FC8]  }
0x93: {  	s6 =	simm.s32 $0xA;
	s7 =	simm.s32 $0x10;
	s5 =	sld [smem:$0x3FC7]  }
0x94: {  	[smem:s7], [sflag:s6] =	dma.local [hbm:s2], $0x1  }
0x95: {  	_ =	swait.eq [sflag:s6], $0x1  }
0x96: {  	s16 =	sld [smem:$0x10];
	[sflag:s6] =	ssyncset.done $0x0  }
0x97: {  	s17 =	sld [smem:$0x11];
	[sflag:s6] =	ssyncadd.s32 $0xFFFFFFFF  }
0x98: {  	s18 =	sld [smem:$0x12];
	(tm) =	ssettm $0x1  }
0x99: {  	s8 =	sld [smem:$0x3FFB];
	_ =	sdelay $0x3  }
0x9a: {  	_ =	strace s8  }
0x9b: {  	s8 =	sld [smem:$0x3FFC];
	_ =	sdelay $0x3  }
0x9c: {  	_ =	strace s8  }
0x9d: {  	s8 =	sld [smem:$0x3FFD];
	_ =	sdelay $0x3  }
0x9e: {  	_ =	strace s8  }
0x9f: {  	_ =	strace $0x8FFFFFFF  }
0xa0: {  	s19 =	sld [smem:$0x3FDB];
	_ =	sdelay $0x1  }
0xa1: {  	s9 =	simm.s32 $_scs_section_size  }
0xa2: {  	s10 =	simm.s32 $_size__tile_overlayer_lowered;
	s11 =	simm.s32 $_tile_overlayer_lowered  }
0xa3: {  	s22 =	simm.s32 $0x1BFF;
	s21 =	sshll.u32 s11, $0x1;
	s8 =	sadd.s32 s9, s19  }
0xa4: {  	s12 =	simm.s32 $0x0;
	s20 =	sshll.u32 s10, $0x1;
	s10 =	sadd.s32 s21, s8  }
0xa5: {  	[timem:s12], [sflag:s22] =	dma.local [hbm:s10], s20  }
0xa6: {  	_ =	swait.ge [sflag:s22], s20  }
0xa7: {  	s9 =	ssub.s32 $0x0, s20;
	[sflag:s22] =	ssyncset.done $0x0  }
0xa8: {  	[sflag:s22] =	ssyncadd.s32 s9;
	_ =	sdelay $0x1  }
0xa9: {  	s23 =	simm.s32 $0x1B8B  }
0xaa: {  	_ =	swait.ge [sflag:s23], $0x1  }
0xab: {  	[sflag:s23] =	ssyncset.done $0x0  }
0xac: {  	s25 =	simm.s32 $0x1B8E;
	s24 =	sld [smem:$0x3FFE];
	[sflag:s23] =	ssyncadd.s32 $0xFFFFFFFF  }
0xad: {  	s26 =	simm.s32 $execute0_lowered;
	[smem:$0x3FD2] =	sst s25  }
0xae: {  	s10 =	sshll.u32 s26, $0x1;
	_ =	strace $0x80000046;
	[dreg:$0x1] =	wrdreg $0xFFFFFFFF  }
0xaf: {  	s28 =	simm.s32 $_size_execute0_lowered;
	s8 =	sadd.s32 s8, s10;
	[dreg:$0x0] =	wrdreg $0x0  }
0xb0: {  	s10 =	sshll.u32 s28, $0x1;
	[dreg:$0x2] =	wrdreg s8  }
0xb1: {  	[dreg:$0x3] =	wrdreg s10  }
0xb2: {  	[dreg:$0x4] =	wrdreg $0xC0  }
0xb3: {  	_ =	task [dreg:s12], $0x5FFFF  }
0xb4: {  	[dreg:$0x1] =	wrdreg $0xFFFFFFFF  }
0xb5: {  	[dreg:$0x0] =	wrdreg $0x60  }
0xb6: {  	[dreg:$0x2] =	wrdreg s15  }
0xb7: {  	[dreg:$0x3] =	wrdreg s4  }
0xb8: {  	[dreg:$0x4] =	wrdreg s5  }
0xb9: {  	[dreg:$0x5] =	wrdreg s17  }
0xba: {  	[dreg:$0x6] =	wrdreg s16  }
0xbb: {  	[dreg:$0x7] =	wrdreg s24  }
0xbc: {  	[dreg:$0x8] =	wrdreg s18  }
0xbd: {  	[dreg:$0x9] =	wrdreg $0x9  }
0xbe: {  	_ =	task.clear_ibuf [dreg:s12], $0xAFFFF;
	_ =	strace $0x90000046  }
0xbf: {  	s29 =	simm.s32 $0x9;
	_ =	strace $0x80000048  }
0xc0: {  	_ =	swait.ge [sflag:s29], $0x1  }
0xc1: {  	[sflag:s29] =	ssyncadd.s32 $0xFFFFFFFF  }
0xc2: {  	_ =	strace $0x90000048  }
0xc3: {  	_ =	sfence  }
0xc4: {  	s30 =	sld [smem:$0x0];
	_ =	sdelay $0x2  }
0xc5: {  	s31 =	sshll.u32 s1, $0xD;
	s1 =	sshrl.u32 s1, $0x2  }
0xc6: {  	s3 =	sand.u32 $0x4000, s31;
	s1 =	sadd.s32 s1, s30  }
0xc7: {  	s0 =	sor.u32 s3, s0;
	s1 =	sshll.u32 s1, $0x11  }
0xc8: {  	s0 =	sor.u32 s1, s0  }
0xc9: {  	s0 =	sadd.s32 $0x8F2B, s0  }
0xca: {  	[sflag:s0] =	ssyncadd.remote.s32 $0x1  }
0xcb: {  	_ =	sfence.sel $0xFFFF  }
0xcc: {  	[dreg:$0x0] =	wrdreg $0xFFFFFFFF;
	(pc) =	sbr.abs _section_cstart, $3  }
0xcd: {  	[dreg:$0x1] =	wrdreg $0xFFFFFFFF  }
0xce: {  	_ =	task.clear_ibuf [dreg:s12], $0x2FFFF;
	_ =	strace $0x9FFFFFFF  }
0xcf: {  	(tm) =	ssettm $0x7FFFFFFF  }
tec
execute0_lowered:
.L_overlay_start_1:
0x0: {  	(tag) =	ssettag $0x1  }
0x1: {  	s4 =	rddreg [dreg:$0x0]  }
0x2: {  	s5 =	rddreg [dreg:$0x1]  }
0x3: {  	v3 =	vimm.s32 $0xEDCBA987;
	v2 =	vimm.f32 $0.0e+00;
	v5 =	vimm.s32 $0x65432100;
	s6 =	rddreg [dreg:$0x2]  }
0x4: {  	v4 =	vimm.f32 $-Inf;
	s7 =	rddreg [dreg:$0x3];
	vm0 =	vmxor vm0, vm0;
	v6 =	vunpack.c.l.s4.s8 v3  }
0x5: {  	vm1 =	vmmov $0x1;
	s9 =	rddreg [dreg:$0x4];
	v8 =	vimm.s32 $0xDCBA9876;
	v7 =	vunpack.c.l.s4.s8 v5  }
0x6: {  	s0 =	srdreg.scid;
	s10 =	rddreg [dreg:$0x5];
	v9 =	vimm.s32 $0x54321000;
	v10 =	vimm.s32 $0xE40000;
	v6 =	vunpack.c.0.s8.s32 v6  }
0x7: {  	s1 =	stileid.u32;
	s12 =	rddreg [dreg:$0x6];
	s8 =	simm.s32 $0x0;
	v11 =	vimm.s32 $0x32100000;
	vm2 =	vcmask $0x3F04;
	v7 =	vunpack.c.0.s8.s32 v7  }
0x8: {  	vm3 =	vcmask $0x3F08;
	s29 =	simm.s32 $0x2580;
	s31 =	simm.s32 $0x0;
	s0 =	sand.u32 $0x1, s0;
	v8 =	vunpack.c.l.s4.s8 v8;
	v6 =	vand.u32 $0xF, v6  }
0x9: {  	v12 =	vimm.s32 $0x87654321;
	s1 =	sshll.u32 s1, $0x1;
	[smem:$0x7FF] =	sst s8;
	s11 =	sadd.s32 $0x1800, s10;
	v6 =	vcombine.low v7, v6;
	v7 =	vunpack.c.l.s4.s8 v9  }
0xa: {  	v13 =	vimm.s32 $0x7060504;
	vm5 =	vcmask $0x3F30;
	s22 =	sadd.s32 $0x1600, s10;
	s1 =	sor.u32 s0, s1;
	s0 =	ssub.s32 $0x2, s0;
	v8 =	vunpack.c.0.s8.s32 v8  }
0xb: {  	v10 =	vunpack.c.l.s2.s4 v10;
	_ =	strace $0x80000047;
	s3 =	smul.u32 $0xC40, s1;
	s23 =	sshrl.u32 s0, $0x1;
	v9 =	vimm.s32 $0xBA987654;
	v7 =	vunpack.c.0.s8.s32 v7  }
0xc: {  	vm4 =	vcmask $0x3F10;
	[dreg:$0x8] =	wrdreg s11;
	s2 =	smul.u32 $0x620, s1;
	s0 =	ssub.s32 s0, s23;
	v8 =	vand.u32 $0xF, v8;
	v9 =	vunpack.c.l.s4.s8 v9  }
0xd: {  	v11 =	vunpack.c.l.s4.s8 v11;
	[dreg:$0x9] =	wrdreg s22;
	s13 =	sshrl.u32 s3, $0x3;
	s0 =	smax.u32 s0, $0x1;
	v7 =	vcombine.low v7, v8;
	v8 =	vunpack.c.l.s4.s8 v10  }
0xe: {  	vm6 =	vcmask $0x3F3C;
	v3 =	vimm.f32 $+Inf;
	s10 =	sadd.s32 s2, s10;
	s7 =	sadd.s32 s7, s13;
	[dreg:$0x11] =	wrdreg s0;
	v9 =	vunpack.c.0.s8.s32 v9  }
0xf: {  	s24 =	sshrl.u32 s2, $0x3;
	s10 =	sadd.s32 $0x1A00, s10;
	[dreg:$0xa] =	wrdreg s7;
	v10 =	vunpack.c.0.s8.s32 v11;
	v11 =	vunpack.c.0.s8.s32 v8;
	v8 =	vimm.s32 $0xFFEDCBA9  }
0x10: {  	v12 =	vunpack.c.l.s4.s8 v12;
	s22 =	simm.s32 $0x1;
	s25 =	sadd.s32 s12, s24;
	[dreg:$0xb] =	wrdreg s10;
	v9 =	vand.u32 $0xF, v9;
	v14 =	vunpack.c.l.s4.s8 v8  }
0x11: {  	v5 =	vlaneseq.u32;
	s23 =	simm.s32 $0x6A00;
	s7 =	sadd.s32 s9, s24;
	[dreg:$0xc] =	wrdreg s25;
	v8 =	vcombine.low v10, v9;
	v9 =	vunpack.c.0.s8.s32 v13  }
0x12: {  	v12 =	vunpack.c.0.s8.s32 v12;
	s11 =	sadd.s32 $0xC40, s3;
	s26 =	sadd.s32 $0x1880, s25;
	[dreg:$0xd] =	wrdreg s7;
	v10 =	vand.u32 $0x3, v11;
	v11 =	vunpack.c.0.s8.s32 v14  }
0x13: {  	v0 =	vmov s3;
	s14 =	sadd.s32 $0x620, s2;
	s28 =	sadd.s32 $0x3100, s25;
	[dreg:$0xe] =	wrdreg s26;
	v9 =	vsel vm5, v9, v10;
	v10 =	vmul.u32 $0x4, v5  }
0x14: {  	v1 =	vmov s2;
	s30 =	sadd.s32 $0x4980, s25;
	s24 =	simm.s32 $0x8A00;
	[dreg:$0xf] =	wrdreg s28;
	vm5 =	vcmask $0x3F20;
	v11 =	vcombine.low v12, v11  }
0x15: {  	s25 =	simm.s32 $0xC80;
	[dreg:$0x10] =	wrdreg s30;
	s26 =	simm.s32 $0x1900;
	v12 =	vor.u32 $0x1, v10;
	v13 =	vor.u32 $0x2, v10;
	v14 =	vor.u32 $0x3, v10  }
.LBB2_1:
0x16: {  	s0 =	rddreg [dreg:$0x8];
	s7 =	simm.s32 $0x6980  }
0x17: {  	[tilespmem:s7], [sflag:$0x1] =	stream.linear.gather [hbm4b:s0+s8], $0x80, $0x38;
	[tilespmem:$0xAA00] =	vst v63  }
0x18: {  	_ =	swait.ge [sflag:s22], $0x80  }
0x19: {  	[sflag:s22] =	ssyncset.done $0x0  }
0x1a: {  	[sflag:s22] =	ssyncadd.s32 $0xFFFFFF80  }
0x1b: {  	s10 =	simm.s32 $0x0;
	s0 =	simm.s32 $0x40;
	v15 =	vld [tilespmem:s1+$0x6980]  }
.LBB2_2:
0x1c: {  	p0 =	sne.s32 s0, $0x30C0;
	[tilespmem:s10+$0x1900] =	vst v4;
	s7 =	smov.u32 s0;
	s0 =	sadd.s32 $0x40, s0  }
.Ltmp0:
0x1d: {  	[tilespmem:s10+$0x0] =	vst v2;
	(pc) =	sbr.rel @p0 .LBB2_2-.Ltmp0, $2  }
0x1e: {  	[tilespmem:s10+$0xC80] =	vst v3;
	_ =	sdelay $0x2  }
0x1f: {  	s10 =	sshra.s32 s7, $0x2  }
0x20: {  	(v2sf) =	vpush v15, $0x0  }
0x21: {  	(v2sf) =	vpush v15, $0x1;
	_ =	sdelay $0xd  }
0x22: {  	s7 =	spop (v2sf)  }
0x23: {  	s0 =	spop (v2sf);
	s12 =	sand.u32 $0xFFFFFFF0, s7  }
0x24: {  	s9 =	ssub.s32 s0, s12  }
0x25: {  	s9 =	sadd.s32 $0x1FFF, s9  }
0x26: {  	s13 =	sand.u32 $0x1FFF, s9  }
0x27: {  	s30 =	sshra.s32 s9, $0x1F;
	p1 =	slt.s32 s9, $0x1;
	p0 =	sne.s32 s13, $0x0  }
0x28: {  	s13 =	sshrl.u32 s30, $0x13;
	p0 =	por !p1, !p0  }
0x29: {  	s9 =	sadd.s32 s13, s9;
	s13 =	simm.s32 $0x1;
	p0 =	por !p0, !p0  }
0x2a: {  	s9 =	sshra.s32 s9, $0xD;
	s13 =	simm.s32 @!p0 $0x0  }
0x2b: {  	s9 =	ssub.s32 s9, s13  }
0x2c: {  	p0 =	slt.s32 s9, $0x1  }
.Ltmp1:
0x2d: {  	_ = 	snop;
	(pc) =	sbr.rel @p0 .LBB2_4-.Ltmp1, $4  }
0x2e: {  	_ = 	snop  }
0x2f: {  	[tilespmem:s10+$0x1900] =	vst v4  }
0x30: {  	[tilespmem:s10+$0x0] =	vst v2  }
0x31: {  	[tilespmem:s10+$0xC80] =	vst v3  }
.Ltmp2:
0x32: {  	(pc) =	sbr.rel .LBB2_6-.Ltmp2, $3  }
0x33: {  	_ =	sdelay $0x1  }
0x34: {  	v15 =	vbroadcast v15, $0x1;
	s10 =	simm.s32 $0x0  }
0x35: {  	s13 =	simm.s32 $0xFFFFFFFF;
	v19 =	vimm.f32 $0.0e+00;
	v18 =	vimm.f32 $+Inf;
	v17 =	vimm.f32 $-Inf;
	s30 =	smov.u32 s12;
	s21 =	simm.s32 $0x0  }
.LBB2_11:
0x36: {  	s21 =	sadd.s32 $0x1, s21  }
0x37: {  	p0 =	sne.s32 s21, s9  }
.Ltmp3:
0x38: {  	_ = 	snop;
	(pc) =	sbr.rel @!p0 .LBB2_12-.Ltmp3, $2  }
0x39: {  	_ =	sdelay $0x2  }
0x3a: {  	s30 =	sadd.s32 $0x2000, s30  }
.LBB2_6:
0x3b: {  	s16 =	sshll.u32 s21, $0xD  }
0x3c: {  	s16 =	sadd.s32 s12, s16  }
0x3d: {  	p0 =	slt.s32 s16, $0x618800;
	s17 =	smov.u32 s16  }
0x3e: {  	s17 =	simm.s32 @!p0 $0x618800  }
0x3f: {  	s17 =	sshrl.u32 s17, $0x3  }
0x40: {  	s18 =	sadd.s32 s4, s17  }
0x41: {  	[tilespmem:s23], [sflag:$0x1] =	stream.linear.gather [hbm4b:s18+s10], $0x2000, $0x38;
	[tilespmem:$0xAA00] =	vst v63  }
0x42: {  	_ =	swait.ge [sflag:s22], $0x2000  }
0x43: {  	s19 =	smov.u32 s13;
	p1 =	sgt.s32 s7, s16;
	[sflag:s22] =	ssyncset.done $0x0  }
.Ltmp4:
0x44: {  	s17 =	sadd.s32 s5, s17;
	[sflag:s22] =	ssyncadd.s32 $0xFFFFE000;
	(pc) =	sbr.rel .LBB2_7-.Ltmp4, $4  }
0x45: {  	[tilespmem:s24], [sflag:$0x1] =	stream.linear.gather [hbm4b:s17+s10], $0x2000, $0x38;
	[tilespmem:$0xAA00] =	vst v63  }
0x46: {  	p0 =	slt.s32 s30, $0x618800;
	s17 =	smov.u32 s30;
	_ =	swait.ge [sflag:s22], $0x2000  }
0x47: {  	s16 =	smov.u32 @p1 s7;
	s17 =	simm.s32 @!p0 $0x618800;
	[sflag:s22] =	ssyncset.done $0x0  }
0x48: {  	v16 =	vmov s16;
	s18 =	simm.s32 $0x0;
	s17 =	sadd.s32 $0xF, s17;
	[sflag:s22] =	ssyncadd.s32 $0xFFFFE000  }
.LBB2_9:
0x49: {  	s15 =	ssub.s32 s19, s3  }
0x4a: {  	p2 =	sge.s32 s19, s3;
	p3 =	slt.s32 s19, s11;
	p1 =	sgt.s32 s15, $0x0  }
0x4b: {  	p6 =	por !p3, !p2;
	s15 =	simm.s32 @!p1 $0x0  }
0x4c: {  	vm7 =	vmmov vm0;
	(xrf2) =	vadd.scan.msk.f32 $0xffff, v19;
	p1 =	por !p6, !p6;
	s15 =	smin.u32 s15, $0xC3F  }
0x4d: {  	vm7 =	vmneg @p1 vm7;
	v19 =	vmov s15  }
0x4e: {  	vm8 =	vmand vm7, vm1;
	v19 =	vbroadcast v19, $0x0;
	_ =	sdelay $0x5  }
0x4f: {  	v22 =	vld.idx.msk [tilespmem:v19+s8+$0x0], vm8;
	_ =	sdelay $0x1  }
0x50: {  	v23, _, _ =	vpop (xrf2)  }
0x51: {  	v24 =	vor.u32 s20, v5;
	v23 =	vbroadcast v23, $0xF  }
0x52: {  	vm9 =	vlt.s32 v24, v15;
	vm7 =	vge.s32 v24, v16  }
0x53: {  	(xrf0) =	vmin.scan.msk.f32 $0xffff, v18;
	v49 =	vperm.xlane v20, v6;
	vm10 =	vmand vm7, vm9;
	v18 =	vadd.f32 v22, v23  }
0x54: {  	v50 =	vnsel vm10, $0x0, v21  }
0x55: {  	vm7 =	veq.s32 v49, v20;
	[tilespmem:v19+s8+$0x0] =	vst.idx.msk vm8, v18;
	v18 =	vperm.xlane v50, v6  }
0x56: {  	vm9 =	vmand vm7, vm2  }
0x57: {  	v51 =	vld.idx.msk [tilespmem:v19+s25+$0x0], vm8;
	v18 =	vnsel vm9, $0x0, v18  }
0x58: {  	v53 =	vperm.xlane v20, v7;
	v18 =	vadd.f32 v18, v50  }
0x59: {  	v54 =	vperm.xlane v20, v11;
	v52, _, _ =	vpop (xrf0)  }
0x5a: {  	(xrf0) =	vmax.scan.msk.f32 $0xffff, v17;
	vm7 =	veq.s32 v53, v20;
	v24 =	vbroadcast v52, $0xF;
	v17 =	vperm.xlane v18, v7  }
0x5b: {  	vm11 =	vmand vm7, vm3  }
0x5c: {  	vm7 =	vne.s32 v20, v54;
	v22 =	vmin.f32 v51, v24;
	v17 =	vnsel vm11, $0x0, v17  }
0x5d: {  	[tilespmem:v19+s25+$0x0] =	vst.idx.msk vm8, v22;
	v17 =	vadd.f32 v17, v18;
	v18 =	vsub.s32 v20, v0  }
0x5e: {  	v55 =	vperm.xlane v20, v8;
	vm7 =	vmor vm7, vm6;
	v22 =	vld.idx.msk [tilespmem:v19+s26+$0x0], vm8;
	vm12 =	vgt.s32 v18, $0x0  }
0x5f: {  	vm7 =	vmand vm10, vm7;
	v18 =	vnsel vm12, $0x0, v18  }
0x60: {  	v56, _, _ =	vpop (xrf0);
	vm12 =	veq.s32 v55, v20;
	v57 =	vperm.xlane v17, v8;
	v25 =	vmin.u32 v18, $0xC3F  }
0x61: {  	v58 =	vnsel vm10, $0x7F800000, v21;
	v18 =	vbroadcast v56, $0xF;
	vm12 =	vmand vm12, vm4  }
0x62: {  	v26 =	vperm.xlane v58, v6;
	v23 =	vnsel vm12, $0x0, v57  }
0x63: {  	v59 =	vperm.xlane v20, v9;
	v18 =	vmax.f32 v22, v18;
	v17 =	vadd.f32 v23, v17  }
0x64: {  	[tilespmem:v19+s26+$0x0] =	vst.idx.msk vm8, v18;
	v18 =	vmin.f32 v58, v26  }
0x65: {  	vm8 =	veq.s32 v59, v20;
	v18 =	vsel vm9, v18, v58;
	v19 =	vperm.xlane v17, v9;
	v20 =	vld.idx.msk [tilespmem:v25+s8+$0x0], vm7  }
0x66: {  	vm8 =	vmand vm8, vm5;
	v60 =	vperm.xlane v18, v7  }
0x67: {  	v19 =	vnsel vm8, $0x0, v19  }
0x68: {  	v61 =	vnsel vm10, $0xFF800000, v21;
	v17 =	vadd.f32 v19, v17;
	v19 =	vmin.f32 v18, v60  }
0x69: {  	v18 =	vsel vm11, v19, v18;
	v19 =	vperm.xlane v61, v6  }
0x6a: {  	v17 =	vadd.f32 v20, v17;
	v20 =	vperm.xlane v18, v8  }
0x6b: {  	v19 =	vmax.f32 v61, v19  }
0x6c: {  	v19 =	vsel vm9, v19, v61;
	v20 =	vmin.f32 v18, v20;
	[tilespmem:v25+s8+$0x0] =	vst.idx.msk vm7, v17  }
0x6d: {  	v17 =	vperm.xlane v19, v7;
	v18 =	vsel vm12, v20, v18;
	v20 =	vld.idx.msk [tilespmem:v25+s25+$0x0], vm7  }
0x6e: {  	v62 =	vperm.xlane v18, v9  }
0x6f: {  	v17 =	vmax.f32 v19, v17  }
0x70: {  	v17 =	vsel vm11, v17, v19;
	v19 =	vmin.f32 v18, v62  }
0x71: {  	v63 =	vperm.xlane v17, v8;
	v18 =	vsel vm8, v19, v18  }
0x72: {  	v18 =	vmin.f32 v20, v18  }
0x73: {  	v19 =	vmax.f32 v17, v63;
	[tilespmem:v25+s25+$0x0] =	vst.idx.msk vm7, v18  }
0x74: {  	v17 =	vsel vm12, v19, v17;
	v18 =	vld.idx.msk [tilespmem:v25+s26+$0x0], vm7  }
0x75: {  	v19 =	vperm.xlane v17, v9;
	_ =	sdelay $0x1  }
0x76: {  	v19 =	vmax.f32 v17, v19  }
0x77: {  	v17 =	vsel vm8, v19, v17  }
0x78: {  	v20 =	vmax.f32 v18, v17  }
0x79: {  	v19 =	vimm.f32 $0.0e+00;
	v18 =	vimm.f32 $+Inf;
	v17 =	vimm.f32 $-Inf;
	[tilespmem:v25+s26+$0x0] =	vst.idx.msk vm7, v20  }
.LBB2_10:
0x7a: {  	s18 =	sadd.s32 $0x40, s18  }
0x7b: {  	s13 =	smov.u32 @p0 s19;
	p0 =	sne.s32 s18, $0x8000  }
.Ltmp5:
0x7c: {  	_ = 	snop;
	(pc) =	sbr.rel @!p0 .LBB2_11-.Ltmp5, $2  }
0x7d: {  	_ =	sdelay $0x2  }
0x7e: {  	s17 =	sadd.s32 $0x10, s17;
	s19 =	smov.u32 s13  }
.LBB2_7:
0x7f: {  	s28 =	sshra.s32 s18, $0x2  }
0x80: {  	v20 =	vld [tilespmem:s28+$0x8A00];
	_ =	sdelay $0x4  }
0x81: {  	(v2sf) =	vpush v20, $0x0  }
0x82: {  	(v2sf) =	vpush v20, $0xF;
	_ =	sdelay $0xc  }
0x83: {  	s20 =	sadd.s32 $0xFFFFFFF1, s17  }
0x84: {  	p1 =	slt.s32 s17, s0;
	p0 =	sge.s32 s20, s16;
	s15 =	spop (v2sf)  }
0x85: {  	p0 =	por !p0, !p1;
	s13 =	spop (v2sf)  }
0x86: {  	p0 =	por !p0, !p0;
	p5 =	seq.s32 s15, s13  }
0x87: {  	p0 =	por !p0, !p5  }
0x88: {  	p6 =	seq.s32 s15, s19;
	p0 =	por !p0, !p0  }
0x89: {  	p0 =	por !p6, !p0  }
0x8a: {  	p0 =	por !p0, !p0  }
.Ltmp6:
0x8b: {  	_ = 	snop;
	(pc) =	sbr.rel @!p0 .LBB2_9-.Ltmp6, $2  }
0x8c: {  	_ =	sdelay $0x2  }
0x8d: {  	v21 =	vld [tilespmem:s28+$0x6A00]  }
.Ltmp7:
0x8e: {  	_ = 	snop;
	(pc) =	sbr.rel .LBB2_10-.Ltmp7, $2  }
0x8f: {  	_ =	sdelay $0x2  }
0x90: {  	v19 =	vadd.f32 v21, v19;
	v18 =	vmin.f32 v18, v21;
	v17 =	vmax.f32 v17, v21  }
.LBB2_4:
0x91: {  	v17 =	vimm.f32 $-Inf;
	v18 =	vimm.f32 $+Inf;
	v19 =	vimm.f32 $0.0e+00;
	s13 =	simm.s32 $0xFFFFFFFF  }
.LBB2_12:
0x92: {  	s0 =	ssub.s32 s13, s3  }
0x93: {  	p1 =	sge.s32 s13, s3;
	p2 =	slt.s32 s13, s11;
	p0 =	sgt.s32 s0, $0x0  }
0x94: {  	p6 =	por !p2, !p1;
	s0 =	simm.s32 @!p0 $0x0  }
0x95: {  	vm7 =	vmmov vm0;
	(xrf2) =	vadd.scan.msk.f32 $0xffff, v19;
	p0 =	por !p6, !p6;
	s0 =	smin.u32 s0, $0xC3F  }
0x96: {  	vm7 =	vmneg @p0 vm7;
	v15 =	vmov s0  }
0x97: {  	vm7 =	vmand vm7, vm1;
	v15 =	vbroadcast v15, $0x0;
	_ =	sdelay $0x4  }
0x98: {  	s0 =	simm.s32 $0x0  }
0x99: {  	v16 =	vld.idx.msk [tilespmem:v15+s0+$0x0], vm7;
	_ =	sdelay $0x1  }
0x9a: {  	v19, _, _ =	vpop (xrf2)  }
0x9b: {  	v19 =	vbroadcast v19, $0xF  }
0x9c: {  	(xrf0) =	vmin.scan.msk.f32 $0xffff, v18  }
0x9d: {  	v16 =	vadd.f32 v16, v19;
	_ =	sdelay $0x1  }
0x9e: {  	[tilespmem:v15+s0+$0x0] =	vst.idx.msk vm7, v16  }
0x9f: {  	v16 =	vld.idx.msk [tilespmem:v15+s25+$0x0], vm7;
	_ =	sdelay $0x1  }
0xa0: {  	v18, _, _ =	vpop (xrf0)  }
0xa1: {  	(xrf0) =	vmax.scan.msk.f32 $0xffff, v17;
	v18 =	vbroadcast v18, $0xF;
	_ =	sdelay $0x1  }
0xa2: {  	v16 =	vmin.f32 v16, v18  }
0xa3: {  	[tilespmem:v15+s25+$0x0] =	vst.idx.msk vm7, v16  }
0xa4: {  	v16 =	vld.idx.msk [tilespmem:v15+s26+$0x0], vm7;
	_ =	sdelay $0x1  }
0xa5: {  	v17, _, _ =	vpop (xrf0)  }
0xa6: {  	v17 =	vbroadcast v17, $0xF;
	_ =	sdelay $0x1  }
0xa7: {  	v16 =	vmax.f32 v16, v17  }
0xa8: {  	s7 =	rddreg [dreg:$0xa];
	s9 =	simm.s32 $0x5D00;
	[tilespmem:v15+s26+$0x0] =	vst.idx.msk vm7, v16  }
0xa9: {  	[tilespmem:s9], [sflag:$0x1] =	stream.linear.gather [hbm4b:s7+s0], $0xC40, $0x38;
	[tilespmem:$0xAA00] =	vst v63  }
0xaa: {  	_ =	swait.ge [sflag:s22], $0xC40  }
0xab: {  	[sflag:s22] =	ssyncset.done $0x0  }
0xac: {  	s9 =	simm.s32 $0x0;
	s7 =	simm.s32 $0x40;
	[sflag:s22] =	ssyncadd.s32 $0xFFFFF3C0  }
.LBB2_13:
0xad: {  	p0 =	sne.s32 s7, $0x30C0;
	v15 =	vld [tilespmem:s9+$0x5D00]  }
0xae: {  	v16 =	vld [tilespmem:s9+$0x0]  }
0xaf: {  	v17 =	vld [tilespmem:s9+$0x1900]  }
0xb0: {  	v18 =	vld [tilespmem:s9+$0xC80];
	_ =	sdelay $0x1  }
0xb1: {  	v15 =	vcvt.s32.f32 v15;
	_ =	sdelay $0x1  }
0xb2: {  	v15 =	vsub.f32 $0.0e+00, v15;
	_ =	sdelay $0x1  }
0xb3: {  	v15 =	vmul.f32 $1.442695020e+00, v15;
	_ =	sdelay $0x1  }
0xb4: {  	(erf) = vpow2.f32 v15;
	_ =	sdelay $0x3  }
0xb5: {  	v15 =	vor.u32 s0, v10  }
0xb6: {  	v19 =	vor.u32 s0, v12  }
0xb7: {  	v20 =	vor.u32 s0, v13  }
0xb8: {  	v21 =	vor.u32 s0, v14;
	s0 =	smov.u32 s7  }
.Ltmp8:
0xb9: {  	(pc) =	sbr.rel @p0 .LBB2_13-.Ltmp8, $4  }
0xba: {  	[tilespmem:v15+s29+$0x0] =	vst.idx.msk $0xffff, v16;
	v15 =	vpop (erf)  }
0xbb: {  	v15 =	vadd.f32 $-5.000000000e-01, v15;
	[tilespmem:v19+s29+$0x0] =	vst.idx.msk $0xffff, v18  }
0xbc: {  	[tilespmem:v20+s29+$0x0] =	vst.idx.msk $0xffff, v17  }
0xbd: {  	s7 =	sadd.s32 $0x40, s7;
	s9 =	sshra.s32 s0, $0x2;
	[tilespmem:v21+s29+$0x0] =	vst.idx.msk $0xffff, v15  }
0xbe: {  	v15 =	vld [tilespmem:s9+$0x5D00];
	_ =	sdelay $0x4  }
0xbf: {  	v15 =	vcvt.s32.f32 v15;
	_ =	sdelay $0x1  }
0xc0: {  	v15 =	vsub.f32 $0.0e+00, v15;
	_ =	sdelay $0x1  }
0xc1: {  	v15 =	vmul.f32 $1.442695020e+00, v15;
	_ =	sdelay $0x1  }
0xc2: {  	(erf) = vpow2.f32 v15;
	_ =	sdelay $0x3  }
0xc3: {  	v16 =	vor.u32 s0, v10;
	v15 =	vld [tilespmem:s9+$0x0]  }
0xc4: {  	v17 =	vld [tilespmem:s9+$0xC80];
	v18 =	vor.u32 s0, v12  }
0xc5: {  	v19 =	vld [tilespmem:s9+$0x1900];
	v20 =	vor.u32 s0, v13  }
0xc6: {  	v21 =	vor.u32 s0, v14;
	_ =	sdelay $0x1  }
0xc7: {  	[tilespmem:v16+s29+$0x0] =	vst.idx.msk $0xffff, v15;
	v15 =	vpop (erf)  }
0xc8: {  	[tilespmem:v18+s29+$0x0] =	vst.idx.msk $0xffff, v17;
	v15 =	vadd.f32 $-5.000000000e-01, v15  }
0xc9: {  	[tilespmem:v20+s29+$0x0] =	vst.idx.msk $0xffff, v19  }
0xca: {  	s21 =	simm.s32 $0x0;
	s7 =	rddreg [dreg:$0xb];
	[tilespmem:v21+s29+$0x0] =	vst.idx.msk $0xffff, v15  }
0xcb: {  	[hbm4b:s7+s21] =	stream.linear.scatter [tilespmem:s29], [sflag:$0x1], $0x3100, $0x38;
	[tilespmem:$0xAA00] =	vst v63  }
0xcc: {  	_ =	swait.ge [sflag:s22], $0x3100  }
0xcd: {  	[sflag:s22] =	ssyncset.done $0x0  }
0xce: {  	s30 =	simm.s32 $0x6980;
	s28 =	rddreg [dreg:$0x9];
	[sflag:s22] =	ssyncadd.s32 $0xFFFFCF00  }
0xcf: {  	[tilespmem:s30], [sflag:$0x1] =	stream.linear.gather [hbm4b:s28+s21], $0x80, $0x38;
	[tilespmem:$0xAA00] =	vst v63  }
0xd0: {  	_ =	swait.ge [sflag:s22], $0x80  }
0xd1: {  	[sflag:s22] =	ssyncset.done $0x0  }
0xd2: {  	[sflag:s22] =	ssyncadd.s32 $0xFFFFFF80  }
0xd3: {  	s0 =	simm.s32 $0x40;
	s10 =	simm.s32 $0x0;
	v15 =	vld [tilespmem:s1+$0x6980]  }
.LBB2_15:
0xd4: {  	p0 =	sne.s32 s0, $0x1840;
	[tilespmem:s10+$0x1900] =	vst v4;
	s7 =	smov.u32 s0;
	s0 =	sadd.s32 $0x40, s0  }
.Ltmp9:
0xd5: {  	[tilespmem:s10+$0x0] =	vst v2;
	(pc) =	sbr.rel @p0 .LBB2_15-.Ltmp9, $2  }
0xd6: {  	[tilespmem:s10+$0xC80] =	vst v3;
	_ =	sdelay $0x2  }
0xd7: {  	s10 =	sshra.s32 s7, $0x2  }
0xd8: {  	(v2sf) =	vpush v15, $0x0  }
0xd9: {  	(v2sf) =	vpush v15, $0x1;
	_ =	sdelay $0xd  }
0xda: {  	s7 =	spop (v2sf)  }
0xdb: {  	s0 =	spop (v2sf);
	s30 =	sand.u32 $0xFFFFFFF0, s7  }
0xdc: {  	s9 =	ssub.s32 s0, s30  }
0xdd: {  	s9 =	sadd.s32 $0x1FFF, s9  }
0xde: {  	s12 =	sand.u32 $0x1FFF, s9  }
0xdf: {  	s28 =	sshra.s32 s9, $0x1F;
	p1 =	slt.s32 s9, $0x1;
	p0 =	sne.s32 s12, $0x0  }
0xe0: {  	s12 =	sshrl.u32 s28, $0x13;
	p0 =	por !p1, !p0  }
0xe1: {  	s9 =	sadd.s32 s12, s9;
	s12 =	simm.s32 $0x1;
	p0 =	por !p0, !p0  }
0xe2: {  	s9 =	sshra.s32 s9, $0xD;
	s12 =	simm.s32 @!p0 $0x0  }
0xe3: {  	s9 =	ssub.s32 s9, s12  }
0xe4: {  	p0 =	slt.s32 s9, $0x1  }
.Ltmp10:
0xe5: {  	_ = 	snop;
	(pc) =	sbr.rel @p0 .LBB2_17-.Ltmp10, $4  }
0xe6: {  	_ = 	snop  }
0xe7: {  	[tilespmem:s10+$0x1900] =	vst v4  }
0xe8: {  	[tilespmem:s10+$0x0] =	vst v2  }
0xe9: {  	[tilespmem:s10+$0xC80] =	vst v3  }
.Ltmp11:
0xea: {  	(pc) =	sbr.rel .LBB2_19-.Ltmp11, $3  }
0xeb: {  	_ =	sdelay $0x1  }
0xec: {  	v15 =	vbroadcast v15, $0x1;
	s10 =	simm.s32 $0x0  }
0xed: {  	s13 =	simm.s32 $0xFFFFFFFF;
	v19 =	vimm.f32 $0.0e+00;
	v18 =	vimm.f32 $+Inf;
	v17 =	vimm.f32 $-Inf;
	s12 =	smov.u32 s30;
	s21 =	simm.s32 $0x0  }
.LBB2_24:
0xee: {  	s21 =	sadd.s32 $0x1, s21  }
0xef: {  	p0 =	sne.s32 s21, s9  }
.Ltmp12:
0xf0: {  	_ = 	snop;
	(pc) =	sbr.rel @!p0 .LBB2_25-.Ltmp12, $2  }
0xf1: {  	_ =	sdelay $0x2  }
0xf2: {  	s12 =	sadd.s32 $0x2000, s12  }
.LBB2_19:
0xf3: {  	s15 =	sshll.u32 s21, $0xD  }
0xf4: {  	s16 =	sadd.s32 s30, s15  }
0xf5: {  	p0 =	slt.s32 s16, $0x618800;
	s15 =	smov.u32 s16  }
0xf6: {  	s15 =	simm.s32 @!p0 $0x618800  }
0xf7: {  	s15 =	sshrl.u32 s15, $0x3  }
0xf8: {  	s17 =	sadd.s32 s4, s15  }
0xf9: {  	[tilespmem:s23], [sflag:$0x1] =	stream.linear.gather [hbm4b:s17+s10], $0x2000, $0x38;
	[tilespmem:$0xAA00] =	vst v63  }
0xfa: {  	_ =	swait.ge [sflag:s22], $0x2000  }
0xfb: {  	s18 =	simm.s32 $0x0;
	p1 =	sgt.s32 s7, s16;
	[sflag:s22] =	ssyncset.done $0x0  }
.Ltmp13:
0xfc: {  	s15 =	sadd.s32 s6, s15;
	[sflag:s22] =	ssyncadd.s32 $0xFFFFE000;
	(pc) =	sbr.rel .LBB2_20-.Ltmp13, $4  }
0xfd: {  	[tilespmem:s24], [sflag:$0x1] =	stream.linear.gather [hbm4b:s15+s10], $0x2000, $0x38;
	[tilespmem:$0xAA00] =	vst v63  }
0xfe: {  	p0 =	slt.s32 s12, $0x618800;
	s15 =	smov.u32 s12;
	_ =	swait.ge [sflag:s22], $0x2000  }
0xff: {  	s16 =	smov.u32 @p1 s7;
	s15 =	simm.s32 @!p0 $0x618800;
	[sflag:s22] =	ssyncset.done $0x0  }
0x100: {  	s19 =	smov.u32 s13;
	v16 =	vmov s16;
	s17 =	sadd.s32 $0xF, s15;
	[sflag:s22] =	ssyncadd.s32 $0xFFFFE000  }
.LBB2_22:
0x101: {  	s15 =	ssub.s32 s19, s2  }
0x102: {  	p2 =	sge.s32 s19, s2;
	p3 =	slt.s32 s19, s14;
	p1 =	sgt.s32 s15, $0x0  }
0x103: {  	p6 =	por !p3, !p2;
	s15 =	simm.s32 @!p1 $0x0  }
0x104: {  	vm7 =	vmmov vm0;
	(xrf2) =	vadd.scan.msk.f32 $0xffff, v19;
	p1 =	por !p6, !p6;
	s15 =	smin.u32 s15, $0x61F  }
0x105: {  	vm7 =	vmneg @p1 vm7;
	v19 =	vmov s15  }
0x106: {  	vm8 =	vmand vm7, vm1;
	v19 =	vbroadcast v19, $0x0;
	_ =	sdelay $0x5  }
0x107: {  	v22 =	vld.idx.msk [tilespmem:v19+s8+$0x0], vm8;
	_ =	sdelay $0x1  }
0x108: {  	v23, _, _ =	vpop (xrf2)  }
0x109: {  	v24 =	vor.u32 s20, v5;
	v23 =	vbroadcast v23, $0xF  }
0x10a: {  	vm9 =	vlt.s32 v24, v15;
	vm7 =	vge.s32 v24, v16  }
0x10b: {  	(xrf0) =	vmin.scan.msk.f32 $0xffff, v18;
	v49 =	vperm.xlane v20, v6;
	vm10 =	vmand vm7, vm9;
	v18 =	vadd.f32 v22, v23  }
0x10c: {  	v50 =	vnsel vm10, $0x0, v21  }
0x10d: {  	vm7 =	veq.s32 v49, v20;
	[tilespmem:v19+s8+$0x0] =	vst.idx.msk vm8, v18;
	v18 =	vperm.xlane v50, v6  }
0x10e: {  	vm9 =	vmand vm7, vm2  }
0x10f: {  	v51 =	vld.idx.msk [tilespmem:v19+s25+$0x0], vm8;
	v18 =	vnsel vm9, $0x0, v18  }
0x110: {  	v53 =	vperm.xlane v20, v7;
	v18 =	vadd.f32 v18, v50  }
0x111: {  	v54 =	vperm.xlane v20, v11;
	v52, _, _ =	vpop (xrf0)  }
0x112: {  	(xrf0) =	vmax.scan.msk.f32 $0xffff, v17;
	vm7 =	veq.s32 v53, v20;
	v24 =	vbroadcast v52, $0xF;
	v17 =	vperm.xlane v18, v7  }
0x113: {  	vm11 =	vmand vm7, vm3  }
0x114: {  	vm7 =	vne.s32 v20, v54;
	v22 =	vmin.f32 v51, v24;
	v17 =	vnsel vm11, $0x0, v17  }
0x115: {  	[tilespmem:v19+s25+$0x0] =	vst.idx.msk vm8, v22;
	v17 =	vadd.f32 v17, v18;
	v18 =	vsub.s32 v20, v1  }
0x116: {  	v55 =	vperm.xlane v20, v8;
	vm7 =	vmor vm7, vm6;
	v22 =	vld.idx.msk [tilespmem:v19+s26+$0x0], vm8;
	vm12 =	vgt.s32 v18, $0x0  }
0x117: {  	vm7 =	vmand vm10, vm7;
	v18 =	vnsel vm12, $0x0, v18  }
0x118: {  	v56, _, _ =	vpop (xrf0);
	vm12 =	veq.s32 v55, v20;
	v57 =	vperm.xlane v17, v8;
	v25 =	vmin.u32 v18, $0x61F  }
0x119: {  	v58 =	vnsel vm10, $0x7F800000, v21;
	v18 =	vbroadcast v56, $0xF;
	vm12 =	vmand vm12, vm4  }
0x11a: {  	v26 =	vperm.xlane v58, v6;
	v23 =	vnsel vm12, $0x0, v57  }
0x11b: {  	v59 =	vperm.xlane v20, v9;
	v18 =	vmax.f32 v22, v18;
	v17 =	vadd.f32 v23, v17  }
0x11c: {  	[tilespmem:v19+s26+$0x0] =	vst.idx.msk vm8, v18;
	v18 =	vmin.f32 v58, v26  }
0x11d: {  	vm8 =	veq.s32 v59, v20;
	v18 =	vsel vm9, v18, v58;
	v19 =	vperm.xlane v17, v9;
	v20 =	vld.idx.msk [tilespmem:v25+s8+$0x0], vm7  }
0x11e: {  	vm8 =	vmand vm8, vm5;
	v60 =	vperm.xlane v18, v7  }
0x11f: {  	v19 =	vnsel vm8, $0x0, v19  }
0x120: {  	v61 =	vnsel vm10, $0xFF800000, v21;
	v17 =	vadd.f32 v19, v17;
	v19 =	vmin.f32 v18, v60  }
0x121: {  	v18 =	vsel vm11, v19, v18;
	v19 =	vperm.xlane v61, v6  }
0x122: {  	v17 =	vadd.f32 v20, v17;
	v20 =	vperm.xlane v18, v8  }
0x123: {  	v19 =	vmax.f32 v61, v19  }
0x124: {  	v19 =	vsel vm9, v19, v61;
	v20 =	vmin.f32 v18, v20;
	[tilespmem:v25+s8+$0x0] =	vst.idx.msk vm7, v17  }
0x125: {  	v17 =	vperm.xlane v19, v7;
	v18 =	vsel vm12, v20, v18;
	v20 =	vld.idx.msk [tilespmem:v25+s25+$0x0], vm7  }
0x126: {  	v62 =	vperm.xlane v18, v9  }
0x127: {  	v17 =	vmax.f32 v19, v17  }
0x128: {  	v17 =	vsel vm11, v17, v19;
	v19 =	vmin.f32 v18, v62  }
0x129: {  	v63 =	vperm.xlane v17, v8;
	v18 =	vsel vm8, v19, v18  }
0x12a: {  	v18 =	vmin.f32 v20, v18  }
0x12b: {  	v19 =	vmax.f32 v17, v63;
	[tilespmem:v25+s25+$0x0] =	vst.idx.msk vm7, v18  }
0x12c: {  	v17 =	vsel vm12, v19, v17;
	v18 =	vld.idx.msk [tilespmem:v25+s26+$0x0], vm7  }
0x12d: {  	v19 =	vperm.xlane v17, v9;
	_ =	sdelay $0x1  }
0x12e: {  	v19 =	vmax.f32 v17, v19  }
0x12f: {  	v17 =	vsel vm8, v19, v17  }
0x130: {  	v20 =	vmax.f32 v18, v17  }
0x131: {  	v19 =	vimm.f32 $0.0e+00;
	v18 =	vimm.f32 $+Inf;
	v17 =	vimm.f32 $-Inf;
	[tilespmem:v25+s26+$0x0] =	vst.idx.msk vm7, v20  }
.LBB2_23:
0x132: {  	s18 =	sadd.s32 $0x40, s18  }
0x133: {  	s13 =	smov.u32 @p0 s19;
	p0 =	sne.s32 s18, $0x8000  }
.Ltmp14:
0x134: {  	_ = 	snop;
	(pc) =	sbr.rel @!p0 .LBB2_24-.Ltmp14, $2  }
0x135: {  	_ =	sdelay $0x2  }
0x136: {  	s17 =	sadd.s32 $0x10, s17;
	s19 =	smov.u32 s13  }
.LBB2_20:
0x137: {  	s15 =	sshra.s32 s18, $0x2  }
0x138: {  	v20 =	vld [tilespmem:s15+$0x8A00];
	_ =	sdelay $0x4  }
0x139: {  	(v2sf) =	vpush v20, $0x0  }
0x13a: {  	(v2sf) =	vpush v20, $0xF;
	_ =	sdelay $0xc  }
0x13b: {  	s20 =	sadd.s32 $0xFFFFFFF1, s17  }
0x13c: {  	p1 =	slt.s32 s17, s0;
	p0 =	sge.s32 s20, s16;
	s28 =	spop (v2sf)  }
0x13d: {  	p0 =	por !p0, !p1;
	s13 =	spop (v2sf)  }
0x13e: {  	p0 =	por !p0, !p0;
	p5 =	seq.s32 s28, s13  }
0x13f: {  	p0 =	por !p0, !p5  }
0x140: {  	p6 =	seq.s32 s28, s19;
	p0 =	por !p0, !p0  }
0x141: {  	p0 =	por !p6, !p0  }
0x142: {  	p0 =	por !p0, !p0  }
.Ltmp15:
0x143: {  	_ = 	snop;
	(pc) =	sbr.rel @!p0 .LBB2_22-.Ltmp15, $2  }
0x144: {  	_ =	sdelay $0x2  }
0x145: {  	v21 =	vld [tilespmem:s15+$0x6A00]  }
.Ltmp16:
0x146: {  	_ = 	snop;
	(pc) =	sbr.rel .LBB2_23-.Ltmp16, $2  }
0x147: {  	_ =	sdelay $0x2  }
0x148: {  	v19 =	vadd.f32 v21, v19;
	v18 =	vmin.f32 v18, v21;
	v17 =	vmax.f32 v17, v21  }
.LBB2_17:
0x149: {  	v17 =	vimm.f32 $-Inf;
	v18 =	vimm.f32 $+Inf;
	v19 =	vimm.f32 $0.0e+00;
	s13 =	simm.s32 $0xFFFFFFFF  }
.LBB2_25:
0x14a: {  	s0 =	ssub.s32 s13, s2  }
0x14b: {  	p1 =	sge.s32 s13, s2;
	p2 =	slt.s32 s13, s14;
	p0 =	sgt.s32 s0, $0x0  }
0x14c: {  	p6 =	por !p2, !p1;
	s0 =	simm.s32 @!p0 $0x0  }
0x14d: {  	vm7 =	vmmov vm0;
	(xrf2) =	vadd.scan.msk.f32 $0xffff, v19;
	p0 =	por !p6, !p6;
	s0 =	smin.u32 s0, $0x61F  }
0x14e: {  	vm7 =	vmneg @p0 vm7;
	v15 =	vmov s0  }
0x14f: {  	vm7 =	vmand vm7, vm1;
	v15 =	vbroadcast v15, $0x0;
	_ =	sdelay $0x4  }
0x150: {  	s30 =	simm.s32 $0x0  }
0x151: {  	v16 =	vld.idx.msk [tilespmem:v15+s30+$0x0], vm7;
	_ =	sdelay $0x1  }
0x152: {  	v19, _, _ =	vpop (xrf2)  }
0x153: {  	v19 =	vbroadcast v19, $0xF  }
0x154: {  	(xrf0) =	vmin.scan.msk.f32 $0xffff, v18  }
0x155: {  	v16 =	vadd.f32 v16, v19;
	_ =	sdelay $0x1  }
0x156: {  	[tilespmem:v15+s30+$0x0] =	vst.idx.msk vm7, v16  }
0x157: {  	v16 =	vld.idx.msk [tilespmem:v15+s25+$0x0], vm7;
	_ =	sdelay $0x1  }
0x158: {  	v18, _, _ =	vpop (xrf0)  }
0x159: {  	(xrf0) =	vmax.scan.msk.f32 $0xffff, v17;
	v18 =	vbroadcast v18, $0xF;
	_ =	sdelay $0x1  }
0x15a: {  	v16 =	vmin.f32 v16, v18  }
0x15b: {  	[tilespmem:v15+s25+$0x0] =	vst.idx.msk vm7, v16  }
0x15c: {  	v16 =	vld.idx.msk [tilespmem:v15+s26+$0x0], vm7;
	_ =	sdelay $0x1  }
0x15d: {  	v17, _, _ =	vpop (xrf0)  }
0x15e: {  	v17 =	vbroadcast v17, $0xF;
	_ =	sdelay $0x1  }
0x15f: {  	v16 =	vmax.f32 v16, v17  }
0x160: {  	s7 =	rddreg [dreg:$0xd];
	s9 =	simm.s32 $0x5D00;
	[tilespmem:v15+s26+$0x0] =	vst.idx.msk vm7, v16  }
0x161: {  	[tilespmem:s9], [sflag:$0x1] =	stream.linear.gather [hbm4b:s7+s30], $0x620, $0x38;
	[tilespmem:$0xAA00] =	vst v63  }
0x162: {  	_ =	swait.ge [sflag:s22], $0x620  }
0x163: {  	[sflag:s22] =	ssyncset.done $0x0  }
0x164: {  	s7 =	simm.s32 $0x0;
	[sflag:s22] =	ssyncadd.s32 $0xFFFFF9E0  }
0x165: {  	v15 =	vld [tilespmem:s7+$0x5D00];
	_ =	sdelay $0x4  }
0x166: {  	v15 =	vcvt.s32.f32 v15;
	_ =	sdelay $0x1  }
0x167: {  	v15 =	vsub.f32 $0.0e+00, v15  }
0x168: {  	s0 =	simm.s32 $0x10  }
0x169: {  	v16 =	vld [tilespmem:s0+$0x5D00];
	v15 =	vmul.f32 $1.442695020e+00, v15;
	_ =	sdelay $0x1  }
0x16a: {  	(erf) = vpow2.f32 v15;
	_ =	sdelay $0x1  }
0x16b: {  	s9 =	simm.s32 $0x20  }
0x16c: {  	v16 =	vcvt.s32.f32 v16;
	v15 =	vld [tilespmem:s9+$0x5D00];
	_ =	sdelay $0x1  }
0x16d: {  	v16 =	vsub.f32 $0.0e+00, v16;
	_ =	sdelay $0x1  }
0x16e: {  	v16 =	vmul.f32 $1.442695020e+00, v16  }
0x16f: {  	v15 =	vcvt.s32.f32 v15  }
0x170: {  	s10 =	simm.s32 $0x30;
	v18 =	vpop (erf);
	(erf) = vpow2.f32 v16  }
0x171: {  	v17 =	vsub.f32 $0.0e+00, v15;
	v15 =	vld [tilespmem:s10+$0x5D00];
	_ =	sdelay $0x2  }
0x172: {  	s12 =	simm.s32 $0x100;
	v17 =	vmul.f32 $1.442695020e+00, v17;
	v16 =	vadd.f32 $-5.000000000e-01, v18  }
.LBB2_26:
0x173: {  	p0 =	sne.s32 s12, $0x1840  }
.Ltmp17:
0x174: {  	s13 =	sshra.s32 s12, $0x2;
	s12 =	sadd.s32 $0x40, s12;
	v19 =	vcvt.s32.f32 v15;
	(erf) = vpow2.f32 v17;
	[tilespmem:s7+$0x5680] =	vst v16;
	(pc) =	sbr.rel @p0 .LBB2_26-.Ltmp17, $4  }
0x175: {  	s7 =	smov.u32 s0;
	s0 =	smov.u32 s9;
	v15 =	vld [tilespmem:s13+$0x5D00]  }
0x176: {  	s9 =	smov.u32 s10;
	s10 =	smov.u32 s13;
	v16 =	vsub.f32 $0.0e+00, v19  }
0x177: {  	v18 =	vpop (erf)  }
0x178: {  	v17 =	vmul.f32 $1.442695020e+00, v16;
	v16 =	vadd.f32 $-5.000000000e-01, v18  }
0x179: {  	_ = 	snop  }
0x17a: {  	v15 =	vcvt.s32.f32 v15;
	_ =	sdelay $0x1  }
0x17b: {  	v15 =	vsub.f32 $0.0e+00, v15;
	_ =	sdelay $0x1  }
0x17c: {  	v15 =	vmul.f32 $1.442695020e+00, v15  }
0x17d: {  	(erf) = vpow2.f32 v17  }
0x17e: {  	(erf) = vpow2.f32 v15;
	_ =	sdelay $0x6  }
0x17f: {  	v15 =	vpop (erf)  }
0x180: {  	v15 =	vadd.f32 $-5.000000000e-01, v15;
	v17 =	vpop (erf)  }
0x181: {  	[tilespmem:s7+$0x5680] =	vst v16;
	v62 =	vadd.f32 $-5.000000000e-01, v17;
	v63 =	vpop (erf)  }
0x182: {  	[tilespmem:s0+$0x5680] =	vst v15;
	v15 =	vadd.f32 $-5.000000000e-01, v63  }
0x183: {  	[tilespmem:s9+$0x5680] =	vst v62  }
0x184: {  	s18 =	rddreg [dreg:$0xc];
	[tilespmem:s10+$0x5680] =	vst v15  }
0x185: {  	[hbm4b:s18+s8] =	stream.linear.scatter [tilespmem:s8], [sflag:$0x1], $0x620, $0x38;
	[tilespmem:$0xAA00] =	vst v63  }
0x186: {  	_ =	swait.ge [sflag:s22], $0x620  }
0x187: {  	[sflag:s22] =	ssyncset.done $0x0  }
0x188: {  	s19 =	rddreg [dreg:$0xe];
	[sflag:s22] =	ssyncadd.s32 $0xFFFFF9E0  }
0x189: {  	[hbm4b:s19+s8] =	stream.linear.scatter [tilespmem:s25], [sflag:$0x1], $0x620, $0x38;
	[tilespmem:$0xAA00] =	vst v63  }
0x18a: {  	_ =	swait.ge [sflag:s22], $0x620  }
0x18b: {  	[sflag:s22] =	ssyncset.done $0x0  }
0x18c: {  	s20 =	rddreg [dreg:$0xf];
	[sflag:s22] =	ssyncadd.s32 $0xFFFFF9E0  }
0x18d: {  	[hbm4b:s20+s8] =	stream.linear.scatter [tilespmem:s26], [sflag:$0x1], $0x620, $0x38;
	[tilespmem:$0xAA00] =	vst v63  }
0x18e: {  	_ =	swait.ge [sflag:s22], $0x620  }
0x18f: {  	[sflag:s22] =	ssyncset.done $0x0  }
0x190: {  	s28 =	simm.s32 $0x5680;
	s21 =	rddreg [dreg:$0x10];
	[sflag:s22] =	ssyncadd.s32 $0xFFFFF9E0  }
0x191: {  	[hbm4b:s21+s8] =	stream.linear.scatter [tilespmem:s28], [sflag:$0x1], $0x620, $0x38;
	[tilespmem:$0xAA00] =	vst v63  }
0x192: {  	_ =	swait.ge [sflag:s22], $0x620  }
0x193: {  	s31 =	sadd.s32 $0x1, s31;
	s30 =	rddreg [dreg:$0x11]  }
0x194: {  	p0 =	sne.s32 s31, s30  }
.Ltmp18:
0x195: {  	_ = 	snop;
	(pc) =	sbr.rel @p0 .LBB2_1-.Ltmp18, $3  }
0x196: {  	_ =	sdelay $0x1  }
0x197: {  	[sflag:s22] =	ssyncset.done $0x0  }
0x198: {  	[sflag:s22] =	ssyncadd.s32 $0xFFFFF9E0  }
0x199: {  	_ =	sfence.sel $0x180000  }
0x19a: {  	[bflag:$0x0] =	sbarrier.arrive $0xFFFF  }
0x19b: {  	_ =	strace $0x90000047  }
0x19c: {  	s0 =	stileid.u32;
	[bflag:$0x2] =	sbarrier.arrive $0xFFFF  }
0x19d: {  	p0 =	sne.s32 s0, $0x0;
	s0 =	rddreg [dreg:$0x7]  }
0x19e: {  	s0 =	sadd.s32 @!p0 $0x100000, s0  }
0x19f: {  	[sflag:s0] =	ssyncadd.tile.s32 @!p0 $0x1;
	_ =	shalt  }
.Lfunc_end2:
_tile_overlayer_lowered:
.L_overlay_start_2:
0x1a0: {  	(tag) =	ssettag $0x2  }
0x1a1: {  	s0 =	rddreg [dreg:$0x0];
	s2 =	stileid.u32  }
0x1a2: {  	s1 =	rddreg [dreg:$0x1];
	p0 =	sne.s32 s2, $0x0  }
0x1a3: {  	s3 =	rddreg [dreg:$0x2];
	[bflag:$0x3] =	sbarrier.arrive $0xFFFF;
	s2 =	simm.s32 @!p0 $0x1C01  }
0x1a4: {  	[timem:s3], [sflag:s2] =	dma.local @!p0 [hbm:s0], s1  }
0x1a5: {  	s0 =	simm.s32 @!p0 $0x1  }
0x1a6: {  	_ =	swait.ge @!p0 [sflag:s0], s1  }
0x1a7: {  	s1 =	ssub.s32 @!p0 $0x0, s1;
	[sflag:s0] =	ssyncset.done @!p0 $0x0  }
0x1a8: {  	[sflag:s0] =	ssyncadd.s32 @!p0 s1  }
0x1a9: {  	[bflag:$0x3] =	sbarrier.arrive $0xFFFF  }
0x1aa: {  	_ =	shalt  }

// kernel: kernel.7.cloned.1.call-start
scs
__scs_entry_jumppad:
0x0: {  	(pc) =	sbr.rel $0x88, $3  }
0x1: {  	(tag) =	ssettag $0x0;
	lr =	simm.s32 $0x1  }
0x2: {  	[smem:$0x3F9B] =	sst lr;
	_ =	strace $0xD0000000  }
0x3: {  	_ = 	snop  }
0x4: {  	_ = 	snop  }
0x5: {  	_ = 	snop  }
0x6: {  	_ = 	snop  }
0x7: {  	_ = 	snop  }
__scs_overlays_trampoline_lowered:
0x8: {  	[smem:$0x3FAA] =	sst s0  }
0x9: {  	[smem:$0x3FAB] =	sst s1  }
0xa: {  	[smem:$0x3FAC] =	sst s2  }
0xb: {  	[smem:$0x3FAD] =	sst s3  }
0xc: {  	[smem:$0x3FAE] =	sst s4  }
0xd: {  	[smem:$0x3FAF] =	sst s5  }
0xe: {  	[smem:$0x3FB0] =	sst s6  }
0xf: {  	[smem:$0x3FB1] =	sst s7  }
0x10: {  	[smem:$0x3FB2] =	sst s8  }
0x11: {  	[smem:$0x3FB3] =	sst s9;
	s0 =	simm.s32 @!p0 $0x0  }
0x12: {  	s1 =	sld [smem:$0x3F99];
	s0 =	simm.s32 @p0 $0x1  }
0x13: {  	[smem:$0x3FB4] =	sst s0;
	s0 =	simm.s32 @!p1 $0x0  }
0x14: {  	s2 =	sld [smem:$0x3F98];
	s0 =	simm.s32 @p1 $0x1  }
0x15: {  	[smem:$0x3FB5] =	sst s0;
	s0 =	simm.s32 @!p2 $0x0  }
0x16: {  	s3 =	sld [smem:$0x3FDB];
	s0 =	simm.s32 @p2 $0x1  }
0x17: {  	s4 =	simm.s32 $0x1BF5;
	[smem:$0x3FB7] =	sst s0  }
0x18: {  	s0 =	sld [smem:$0x3F9A];
	_ =	swait.ge [sflag:s4], $0x0  }
0x19: {  	s7 =	sld [smem:$0x3F9B]  }
0x1a: {  	s8 =	sadd.s32 $0xFFFFE003, lr  }
0x1b: {  	s9 =	sadd.s32 $0xFFFFFEF7, lr;
	s5 =	simm.s32 $0xFFFFFFFF;
	p2 =	slt.u32 s8, $0xFFFFF086  }
0x1c: {  	p1 =	slt.u32 s9, $0xF7A;
	s5 =	simm.s32 @!p2 $0x0  }
0x1d: {  	s5 =	simm.s32 @p1 $0x1;
	p0 =	seq.s32 s7, s2  }
0x1e: {  	s7 =	smul.u32 @!p0 $0xF7A, s2;
	p2 =	seq.s32 @!p0 s5, $0x0  }
0x1f: {  	s9 =	smul.u32 $0xF7A, s1;
	s8 =	simm.s32 @!p0 $0x1BF5;
	p2 =	por !p2, p0  }
0x20: {  	[sflag:s8] =	ssyncset.s32 @!p0 $0xFFFFF086;
	s6 =	sadd.s32 @!p0 s3, s7;
	s7 =	simm.s32 @!p0 $0x108  }
0x21: {  	s3 =	sadd.s32 s3, s9;
	s6 =	sadd.s32 @!p0 $0x88, s6;
	s7 =	simm.s32 @p2 $0x1082  }
0x22: {  	[simem:s7], [sflag:s8] =	dma.local @!p0 [hbm:s6], $0xF7A  }
0x23: {  	s9 =	sor.u32 $0xD0000000, s2;
	s6 =	simm.s32 $0x108;
	_ =	swait.ge @!p0 [sflag:s8], $0x0  }
0x24: {  	s3 =	sadd.s32 $0x88, s3;
	s6 =	simm.s32 @!p1 $0x1082;
	[sflag:s4] =	ssyncset.s32 $0xFFFFF086  }
0x25: {  	[simem:s6], [sflag:s4] =	dma.local [hbm:s3], $0xF7A  }
0x26: {  	[smem:$0x3F9B] =	sst s1;
	(tag) =	ssettag s2;
	_ =	strace s9  }
0x27: {  	s1 =	sld [smem:$0x3FAB]  }
0x28: {  	s2 =	sld [smem:$0x3FAC]  }
0x29: {  	s4 =	sld [smem:$0x3FAE]  }
0x2a: {  	p0 =	seq.s32 s5, $0x0;
	s5 =	sld [smem:$0x3FAF]  }
0x2b: {  	s6 =	sld [smem:$0x3FB0]  }
0x2c: {  	s7 =	sld [smem:$0x3FB1]  }
0x2d: {  	s3 =	simm.s32 $0x108;
	s8 =	sld [smem:$0x3FB2]  }
0x2e: {  	s3 =	simm.s32 @!p0 $0x1082;
	s9 =	sld [smem:$0x3FB3]  }
0x2f: {  	lr =	sadd.s32 s0, s3;
	s0 =	sld [smem:$0x3FAA]  }
0x30: {  	s3 =	sld [smem:$0x3FAD]  }
0x31: {  	[smem:$0x3FB6] =	sst s10  }
0x32: {  	s10 =	sld [smem:$0x3FB4];
	_ =	sdelay $0x3  }
0x33: {  	p0 =	seq.s32 s10, $0x1;
	s10 =	sld [smem:$0x3FB6];
	_ =	sdelay $0x3  }
0x34: {  	[smem:$0x3FB6] =	sst s10  }
0x35: {  	s10 =	sld [smem:$0x3FB5];
	_ =	sdelay $0x3  }
0x36: {  	p1 =	seq.s32 s10, $0x1;
	s10 =	sld [smem:$0x3FB6];
	_ =	sdelay $0x3  }
0x37: {  	[smem:$0x3FB6] =	sst s10  }
0x38: {  	s10 =	sld [smem:$0x3FB7]  }
0x39: {  	_ = 	snop;
	(pc) =	sbr.ind lr, $3  }
0x3a: {  	_ = 	snop  }
0x3b: {  	_ = 	snop  }
0x3c: {  	p2 =	seq.s32 s10, $0x1;
	s10 =	sld [smem:$0x3FB6]  }
0x3d: {  	_ =	shalt  }
0x3e: {  	_ =	shalt  }
0x3f: {  	_ =	shalt  }
0x40: {  	_ =	shalt  }
0x41: {  	_ =	shalt  }
0x42: {  	_ =	shalt  }
0x43: {  	_ =	shalt  }
0x44: {  	_ =	shalt  }
0x45: {  	_ =	shalt  }
0x46: {  	_ =	shalt  }
0x47: {  	_ =	shalt  }
0x48: {  	_ =	shalt  }
0x49: {  	_ =	shalt  }
0x4a: {  	_ =	shalt  }
0x4b: {  	_ =	shalt  }
0x4c: {  	_ =	shalt  }
0x4d: {  	_ =	shalt  }
0x4e: {  	_ =	shalt  }
0x4f: {  	_ =	shalt  }
0x50: {  	_ =	shalt  }
0x51: {  	_ =	shalt  }
0x52: {  	_ =	shalt  }
0x53: {  	_ =	shalt  }
0x54: {  	_ =	shalt  }
0x55: {  	_ =	shalt  }
0x56: {  	_ =	shalt  }
0x57: {  	_ =	shalt  }
0x58: {  	_ =	shalt  }
0x59: {  	_ =	shalt  }
0x5a: {  	_ =	shalt  }
0x5b: {  	_ =	shalt  }
0x5c: {  	_ =	shalt  }
0x5d: {  	_ =	shalt  }
0x5e: {  	_ =	shalt  }
0x5f: {  	_ =	shalt  }
0x60: {  	_ =	shalt  }
0x61: {  	_ =	shalt  }
0x62: {  	_ =	shalt  }
0x63: {  	_ =	shalt  }
0x64: {  	_ =	shalt  }
0x65: {  	_ =	shalt  }
0x66: {  	_ =	shalt  }
0x67: {  	_ =	shalt  }
0x68: {  	_ =	shalt  }
0x69: {  	_ =	shalt  }
0x6a: {  	_ =	shalt  }
0x6b: {  	_ =	shalt  }
0x6c: {  	_ =	shalt  }
0x6d: {  	_ =	shalt  }
0x6e: {  	_ =	shalt  }
0x6f: {  	_ =	shalt  }
0x70: {  	_ =	shalt  }
0x71: {  	_ =	shalt  }
0x72: {  	_ =	shalt  }
0x73: {  	_ =	shalt  }
0x74: {  	_ =	shalt  }
0x75: {  	_ =	shalt  }
0x76: {  	_ =	shalt  }
0x77: {  	_ =	shalt  }
0x78: {  	_ =	shalt  }
0x79: {  	_ =	shalt  }
0x7a: {  	_ =	shalt  }
0x7b: {  	_ =	shalt  }
0x7c: {  	_ =	shalt  }
0x7d: {  	_ =	shalt  }
0x7e: {  	_ =	shalt  }
0x7f: {  	_ =	shalt  }
0x80: {  	_ =	shalt  }
0x81: {  	_ =	shalt  }
0x82: {  	_ =	shalt  }
0x83: {  	_ =	shalt  }
0x84: {  	_ =	shalt  }
0x85: {  	_ =	shalt  }
0x86: {  	_ =	shalt  }
0x87: {  	_ =	shalt  }
.Lfunc_end0:
.L_simem_size_0:
called_computation.1_lowered:
.L_overlay_start_0:
0x88: {  	s2 =	sld [smem:$0x3FD9]  }
0x89: {  	s3 =	sld [smem:$0x3FFE];
	_ =	sdelay $0x1  }
0x8a: {  	s1 =	srdreg.scid  }
0x8b: {  	s0 =	sand.u32 $0x1, s1  }
0x8c: {  	s14 =	sshll.u32 s0, $0xA;
	s2 =	sadd.s32 s3, s2  }
0x8d: {  	s2 =	sadd.s32 s2, s14  }
0x8e: {  	[smem:$0x3FC2] =	sst s2  }
0x8f: {  	_ = 	snop  }
0x90: {  	s2 =	sld [smem:$0x3FD0];
	_ =	sdelay $0x2  }
0x91: {  	s15 =	simm.s32 $0xA;
	s4 =	simm.s32 $0x10  }
0x92: {  	[smem:s4], [sflag:s15] =	dma.local [hbm:s2], $0x1  }
0x93: {  	_ =	swait.eq [sflag:s15], $0x1  }
0x94: {  	[sflag:s15] =	ssyncset.done $0x0  }
0x95: {  	[sflag:s15] =	ssyncadd.s32 $0xFFFFFFFF  }
0x96: {  	s16 =	sld [smem:$0x12];
	(tm) =	ssettm $0x1  }
0x97: {  	s17 =	sld [smem:$0x3FFB];
	_ =	sdelay $0x3  }
0x98: {  	_ =	strace s17  }
0x99: {  	s3 =	sld [smem:$0x3FFC];
	_ =	sdelay $0x3  }
0x9a: {  	_ =	strace s3  }
0x9b: {  	s3 =	sld [smem:$0x3FFD];
	_ =	sdelay $0x3  }
0x9c: {  	_ =	strace s3  }
0x9d: {  	_ =	strace $0x8FFFFFFF  }
0x9e: {  	s18 =	sld [smem:$0x3FDB];
	_ =	sdelay $0x1  }
0x9f: {  	s19 =	simm.s32 $_scs_section_size  }
0xa0: {  	s5 =	simm.s32 $_size__tile_overlayer_lowered;
	s6 =	simm.s32 $_tile_overlayer_lowered  }
0xa1: {  	s22 =	simm.s32 $0x1BFF;
	s21 =	sshll.u32 s6, $0x1;
	s3 =	sadd.s32 s19, s18  }
0xa2: {  	s7 =	simm.s32 $0x0;
	s20 =	sshll.u32 s5, $0x1;
	s5 =	sadd.s32 s21, s3  }
0xa3: {  	[timem:s7], [sflag:s22] =	dma.local [hbm:s5], s20  }
0xa4: {  	_ =	swait.ge [sflag:s22], s20  }
0xa5: {  	s4 =	ssub.s32 $0x0, s20;
	[sflag:s22] =	ssyncset.done $0x0  }
0xa6: {  	[sflag:s22] =	ssyncadd.s32 s4;
	_ =	sdelay $0x1  }
0xa7: {  	s23 =	simm.s32 $0x1B8B  }
0xa8: {  	_ =	swait.ge [sflag:s23], $0x1  }
0xa9: {  	[sflag:s23] =	ssyncset.done $0x0  }
0xaa: {  	s25 =	simm.s32 $0x1B8E;
	s24 =	sld [smem:$0x3FFE];
	[sflag:s23] =	ssyncadd.s32 $0xFFFFFFFF  }
0xab: {  	s26 =	simm.s32 $execute0_lowered;
	[smem:$0x3FD2] =	sst s25  }
0xac: {  	s5 =	sshll.u32 s26, $0x1;
	_ =	strace $0x80000049;
	[dreg:$0x1] =	wrdreg $0xFFFFFFFF  }
0xad: {  	s28 =	simm.s32 $_size_execute0_lowered;
	s3 =	sadd.s32 s3, s5;
	[dreg:$0x0] =	wrdreg $0x0  }
0xae: {  	s5 =	sshll.u32 s28, $0x1;
	[dreg:$0x2] =	wrdreg s3  }
0xaf: {  	[dreg:$0x3] =	wrdreg s5  }
0xb0: {  	[dreg:$0x4] =	wrdreg $0xC0  }
0xb1: {  	_ =	task [dreg:s7], $0x5FFFF  }
0xb2: {  	[dreg:$0x1] =	wrdreg $0xFFFFFFFF  }
0xb3: {  	[dreg:$0x0] =	wrdreg $0x60  }
0xb4: {  	[dreg:$0x2] =	wrdreg s16  }
0xb5: {  	[dreg:$0x3] =	wrdreg s24  }
0xb6: {  	[dreg:$0x4] =	wrdreg $0x9  }
0xb7: {  	_ =	task.clear_ibuf [dreg:s7], $0x5FFFF;
	_ =	strace $0x90000049  }
0xb8: {  	s29 =	simm.s32 $0x9;
	_ =	strace $0x8000004B  }
0xb9: {  	_ =	swait.ge [sflag:s29], $0x1  }
0xba: {  	[sflag:s29] =	ssyncadd.s32 $0xFFFFFFFF  }
0xbb: {  	_ =	strace $0x9000004B  }
0xbc: {  	_ =	sfence  }
0xbd: {  	s30 =	sld [smem:$0x0];
	_ =	sdelay $0x2  }
0xbe: {  	s31 =	sshll.u32 s1, $0xD;
	s1 =	sshrl.u32 s1, $0x2  }
0xbf: {  	s3 =	sand.u32 $0x4000, s31;
	s1 =	sadd.s32 s1, s30  }
0xc0: {  	s0 =	sor.u32 s3, s0;
	s1 =	sshll.u32 s1, $0x11  }
0xc1: {  	s0 =	sor.u32 s1, s0  }
0xc2: {  	s0 =	sadd.s32 $0x8F2B, s0  }
0xc3: {  	[sflag:s0] =	ssyncadd.remote.s32 $0x1  }
0xc4: {  	_ =	sfence.sel $0xFFFF  }
0xc5: {  	[dreg:$0x0] =	wrdreg $0xFFFFFFFF;
	(pc) =	sbr.abs _section_cstart, $3  }
0xc6: {  	[dreg:$0x1] =	wrdreg $0xFFFFFFFF  }
0xc7: {  	_ =	task.clear_ibuf [dreg:s7], $0x2FFFF;
	_ =	strace $0x9FFFFFFF  }
0xc8: {  	(tm) =	ssettm $0x7FFFFFFF  }
0xc9: {  	_ =	shalt  }
tec
execute0_lowered:
.L_overlay_start_1:
0x0: {  	(tag) =	ssettag $0x1  }
0x1: {  	s1 =	srdreg.scid;
	s2 =	rddreg [dreg:$0x0]  }
0x2: {  	s0 =	stileid.u32;
	s5 =	rddreg [dreg:$0x1]  }
0x3: {  	s3 =	simm.s32 $0x0;
	s12 =	simm.s32 $0xC400;
	s13 =	simm.s32 $0x1  }
0x4: {  	s14 =	simm.s32 $0xE980;
	s4 =	sand.u32 $0x1, s1;
	s31 =	sshll.u32 s0, $0x1  }
0x5: {  	s15 =	simm.s32 $0x11A80;
	s16 =	simm.s32 $0x0;
	s6 =	sor.u32 s4, s31  }
0x6: {  	s1 =	rddreg [dreg:$0x2];
	s4 =	ssub.s32 $0x2, s4;
	s7 =	smul.u32 $0x188, s6  }
0x7: {  	[smem:$0x7FF] =	sst s3;
	s6 =	smul.u32 $0x620, s6;
	s8 =	sshrl.u32 s4, $0x1  }
0x8: {  	v0 =	vlaneseq.u32;
	_ =	strace $0x8000004A;
	s11 =	ssub.s32 s4, s8;
	s8 =	sadd.s32 $0x4980, s2  }
0x9: {  	v0 =	vmul.u32 $0x4, v0;
	s7 =	sadd.s32 s7, s5;
	s10 =	sadd.s32 s6, s5;
	s6 =	sadd.s32 $0x1880, s2  }
0xa: {  	s11 =	smax.u32 s11, $0x1;
	s4 =	sadd.s32 $0x11000, s7;
	s5 =	sadd.s32 $0xDE00, s7  }
0xb: {  	v1 =	vor.u32 $0x1, v0;
	v2 =	vor.u32 $0x2, v0;
	v3 =	vor.u32 $0x3, v0;
	s7 =	sadd.s32 $0x3100, s2;
	s9 =	sadd.s32 $0x14200, s10;
	s10 =	sadd.s32 $0x20600, s10  }
.LBB2_1:
0xc: {  	[tilespmem:s12], [sflag:$0x1] =	stream.linear.gather [hbm4b:s4+s3], $0xC40, $0x38;
	[tilespmem:$0x14B80] =	vst v63  }
0xd: {  	_ =	swait.ge [sflag:s13], $0xC40  }
0xe: {  	[sflag:s13] =	ssyncset.done $0x0  }
0xf: {  	s17 =	simm.s32 $0x0;
	[sflag:s13] =	ssyncadd.s32 $0xFFFFF3C0  }
0x10: {  	v4 =	vld [tilespmem:s17+$0xC400];
	_ =	sdelay $0x4  }
0x11: {  	v5 =	vadd.s32 $0xFFFFFFFF, v4  }
0x12: {  	v4 =	vadd.s32 $0xC34F, v4;
	vm0 =	vlt.s32 v5, $0x0  }
0x13: {  	v4 =	vsel vm0, v4, v5  }
0x14: {  	s18 =	simm.s32 $0x10;
	vm0 =	vgt.s32 v4, $0x0  }
0x15: {  	v5 =	vnsel vm0, $0x0, v4;
	v4 =	vld [tilespmem:s18+$0xC400];
	_ =	sdelay $0x3  }
0x16: {  	s19 =	simm.s32 $0x80;
	v5 =	vmin.u32 v5, $0xC34F  }
.LBB2_2:
0x17: {  	s20 =	sshra.s32 s19, $0x2;
	p0 =	sne.s32 s19, $0x30C0;
	s19 =	sadd.s32 $0x40, s19;
	v6 =	vadd.s32 $0xFFFFFFFF, v4;
	[tilespmem:s17+$0xD080] =	vst v5  }
.Ltmp0:
0x18: {  	v5 =	vadd.s32 $0xC34F, v4;
	s17 =	smov.u32 s18;
	vm0 =	vlt.s32 v6, $0x0;
	v4 =	vld [tilespmem:s20+$0xC400];
	s18 =	smov.u32 s20;
	(pc) =	sbr.rel @p0 .LBB2_2-.Ltmp0, $4  }
0x19: {  	v5 =	vsel vm0, v5, v6  }
0x1a: {  	vm0 =	vgt.s32 v5, $0x0  }
0x1b: {  	v5 =	vnsel vm0, $0x0, v5  }
0x1c: {  	v5 =	vmin.u32 v5, $0xC34F  }
0x1d: {  	v6 =	vadd.s32 $0xFFFFFFFF, v4  }
0x1e: {  	v4 =	vadd.s32 $0xC34F, v4;
	vm0 =	vlt.s32 v6, $0x0  }
0x1f: {  	v4 =	vsel vm0, v4, v6  }
0x20: {  	vm0 =	vgt.s32 v4, $0x0  }
0x21: {  	v4 =	vnsel vm0, $0x0, v4  }
0x22: {  	[tilespmem:s17+$0xD080] =	vst v5;
	v4 =	vmin.u32 v4, $0xC34F  }
0x23: {  	s31 =	simm.s32 $0x0;
	[tilespmem:s18+$0xD080] =	vst v4  }
0x24: {  	[tilespmem:s12], [sflag:$0x1] =	stream.linear.gather [hbm4b:s5+s31], $0xC40, $0x38;
	[tilespmem:$0x14B80] =	vst v63  }
0x25: {  	_ =	swait.ge [sflag:s13], $0xC40  }
0x26: {  	[sflag:s13] =	ssyncset.done $0x0  }
0x27: {  	s17 =	simm.s32 $0x0;
	[sflag:s13] =	ssyncadd.s32 $0xFFFFF3C0  }
0x28: {  	v4 =	vld [tilespmem:s17+$0xC400];
	_ =	sdelay $0x4  }
0x29: {  	v5 =	vadd.s32 $0xFFFFFFFF, v4  }
0x2a: {  	v4 =	vadd.s32 $0xC34F, v4;
	vm15 =	vlt.s32 v5, $0x0  }
0x2b: {  	v4 =	vsel vm15, v4, v5  }
0x2c: {  	s18 =	simm.s32 $0x10;
	vm0 =	vgt.s32 v4, $0x0  }
0x2d: {  	v5 =	vnsel vm0, $0x0, v4;
	v4 =	vld [tilespmem:s18+$0xC400];
	_ =	sdelay $0x3  }
0x2e: {  	s19 =	simm.s32 $0x80;
	v5 =	vmin.u32 v5, $0xC34F  }
.LBB2_4:
0x2f: {  	s20 =	sshra.s32 s19, $0x2;
	p0 =	sne.s32 s19, $0x30C0;
	s19 =	sadd.s32 $0x40, s19;
	v6 =	vadd.s32 $0xFFFFFFFF, v4;
	[tilespmem:s17+$0xDD00] =	vst v5  }
.Ltmp1:
0x30: {  	v5 =	vadd.s32 $0xC34F, v4;
	s17 =	smov.u32 s18;
	vm0 =	vlt.s32 v6, $0x0;
	v4 =	vld [tilespmem:s20+$0xC400];
	s18 =	smov.u32 s20;
	(pc) =	sbr.rel @p0 .LBB2_4-.Ltmp1, $4  }
0x31: {  	v5 =	vsel vm0, v5, v6  }
0x32: {  	vm0 =	vgt.s32 v5, $0x0  }
0x33: {  	v5 =	vnsel vm0, $0x0, v5  }
0x34: {  	v5 =	vmin.u32 v5, $0xC34F  }
0x35: {  	v6 =	vadd.s32 $0xFFFFFFFF, v4  }
0x36: {  	v4 =	vadd.s32 $0xC34F, v4;
	vm0 =	vlt.s32 v6, $0x0  }
0x37: {  	v4 =	vsel vm0, v4, v6  }
0x38: {  	vm0 =	vgt.s32 v4, $0x0  }
0x39: {  	v4 =	vnsel vm0, $0x0, v4  }
0x3a: {  	[tilespmem:s17+$0xDD00] =	vst v5;
	v4 =	vmin.u32 v4, $0xC34F  }
0x3b: {  	s30 =	simm.s32 $0x0;
	[tilespmem:s18+$0xDD00] =	vst v4  }
0x3c: {  	[tilespmem:s30], [sflag:$0x1] =	stream.linear.gather [hbm4b:s2+s30], $0xC400, $0x38;
	[tilespmem:$0x14B80] =	vst v63  }
0x3d: {  	_ =	swait.ge [sflag:s13], $0xC400  }
0x3e: {  	[sflag:s13] =	ssyncset.done $0x0  }
0x3f: {  	s31 =	simm.s32 $0x0;
	[sflag:s13] =	ssyncadd.s32 $0xFFFF3C00  }
0x40: {  	v4 =	vld [tilespmem:s31+$0xD080];
	_ =	sdelay $0x7  }
0x41: {  	v5 =	vld.idx.msk [tilespmem:v4+s3+$0x0], $0xffff;
	v4 =	vor.u32 s30, v0;
	_ =	sdelay $0x4  }
0x42: {  	[tilespmem:v4+s14+$0x0] =	vst.idx.msk $0xffff, v5  }
0x43: {  	v5 =	vld [tilespmem:s31+$0xDD00];
	_ =	sdelay $0x7  }
0x44: {  	s17 =	simm.s32 $0x40;
	s18 =	simm.s32 $0x80;
	v5 =	vld.idx.msk [tilespmem:v5+s3+$0x0], $0xffff  }
.LBB2_6:
0x45: {  	_ =	sdelay $0x2  }
0x46: {  	p0 =	sne.s32 s18, $0x30C0  }
0x47: {  	s19 =	sshra.s32 s17, $0x2;
	s20 =	smov.u32 s18;
	s18 =	sadd.s32 $0x40, s18;
	[tilespmem:v4+s15+$0x0] =	vst.idx.msk $0xffff, v5  }
0x48: {  	v4 =	vld [tilespmem:s19+$0xD080];
	_ =	sdelay $0x7  }
0x49: {  	v5 =	vld.idx.msk [tilespmem:v4+s3+$0x0], $0xffff  }
0x4a: {  	v4 =	vor.u32 s17, v0;
	s17 =	smov.u32 s20;
	_ =	sdelay $0x4  }
0x4b: {  	[tilespmem:v4+s14+$0x0] =	vst.idx.msk $0xffff, v5  }
0x4c: {  	v5 =	vld [tilespmem:s19+$0xDD00];
	_ =	sdelay $0x3  }
.Ltmp2:
0x4d: {  	(pc) =	sbr.rel @p0 .LBB2_6-.Ltmp2, $2  }
0x4e: {  	_ =	sdelay $0x2  }
0x4f: {  	v5 =	vld.idx.msk [tilespmem:v5+s3+$0x0], $0xffff  }
0x50: {  	_ =	sdelay $0x3  }
0x51: {  	s18 =	sshra.s32 s17, $0x2;
	[tilespmem:v4+s15+$0x0] =	vst.idx.msk $0xffff, v5  }
0x52: {  	v4 =	vld [tilespmem:s18+$0xD080];
	_ =	sdelay $0x7  }
0x53: {  	v5 =	vor.u32 s17, v0;
	v4 =	vld.idx.msk [tilespmem:v4+s3+$0x0], $0xffff;
	_ =	sdelay $0x4  }
0x54: {  	[tilespmem:v5+s14+$0x0] =	vst.idx.msk $0xffff, v4  }
0x55: {  	v4 =	vld [tilespmem:s18+$0xDD00];
	_ =	sdelay $0x7  }
0x56: {  	v4 =	vld.idx.msk [tilespmem:v4+s3+$0x0], $0xffff;
	_ =	sdelay $0x4  }
0x57: {  	s30 =	simm.s32 $0x0;
	[tilespmem:v5+s15+$0x0] =	vst.idx.msk $0xffff, v4  }
0x58: {  	[tilespmem:s30], [sflag:$0x1] =	stream.linear.gather [hbm4b:s6+s30], $0xC400, $0x38;
	[tilespmem:$0x14B80] =	vst v63  }
0x59: {  	_ =	swait.ge [sflag:s13], $0xC400  }
0x5a: {  	[sflag:s13] =	ssyncset.done $0x0  }
0x5b: {  	s31 =	simm.s32 $0x0;
	[sflag:s13] =	ssyncadd.s32 $0xFFFF3C00  }
0x5c: {  	v4 =	vld [tilespmem:s31+$0xD080];
	_ =	sdelay $0x7  }
0x5d: {  	v5 =	vld.idx.msk [tilespmem:v4+s3+$0x0], $0xffff;
	v4 =	vor.u32 s30, v1;
	_ =	sdelay $0x4  }
0x5e: {  	[tilespmem:v4+s14+$0x0] =	vst.idx.msk $0xffff, v5  }
0x5f: {  	v5 =	vld [tilespmem:s31+$0xDD00];
	_ =	sdelay $0x7  }
0x60: {  	s17 =	simm.s32 $0x40;
	s18 =	simm.s32 $0x80;
	v5 =	vld.idx.msk [tilespmem:v5+s3+$0x0], $0xffff  }
.LBB2_8:
0x61: {  	_ =	sdelay $0x2  }
0x62: {  	p0 =	sne.s32 s18, $0x30C0  }
0x63: {  	s19 =	sshra.s32 s17, $0x2;
	s20 =	smov.u32 s18;
	s18 =	sadd.s32 $0x40, s18;
	[tilespmem:v4+s15+$0x0] =	vst.idx.msk $0xffff, v5  }
0x64: {  	v4 =	vld [tilespmem:s19+$0xD080];
	_ =	sdelay $0x7  }
0x65: {  	v5 =	vld.idx.msk [tilespmem:v4+s3+$0x0], $0xffff  }
0x66: {  	v4 =	vor.u32 s17, v1;
	s17 =	smov.u32 s20;
	_ =	sdelay $0x4  }
0x67: {  	[tilespmem:v4+s14+$0x0] =	vst.idx.msk $0xffff, v5  }
0x68: {  	v5 =	vld [tilespmem:s19+$0xDD00];
	_ =	sdelay $0x3  }
.Ltmp3:
0x69: {  	(pc) =	sbr.rel @p0 .LBB2_8-.Ltmp3, $2  }
0x6a: {  	_ =	sdelay $0x2  }
0x6b: {  	v5 =	vld.idx.msk [tilespmem:v5+s3+$0x0], $0xffff  }
0x6c: {  	_ =	sdelay $0x3  }
0x6d: {  	s18 =	sshra.s32 s17, $0x2;
	[tilespmem:v4+s15+$0x0] =	vst.idx.msk $0xffff, v5  }
0x6e: {  	v4 =	vld [tilespmem:s18+$0xD080];
	_ =	sdelay $0x7  }
0x6f: {  	v5 =	vor.u32 s17, v1;
	v4 =	vld.idx.msk [tilespmem:v4+s3+$0x0], $0xffff;
	_ =	sdelay $0x4  }
0x70: {  	[tilespmem:v5+s14+$0x0] =	vst.idx.msk $0xffff, v4  }
0x71: {  	v4 =	vld [tilespmem:s18+$0xDD00];
	_ =	sdelay $0x7  }
0x72: {  	v4 =	vld.idx.msk [tilespmem:v4+s3+$0x0], $0xffff;
	_ =	sdelay $0x4  }
0x73: {  	s30 =	simm.s32 $0x0;
	[tilespmem:v5+s15+$0x0] =	vst.idx.msk $0xffff, v4  }
0x74: {  	[tilespmem:s30], [sflag:$0x1] =	stream.linear.gather [hbm4b:s7+s30], $0xC400, $0x38;
	[tilespmem:$0x14B80] =	vst v63  }
0x75: {  	_ =	swait.ge [sflag:s13], $0xC400  }
0x76: {  	[sflag:s13] =	ssyncset.done $0x0  }
0x77: {  	s31 =	simm.s32 $0x0;
	[sflag:s13] =	ssyncadd.s32 $0xFFFF3C00  }
0x78: {  	v4 =	vld [tilespmem:s31+$0xD080];
	_ =	sdelay $0x7  }
0x79: {  	v5 =	vld.idx.msk [tilespmem:v4+s3+$0x0], $0xffff;
	v4 =	vor.u32 s30, v2;
	_ =	sdelay $0x4  }
0x7a: {  	[tilespmem:v4+s14+$0x0] =	vst.idx.msk $0xffff, v5  }
0x7b: {  	v5 =	vld [tilespmem:s31+$0xDD00];
	_ =	sdelay $0x7  }
0x7c: {  	s17 =	simm.s32 $0x40;
	s18 =	simm.s32 $0x80;
	v5 =	vld.idx.msk [tilespmem:v5+s3+$0x0], $0xffff  }
.LBB2_10:
0x7d: {  	_ =	sdelay $0x2  }
0x7e: {  	p0 =	sne.s32 s18, $0x30C0  }
0x7f: {  	s19 =	sshra.s32 s17, $0x2;
	s20 =	smov.u32 s18;
	s18 =	sadd.s32 $0x40, s18;
	[tilespmem:v4+s15+$0x0] =	vst.idx.msk $0xffff, v5  }
0x80: {  	v4 =	vld [tilespmem:s19+$0xD080];
	_ =	sdelay $0x7  }
0x81: {  	v5 =	vld.idx.msk [tilespmem:v4+s3+$0x0], $0xffff  }
0x82: {  	v4 =	vor.u32 s17, v2;
	s17 =	smov.u32 s20;
	_ =	sdelay $0x4  }
0x83: {  	[tilespmem:v4+s14+$0x0] =	vst.idx.msk $0xffff, v5  }
0x84: {  	v5 =	vld [tilespmem:s19+$0xDD00];
	_ =	sdelay $0x3  }
.Ltmp4:
0x85: {  	(pc) =	sbr.rel @p0 .LBB2_10-.Ltmp4, $2  }
0x86: {  	_ =	sdelay $0x2  }
0x87: {  	v5 =	vld.idx.msk [tilespmem:v5+s3+$0x0], $0xffff  }
0x88: {  	_ =	sdelay $0x3  }
0x89: {  	s18 =	sshra.s32 s17, $0x2;
	[tilespmem:v4+s15+$0x0] =	vst.idx.msk $0xffff, v5  }
0x8a: {  	v4 =	vld [tilespmem:s18+$0xD080];
	_ =	sdelay $0x7  }
0x8b: {  	v5 =	vor.u32 s17, v2;
	v4 =	vld.idx.msk [tilespmem:v4+s3+$0x0], $0xffff;
	_ =	sdelay $0x4  }
0x8c: {  	[tilespmem:v5+s14+$0x0] =	vst.idx.msk $0xffff, v4  }
0x8d: {  	v4 =	vld [tilespmem:s18+$0xDD00];
	_ =	sdelay $0x7  }
0x8e: {  	v4 =	vld.idx.msk [tilespmem:v4+s3+$0x0], $0xffff;
	_ =	sdelay $0x4  }
0x8f: {  	s30 =	simm.s32 $0x0;
	[tilespmem:v5+s15+$0x0] =	vst.idx.msk $0xffff, v4  }
0x90: {  	[tilespmem:s30], [sflag:$0x1] =	stream.linear.gather [hbm4b:s8+s30], $0xC400, $0x38;
	[tilespmem:$0x14B80] =	vst v63  }
0x91: {  	_ =	swait.ge [sflag:s13], $0xC400  }
0x92: {  	[sflag:s13] =	ssyncset.done $0x0  }
0x93: {  	s31 =	simm.s32 $0x0;
	[sflag:s13] =	ssyncadd.s32 $0xFFFF3C00  }
0x94: {  	v4 =	vld [tilespmem:s31+$0xD080];
	_ =	sdelay $0x7  }
0x95: {  	v5 =	vld.idx.msk [tilespmem:v4+s3+$0x0], $0xffff;
	v4 =	vor.u32 s30, v3;
	_ =	sdelay $0x4  }
0x96: {  	[tilespmem:v4+s14+$0x0] =	vst.idx.msk $0xffff, v5  }
0x97: {  	v5 =	vld [tilespmem:s31+$0xDD00];
	_ =	sdelay $0x7  }
0x98: {  	s17 =	simm.s32 $0x40;
	s18 =	simm.s32 $0x80;
	v5 =	vld.idx.msk [tilespmem:v5+s3+$0x0], $0xffff  }
.LBB2_12:
0x99: {  	_ =	sdelay $0x2  }
0x9a: {  	p0 =	sne.s32 s18, $0x30C0  }
0x9b: {  	s19 =	sshra.s32 s17, $0x2;
	s20 =	smov.u32 s18;
	s18 =	sadd.s32 $0x40, s18;
	[tilespmem:v4+s15+$0x0] =	vst.idx.msk $0xffff, v5  }
0x9c: {  	v4 =	vld [tilespmem:s19+$0xD080];
	_ =	sdelay $0x7  }
0x9d: {  	v5 =	vld.idx.msk [tilespmem:v4+s3+$0x0], $0xffff  }
0x9e: {  	v4 =	vor.u32 s17, v3;
	s17 =	smov.u32 s20;
	_ =	sdelay $0x4  }
0x9f: {  	[tilespmem:v4+s14+$0x0] =	vst.idx.msk $0xffff, v5  }
0xa0: {  	v5 =	vld [tilespmem:s19+$0xDD00];
	_ =	sdelay $0x3  }
.Ltmp5:
0xa1: {  	(pc) =	sbr.rel @p0 .LBB2_12-.Ltmp5, $2  }
0xa2: {  	_ =	sdelay $0x2  }
0xa3: {  	v5 =	vld.idx.msk [tilespmem:v5+s3+$0x0], $0xffff  }
0xa4: {  	_ =	sdelay $0x3  }
0xa5: {  	s18 =	sshra.s32 s17, $0x2;
	[tilespmem:v4+s15+$0x0] =	vst.idx.msk $0xffff, v5  }
0xa6: {  	v4 =	vld [tilespmem:s18+$0xD080];
	_ =	sdelay $0x7  }
0xa7: {  	v5 =	vor.u32 s17, v3;
	v4 =	vld.idx.msk [tilespmem:v4+s3+$0x0], $0xffff;
	_ =	sdelay $0x4  }
0xa8: {  	[tilespmem:v5+s14+$0x0] =	vst.idx.msk $0xffff, v4  }
0xa9: {  	v4 =	vld [tilespmem:s18+$0xDD00];
	_ =	sdelay $0x7  }
0xaa: {  	v4 =	vld.idx.msk [tilespmem:v4+s3+$0x0], $0xffff;
	_ =	sdelay $0x4  }
0xab: {  	[tilespmem:v5+s15+$0x0] =	vst.idx.msk $0xffff, v4  }
0xac: {  	[hbm4b:s9+s3] =	stream.linear.scatter [tilespmem:s14], [sflag:$0x1], $0x3100, $0x38;
	[tilespmem:$0x14B80] =	vst v63  }
0xad: {  	s16 =	sadd.s32 $0x1, s16;
	_ =	swait.ge [sflag:s13], $0x3100  }
0xae: {  	p0 =	sne.s32 s16, s11;
	[sflag:s13] =	ssyncset.done $0x0  }
.Ltmp6:
0xaf: {  	[sflag:s13] =	ssyncadd.s32 $0xFFFFCF00;
	(pc) =	sbr.rel @p0 .LBB2_1-.Ltmp6, $4  }
0xb0: {  	[hbm4b:s10+s3] =	stream.linear.scatter [tilespmem:s15], [sflag:$0x1], $0x3100, $0x38;
	[tilespmem:$0x14B80] =	vst v63  }
0xb1: {  	_ =	swait.ge [sflag:s13], $0x3100  }
0xb2: {  	[sflag:s13] =	ssyncset.done $0x0  }
0xb3: {  	[sflag:s13] =	ssyncadd.s32 $0xFFFFCF00  }
0xb4: {  	_ =	sfence.sel $0x180000  }
0xb5: {  	[bflag:$0x0] =	sbarrier.arrive $0xFFFF  }
0xb6: {  	p0 =	sne.s32 s0, $0x0;
	_ =	strace $0x9000004A  }
0xb7: {  	s0 =	sadd.s32 @!p0 $0x100000, s1;
	[bflag:$0x2] =	sbarrier.arrive $0xFFFF  }
0xb8: {  	[sflag:s0] =	ssyncadd.tile.s32 @!p0 $0x1;
	_ =	shalt  }
.Lfunc_end2:
_tile_overlayer_lowered:
.L_overlay_start_2:
0xb9: {  	(tag) =	ssettag $0x2  }
0xba: {  	s0 =	rddreg [dreg:$0x0];
	s2 =	stileid.u32  }
0xbb: {  	s1 =	rddreg [dreg:$0x1];
	p0 =	sne.s32 s2, $0x0  }
0xbc: {  	s3 =	rddreg [dreg:$0x2];
	[bflag:$0x3] =	sbarrier.arrive $0xFFFF;
	s2 =	simm.s32 @!p0 $0x1C01  }
0xbd: {  	[timem:s3], [sflag:s2] =	dma.local @!p0 [hbm:s0], s1  }
0xbe: {  	s0 =	simm.s32 @!p0 $0x1  }
0xbf: {  	_ =	swait.ge @!p0 [sflag:s0], s1  }
0xc0: {  	s1 =	ssub.s32 @!p0 $0x0, s1;
	[sflag:s0] =	ssyncset.done @!p0 $0x0  }
0xc1: {  	[sflag:s0] =	ssyncadd.s32 @!p0 s1  }
0xc2: {  	[bflag:$0x3] =	sbarrier.arrive $0xFFFF  }
0xc3: {  	_ =	shalt  }

</sc_bundles>
